<compile_context>
chip_gen: v7x
topology: tpu7x:2x2x1
jax: 0.10.2.dev20260603
libtpu: 0.0.44.dev20260713+nightly
codegen_flags: <defaults>
</compile_context>

<pallas_src>
import functools

import jax
import jax.numpy as jnp
import numpy as np
from jax import lax
from jax.experimental import pallas as pl
from jax.experimental.pallas import tpu as pltpu
from jax.experimental.pallas import tpu_sc as plsc

N = 10000
D = 128
H = 128
C = 2
E = 320000

NC = 2
NS = 16
NT = NC * NS
CH = 128
CPT = 80
BLK = 40
EP = NT * CPT * CH
NP = 10240
RPT = NP // NS
RPB = RPT // CH

_F32 = jnp.float32


def _sc_mesh():
    return plsc.VectorSubcoreMesh(
        core_axis_name="c", subcore_axis_name="s",
        num_cores=NC, num_subcores=NS)


def _make_deg():
    @functools.partial(
        pl.kernel,
        out_type=[jax.ShapeDtypeStruct((NP,), _F32),
                  jax.ShapeDtypeStruct((NP,), _F32)],
        mesh=_sc_mesh(),
        scratch_types=[
            pltpu.VMEM((CPT, CH), jnp.int32),
            pltpu.VMEM((CH,), _F32),
            pltpu.VMEM((RPT,), _F32),
            pltpu.VMEM_SHARED((NP,), _F32),
        ],
    )
    def deg_kernel(dst_hbm, out0_hbm, out1_hbm, dst_v, ones_v, deg_v, acc):
        cid = lax.axis_index("c")
        sid = lax.axis_index("s")
        wid = cid * NS + sid
        r0 = sid * RPT

        for k in range(CH // 16):
            ones_v[pl.ds(k * 16, 16)] = jnp.ones((16,), _F32)

        def zb(i, carry):
            deg_v[pl.ds(i * 16, 16)] = jnp.zeros((16,), _F32)
            return carry

        lax.fori_loop(0, RPT // 16, zb, 0)
        pltpu.sync_copy(deg_v, acc.at[pl.ds(r0, RPT)])
        pltpu.sync_copy(dst_hbm.at[wid], dst_v)
        plsc.subcore_barrier()

        def body(j, carry):
            pltpu.sync_copy(ones_v, acc.at[dst_v.at[j]], add=True)
            return carry

        lax.fori_loop(0, CPT, body, 0)
        plsc.subcore_barrier()
        pltpu.sync_copy(acc.at[pl.ds(r0, RPT)], deg_v)

        @pl.when(cid == 0)
        def _():
            pltpu.sync_copy(deg_v, out0_hbm.at[pl.ds(r0, RPT)])

        @pl.when(cid != 0)
        def _():
            pltpu.sync_copy(deg_v, out1_hbm.at[pl.ds(r0, RPT)])

    return deg_kernel


def _make_agg(F):
    @functools.partial(
        pl.kernel,
        out_type=jax.ShapeDtypeStruct((NC, NP, F), _F32),
        mesh=_sc_mesh(),
        scratch_types=[
            pltpu.VMEM((BLK, CH), jnp.int32),
            pltpu.VMEM((BLK, CH), jnp.int32),
            pltpu.VMEM((CH, F), _F32),
            pltpu.VMEM((CH, F), _F32),
            pltpu.VMEM_SHARED((NP, F), _F32),
            pltpu.SemaphoreType.DMA,
            pltpu.SemaphoreType.DMA,
        ],
    )
    def agg_kernel(y_hbm, zeros_hbm, src_hbm, dst_hbm, out_hbm,
                   src_v, dst_v, buf_a, buf_b, acc, sem_a, sem_b):
        cid = lax.axis_index("c")
        sid = lax.axis_index("s")
        wid = cid * NS + sid
        r0 = sid * RPT

        pltpu.sync_copy(zeros_hbm, buf_a)

        def ib(i, carry):
            pltpu.sync_copy(buf_a, acc.at[pl.ds(r0 + i * CH, CH)])
            return carry

        lax.fori_loop(0, RPB, ib, 0)
        plsc.subcore_barrier()

        def blk(b, carry):
            pltpu.sync_copy(src_hbm.at[wid, pl.ds(b * BLK, BLK)], src_v)
            pltpu.sync_copy(dst_hbm.at[wid, pl.ds(b * BLK, BLK)], dst_v)
            pltpu.async_copy(y_hbm.at[src_v.at[0]], buf_a, sem_a)

            def body(j, carry2):
                ca = 2 * j
                cb = 2 * j + 1
                pltpu.async_copy(y_hbm.at[src_v.at[cb]], buf_b, sem_b)
                pltpu.make_async_copy(
                    y_hbm.at[src_v.at[ca]], buf_a, sem_a).wait()
                pltpu.sync_copy(buf_a, acc.at[dst_v.at[ca]], add=True)
                nxt = lax.rem(ca + 2, BLK)
                pltpu.async_copy(y_hbm.at[src_v.at[nxt]], buf_a, sem_a)
                pltpu.make_async_copy(
                    y_hbm.at[src_v.at[cb]], buf_b, sem_b).wait()
                pltpu.sync_copy(buf_b, acc.at[dst_v.at[cb]], add=True)
                return carry2

            lax.fori_loop(0, BLK // 2, body, 0)
            pltpu.make_async_copy(y_hbm.at[src_v.at[0]], buf_a, sem_a).wait()
            return carry

        lax.fori_loop(0, CPT // BLK, blk, 0)
        plsc.subcore_barrier()

        def ob(i, carry):
            pltpu.sync_copy(acc.at[pl.ds(r0 + i * CH, CH)], buf_a)
            pltpu.sync_copy(buf_a, out_hbm.at[cid, pl.ds(r0 + i * CH, CH)])
            return carry

        lax.fori_loop(0, RPB, ob, 0)

    return agg_kernel


def _make_agg16():
    F = 16
    DEEP = 4
    LAG = 2

    @functools.partial(
        pl.kernel,
        out_type=jax.ShapeDtypeStruct((NC, NP, F), _F32),
        mesh=_sc_mesh(),
        compiler_params=pltpu.CompilerParams(use_tc_tiling_on_sc=False),
        scratch_types=[
            pltpu.VMEM((BLK, CH), jnp.int32),
            pltpu.VMEM((BLK, CH), jnp.int32),
            [pltpu.VMEM((CH, F), _F32) for _ in range(DEEP)],
            pltpu.VMEM_SHARED((NP, F), _F32),
            [pltpu.SemaphoreType.DMA for _ in range(DEEP)],
            [pltpu.SemaphoreType.DMA for _ in range(DEEP)],
        ],
    )
    def agg16_kernel(y_hbm, zeros_hbm, src_hbm, dst_hbm, out_hbm,
                     src_v, dst_v, bufs, acc, sem_g, sem_s):
        cid = lax.axis_index("c")
        sid = lax.axis_index("s")
        wid = cid * NS + sid
        r0 = sid * RPT

        pltpu.sync_copy(zeros_hbm, bufs[0])

        def ib(i, carry):
            pltpu.sync_copy(bufs[0], acc.at[pl.ds(r0 + i * CH, CH)])
            return carry

        lax.fori_loop(0, RPB, ib, 0)
        plsc.subcore_barrier()

        def blk(b, carry):
            pltpu.sync_copy(src_hbm.at[wid, pl.ds(b * BLK, BLK)], src_v)
            pltpu.sync_copy(dst_hbm.at[wid, pl.ds(b * BLK, BLK)], dst_v)
            for m in range(DEEP):
                pltpu.async_copy(y_hbm.at[src_v.at[m]], bufs[m], sem_g[m])

            def body(j, carry2):
                for m in range(DEEP):
                    c = DEEP * j + m
                    mw = (m + LAG) % DEEP

                    def refill():
                        pltpu.make_async_copy(
                            bufs[mw], acc.at[dst_v.at[0]], sem_s[mw]).wait()
                        pltpu.async_copy(
                            y_hbm.at[src_v.at[lax.rem(c + LAG, BLK)]],
                            bufs[mw], sem_g[mw])

                    if m >= LAG:
                        refill()
                    else:
                        pl.when(j >= 1)(refill)
                    pltpu.make_async_copy(
                        y_hbm.at[src_v.at[c]], bufs[m], sem_g[m]).wait()
                    pltpu.async_copy(bufs[m], acc.at[dst_v.at[c]],
                                     sem_s[m], add=True)
                return carry2

            lax.fori_loop(0, BLK // DEEP, body, 0)
            for m in range(LAG):
                pltpu.make_async_copy(
                    y_hbm.at[src_v.at[0]], bufs[m], sem_g[m]).wait()
            for m in range(LAG, DEEP):
                pltpu.make_async_copy(
                    bufs[m], acc.at[dst_v.at[0]], sem_s[m]).wait()
            return carry

        lax.fori_loop(0, CPT // BLK, blk, 0)
        plsc.subcore_barrier()

        def ob(i, carry):
            pltpu.sync_copy(acc.at[pl.ds(r0 + i * CH, CH)], bufs[0])
            pltpu.sync_copy(bufs[0], out_hbm.at[cid, pl.ds(r0 + i * CH, CH)])
            return carry

        lax.fori_loop(0, RPB, ob, 0)

    return agg16_kernel


@functools.cache
def _sc_calls():
    return _make_deg(), _make_agg(H), _make_agg16()


def _tc_prep_body(x_ref, w_ref, d0_ref, d1_ref, y_ref, dinv_ref):
    deg = d0_ref[...] + d1_ref[...] + 1.0
    dinv = lax.rsqrt(deg)
    dinv_ref[...] = dinv
    hw = jnp.dot(x_ref[...], w_ref[...], preferred_element_type=_F32)
    y_ref[0:N, :] = hw * dinv[0:N, None]
    y_ref[N:NP, :] = jnp.zeros((NP - N, H), _F32)


def _tc_prep(x, w1, d0, d1):
    return pl.pallas_call(
        _tc_prep_body,
        out_shape=[
            jax.ShapeDtypeStruct((NP, H), _F32),
            jax.ShapeDtypeStruct((NP,), _F32),
        ],
    )(x, w1, d0, d1)


def _tc_mid_body(ys_ref, a_ref, dinv_ref, b_ref, g_ref, be_ref,
                 w_ref, y_ref):
    dinv = dinv_ref[...]
    agg = ys_ref[0:N, :] + a_ref[0, 0:N, :] + a_ref[1, 0:N, :]
    t = (agg * dinv[0:N, None]) + b_ref[...]
    mu = jnp.mean(t, axis=0)
    var = jnp.mean((t - mu) ** 2, axis=0)
    hbn = (t - mu) * lax.rsqrt(var + 1e-5) * g_ref[...] + be_ref[...]
    hbn = jnp.maximum(hbn, 0.0)
    hw = jnp.dot(hbn, w_ref[...], preferred_element_type=_F32)
    y_ref[0:N, :] = hw * dinv[0:N, None]
    y_ref[N:NP, :] = jnp.zeros((NP - N, w_ref.shape[1]), _F32)


def _tc_mid(ys, a, dinv, b, g, be, w):
    fout = w.shape[1]
    return pl.pallas_call(
        _tc_mid_body,
        out_shape=jax.ShapeDtypeStruct((NP, fout), _F32),
    )(ys, a, dinv, b, g, be, w)


def _tc_last_body(ys_ref, a_ref, dinv_ref, b_ref, g_ref, be_ref, w_ref,
                  y_ref):
    dinv = dinv_ref[...]
    agg = ys_ref[0:N, :] + a_ref[0, 0:N, :] + a_ref[1, 0:N, :]
    t = (agg * dinv[0:N, None]) + b_ref[...]
    mu = jnp.mean(t, axis=0)
    var = jnp.mean((t - mu) ** 2, axis=0)
    hbn = (t - mu) * lax.rsqrt(var + 1e-5) * g_ref[...] + be_ref[...]
    hbn = jnp.maximum(hbn, 0.0)
    hw = jnp.dot(hbn, w_ref[...], preferred_element_type=_F32)
    y_ref[0:N, :] = hw * dinv[0:N, None]
    y_ref[N:NP, :] = jnp.zeros((NP - N, 16), _F32)


def _tc_last(ys, a, dinv, b, g, be, w):
    return pl.pallas_call(
        _tc_last_body,
        out_shape=jax.ShapeDtypeStruct((NP, 16), _F32),
    )(ys, a, dinv, b, g, be, w)


def _tc_fin_body(ys_ref, a_ref, dinv_ref, b_ref, out_ref):
    dinv = dinv_ref[...]
    agg = ((ys_ref[0:N, :] + a_ref[0, 0:N, :] + a_ref[1, 0:N, :])
           * dinv[0:N, None])
    out_ref[...] = agg[:, 0:C] + b_ref[...]


def _tc_fin(ys, a, dinv, b):
    return pl.pallas_call(
        _tc_fin_body,
        out_shape=jax.ShapeDtypeStruct((N, C), _F32),
    )(ys, a, dinv, b)


def kernel(x, edge_index, W1, b1, g1, be1, W2, b2, g2, be2, W3, b3):
    src = edge_index[0]
    dst = edge_index[1]
    fill = jnp.asarray(N + (np.arange(EP - E) % (NP - N)), jnp.int32)
    src_p = jnp.concatenate([src, fill]).reshape(NT, CPT, CH)
    dst_p = jnp.concatenate([dst, fill]).reshape(NT, CPT, CH)
    z128 = jnp.zeros((CH, H), _F32)
    z16 = jnp.zeros((CH, 16), _F32)
    W3p = jnp.pad(W3, ((0, 0), (0, 16 - C)))

    deg_call, agg128_call, agg16_call = _sc_calls()
    d0, d1 = deg_call(dst_p)
    y1, dinv = _tc_prep(x, W1, d0, d1)
    a = agg128_call(y1, z128, src_p, dst_p)
    y2 = _tc_mid(y1, a, dinv, b1, g1, be1, W2)
    a = agg128_call(y2, z128, src_p, dst_p)
    y3 = _tc_last(y2, a, dinv, b2, g2, be2, W3p)
    a = agg16_call(y3, z16, src_p, dst_p)
    return _tc_fin(y3, a, dinv, b3)

# --- scband reference (transcript-rebuilt; emitter-appended) ---
"""Pipeline reference for scband-fraud-gcn-1709396983810 (READ-ONLY COPY).

The authoritative reference and input builder live on the scoring server;
editing this copy changes nothing except your own understanding.
"""

import jax, jax.numpy as jnp
import numpy as np

N = 10000
E = 320000
D = 128
H = 128
C = 2


def setup_inputs(seed: int = 0) -> dict:
    key = jax.random.key(seed)
    ks = jax.random.split(key, 14)
    x = jax.random.normal(ks[0], (N, D), dtype=jnp.float32)
    edge_index = jax.random.randint(ks[1], (2, E), 0, N, dtype=jnp.int32)
    W1 = jax.random.normal(ks[2], (D, H), dtype=jnp.float32) * (1.0 / np.sqrt(D))
    b1 = jnp.zeros((H,), dtype=jnp.float32)
    g1 = jnp.ones((H,), dtype=jnp.float32)
    be1 = jnp.zeros((H,), dtype=jnp.float32)
    W2 = jax.random.normal(ks[3], (H, H), dtype=jnp.float32) * (1.0 / np.sqrt(H))
    b2 = jnp.zeros((H,), dtype=jnp.float32)
    g2 = jnp.ones((H,), dtype=jnp.float32)
    be2 = jnp.zeros((H,), dtype=jnp.float32)
    W3 = jax.random.normal(ks[4], (H, C), dtype=jnp.float32) * (1.0 / np.sqrt(H))
    b3 = jnp.zeros((C,), dtype=jnp.float32)
    return {"x": x, "edge_index": edge_index, "W1": W1, "b1": b1, "g1": g1, "be1": be1,
            "W2": W2, "b2": b2, "g2": g2, "be2": be2, "W3": W3, "b3": b3}


def _gcn_conv(h, edge_index, W, b, n):
    src = edge_index[0]
    dst = edge_index[1]
    loop = jnp.arange(n, dtype=src.dtype)
    s = jnp.concatenate([src, loop])
    d = jnp.concatenate([dst, loop])
    deg = jnp.zeros((n,), dtype=h.dtype).at[d].add(1.0)
    dinv = jnp.where(deg > 0, jax.lax.rsqrt(deg), 0.0)
    norm = dinv[s] * dinv[d]
    hw = h @ W
    msg = hw[s] * norm[:, None]
    out = jax.ops.segment_sum(msg, d, num_segments=n)
    return out + b


def _bn(h, g, be):
    mu = jnp.mean(h, axis=0)
    var = jnp.var(h, axis=0)
    return (h - mu) * jax.lax.rsqrt(var + 1e-5) * g + be


def reference(x, edge_index, W1, b1, g1, be1, W2, b2, g2, be2, W3, b3):
    n = x.shape[0]
    h = _gcn_conv(x, edge_index, W1, b1, n)
    h = jax.nn.relu(_bn(h, g1, be1))
    h = _gcn_conv(h, edge_index, W2, b2, n)
    h = jax.nn.relu(_bn(h, g2, be2))
    return _gcn_conv(h, edge_index, W3, b3, n)

if __name__ == "__main__":
    import jax
    _d = setup_inputs()
    print(jax.jit(kernel)(*tuple(_d.values())))

</pallas_src>

<mosaic_0001>
#map = affine_map<(d0, d1) -> (0, 0, 0)>
#map1 = affine_map<(d0, d1) -> (0)>
module attributes {stable_mosaic.version = 14 : i64} {
  func.func @deg_kernel(%arg0: i32, %arg1: i32, %arg2: memref<32x80x128xi32, #tpu.memory_space<hbm>>, %arg3: memref<10240xf32, #tpu.memory_space<hbm>>, %arg4: memref<10240xf32, #tpu.memory_space<hbm>>, %arg5: memref<80x128xi32, #tpu.memory_space<vmem>>, %arg6: memref<128xf32, #tpu.memory_space<vmem>>, %arg7: memref<640xf32, #tpu.memory_space<vmem>>, %arg8: memref<10240xf32, #tpu.memory_space<vmem_shared>>) attributes {dimension_semantics = [#tpu.dimension_semantics<core_parallel>, #tpu.dimension_semantics<subcore_parallel>], iteration_bounds = array<i64: 2, 16>, scalar_prefetch = 0 : i64, scratch_operands = 4 : i64, tpu.core_type = #tpu.core_type<sc_vector_subcore>, window_params = [{transform_indices = #map}, {transform_indices = #map1}, {transform_indices = #map1}]} {
    %mul3A = arith.constant 16 : i32
    %mul3A_0 = arith.muli %arg0, %mul3A : i32
    %add3A = arith.addi %mul3A_0, %arg1 : i32
    %mul3A_1 = arith.constant 640 : i32
    %mul3A_2 = arith.muli %arg1, %mul3A_1 : i32
    %broadcast_in_dim3A = arith.constant 1.000000e+00 : f32
    %broadcast_in_dim3A_3 = vector.broadcast %broadcast_in_dim3A : f32 to vector<16xf32>
    %swap3A = arith.constant 0 : index
    %swap3A_4 = tpu.vector_load %arg6[%swap3A] {strides = array<i32>} : memref<128xf32, #tpu.memory_space<vmem>>, vector<16xf32>,
    %swap3A_5 = vector.shape_cast %swap3A_4 : vector<16xf32> to vector<16xf32>
    %swap3A_6 = vector.shape_cast %broadcast_in_dim3A_3 : vector<16xf32> to vector<16xf32>
    tpu.vector_store %arg6[%swap3A], %swap3A_6 {strides = array<i32>} : memref<128xf32, #tpu.memory_space<vmem>>, vector<16xf32>,
    %broadcast_in_dim3A_7 = arith.constant 1.000000e+00 : f32
    %broadcast_in_dim3A_8 = vector.broadcast %broadcast_in_dim3A_7 : f32 to vector<16xf32>
    %swap3A_9 = arith.constant 16 : index
    %swap3A_10 = tpu.vector_load %arg6[%swap3A_9] {strides = array<i32>} : memref<128xf32, #tpu.memory_space<vmem>>, vector<16xf32>,
    %swap3A_11 = vector.shape_cast %swap3A_10 : vector<16xf32> to vector<16xf32>
    %swap3A_12 = vector.shape_cast %broadcast_in_dim3A_8 : vector<16xf32> to vector<16xf32>
    tpu.vector_store %arg6[%swap3A_9], %swap3A_12 {strides = array<i32>} : memref<128xf32, #tpu.memory_space<vmem>>, vector<16xf32>,
    %broadcast_in_dim3A_13 = arith.constant 1.000000e+00 : f32
    %broadcast_in_dim3A_14 = vector.broadcast %broadcast_in_dim3A_13 : f32 to vector<16xf32>
    %swap3A_15 = arith.constant 32 : index
    %swap3A_16 = tpu.vector_load %arg6[%swap3A_15] {strides = array<i32>} : memref<128xf32, #tpu.memory_space<vmem>>, vector<16xf32>,
    %swap3A_17 = vector.shape_cast %swap3A_16 : vector<16xf32> to vector<16xf32>
    %swap3A_18 = vector.shape_cast %broadcast_in_dim3A_14 : vector<16xf32> to vector<16xf32>
    tpu.vector_store %arg6[%swap3A_15], %swap3A_18 {strides = array<i32>} : memref<128xf32, #tpu.memory_space<vmem>>, vector<16xf32>,
    %broadcast_in_dim3A_19 = arith.constant 1.000000e+00 : f32
    %broadcast_in_dim3A_20 = vector.broadcast %broadcast_in_dim3A_19 : f32 to vector<16xf32>
    %swap3A_21 = arith.constant 48 : index
    %swap3A_22 = tpu.vector_load %arg6[%swap3A_21] {strides = array<i32>} : memref<128xf32, #tpu.memory_space<vmem>>, vector<16xf32>,
    %swap3A_23 = vector.shape_cast %swap3A_22 : vector<16xf32> to vector<16xf32>
    %swap3A_24 = vector.shape_cast %broadcast_in_dim3A_20 : vector<16xf32> to vector<16xf32>
    tpu.vector_store %arg6[%swap3A_21], %swap3A_24 {strides = array<i32>} : memref<128xf32, #tpu.memory_space<vmem>>, vector<16xf32>,
    %broadcast_in_dim3A_25 = arith.constant 1.000000e+00 : f32
    %broadcast_in_dim3A_26 = vector.broadcast %broadcast_in_dim3A_25 : f32 to vector<16xf32>
    %swap3A_27 = arith.constant 64 : index
    %swap3A_28 = tpu.vector_load %arg6[%swap3A_27] {strides = array<i32>} : memref<128xf32, #tpu.memory_space<vmem>>, vector<16xf32>,
    %swap3A_29 = vector.shape_cast %swap3A_28 : vector<16xf32> to vector<16xf32>
    %swap3A_30 = vector.shape_cast %broadcast_in_dim3A_26 : vector<16xf32> to vector<16xf32>
    tpu.vector_store %arg6[%swap3A_27], %swap3A_30 {strides = array<i32>} : memref<128xf32, #tpu.memory_space<vmem>>, vector<16xf32>,
    %broadcast_in_dim3A_31 = arith.constant 1.000000e+00 : f32
    %broadcast_in_dim3A_32 = vector.broadcast %broadcast_in_dim3A_31 : f32 to vector<16xf32>
    %swap3A_33 = arith.constant 80 : index
    %swap3A_34 = tpu.vector_load %arg6[%swap3A_33] {strides = array<i32>} : memref<128xf32, #tpu.memory_space<vmem>>, vector<16xf32>,
    %swap3A_35 = vector.shape_cast %swap3A_34 : vector<16xf32> to vector<16xf32>
    %swap3A_36 = vector.shape_cast %broadcast_in_dim3A_32 : vector<16xf32> to vector<16xf32>
    tpu.vector_store %arg6[%swap3A_33], %swap3A_36 {strides = array<i32>} : memref<128xf32, #tpu.memory_space<vmem>>, vector<16xf32>,
    %broadcast_in_dim3A_37 = arith.constant 1.000000e+00 : f32
    %broadcast_in_dim3A_38 = vector.broadcast %broadcast_in_dim3A_37 : f32 to vector<16xf32>
    %swap3A_39 = arith.constant 96 : index
    %swap3A_40 = tpu.vector_load %arg6[%swap3A_39] {strides = array<i32>} : memref<128xf32, #tpu.memory_space<vmem>>, vector<16xf32>,
    %swap3A_41 = vector.shape_cast %swap3A_40 : vector<16xf32> to vector<16xf32>
    %swap3A_42 = vector.shape_cast %broadcast_in_dim3A_38 : vector<16xf32> to vector<16xf32>
    tpu.vector_store %arg6[%swap3A_39], %swap3A_42 {strides = array<i32>} : memref<128xf32, #tpu.memory_space<vmem>>, vector<16xf32>,
    %broadcast_in_dim3A_43 = arith.constant 1.000000e+00 : f32
    %broadcast_in_dim3A_44 = vector.broadcast %broadcast_in_dim3A_43 : f32 to vector<16xf32>
    %swap3A_45 = arith.constant 112 : index
    %swap3A_46 = tpu.vector_load %arg6[%swap3A_45] {strides = array<i32>} : memref<128xf32, #tpu.memory_space<vmem>>, vector<16xf32>,
    %swap3A_47 = vector.shape_cast %swap3A_46 : vector<16xf32> to vector<16xf32>
    %swap3A_48 = vector.shape_cast %broadcast_in_dim3A_44 : vector<16xf32> to vector<16xf32>
    tpu.vector_store %arg6[%swap3A_45], %swap3A_48 {strides = array<i32>} : memref<128xf32, #tpu.memory_space<vmem>>, vector<16xf32>,
    %scan3A = arith.constant 0 : i32
    %scan3A_49 = arith.constant 0 : i32
    %scan3A_50 = arith.constant 40 : i32
    %scan3A_51 = arith.addi %scan3A_49, %scan3A_50 : i32
    %scan3A_52 = arith.constant 1 : i32
    scf.for %scan3A_67 = %scan3A_49 to %scan3A_51 step %scan3A_52  : i32 {
      %broadcast_in_dim3A_68 = arith.constant 0.000000e+00 : f32
      %broadcast_in_dim3A_69 = vector.broadcast %broadcast_in_dim3A_68 : f32 to vector<16xf32>
      %mul3A_70 = arith.constant 16 : i32
      %mul3A_71 = arith.muli %scan3A_67, %mul3A_70 : i32
      %swap3A_72 = arith.index_cast %mul3A_71 : i32 to index
      %swap3A_73 = tpu.vector_load %arg7[%swap3A_72] {strides = array<i32>} : memref<640xf32, #tpu.memory_space<vmem>>, vector<16xf32>,
      %swap3A_74 = vector.shape_cast %swap3A_73 : vector<16xf32> to vector<16xf32>
      %swap3A_75 = vector.shape_cast %broadcast_in_dim3A_69 : vector<16xf32> to vector<16xf32>
      tpu.vector_store %arg7[%swap3A_72], %swap3A_75 {strides = array<i32>} : memref<640xf32, #tpu.memory_space<vmem>>, vector<16xf32>,
    }
    %scan3A_53 = arith.constant 40 : i32
    "tpu.region"() ({
      %run_scoped3A = tpu.sem_alloc : memref<!tpu.dma_semaphore, #tpu.memory_space<semaphore_mem>>
      %dma_start3A = tpu.memref_slice %arg8[%mul3A_2] : memref<10240xf32, #tpu.memory_space<vmem_shared>> -> memref<640xf32, #tpu.memory_space<vmem_shared>>
      %dma_start3A_67 = tpu.memref_slice %arg8[%mul3A_2] : memref<10240xf32, #tpu.memory_space<vmem_shared>> -> memref<640xf32, #tpu.memory_space<vmem_shared>>
      tpu.enqueue_dma source(%arg7 : memref<640xf32, #tpu.memory_space<vmem>>) target(%dma_start3A_67 : memref<640xf32, #tpu.memory_space<vmem_shared>>) target_semaphore(%run_scoped3A : memref<!tpu.dma_semaphore, #tpu.memory_space<semaphore_mem>>)
      %dma_wait3A = tpu.memref_slice %arg8[%mul3A_2] : memref<10240xf32, #tpu.memory_space<vmem_shared>> -> memref<640xf32, #tpu.memory_space<vmem_shared>>
      %dma_wait3A_68 = tpu.memref_slice %arg8[%mul3A_2] : memref<10240xf32, #tpu.memory_space<vmem_shared>> -> memref<640xf32, #tpu.memory_space<vmem_shared>>
      tpu.wait_dma2 semaphore(%run_scoped3A : memref<!tpu.dma_semaphore, #tpu.memory_space<semaphore_mem>>) src(%arg7 : memref<640xf32, #tpu.memory_space<vmem>>) dst(%dma_wait3A_68 : memref<640xf32, #tpu.memory_space<vmem_shared>>)
      tpu.yield
    }) : () -> ()
    "tpu.region"() ({
      %run_scoped3A = tpu.sem_alloc : memref<!tpu.dma_semaphore, #tpu.memory_space<semaphore_mem>>
      %dma_start3A = arith.constant 0 : i32
      %dma_start3A_67 = arith.constant 0 : i32
      %dma_start3A_68 = tpu.memref_slice %arg2[%add3A, %dma_start3A, %dma_start3A_67] : memref<32x80x128xi32, #tpu.memory_space<hbm>> -> memref<1x80x128xi32, #tpu.memory_space<hbm>>
      %dma_start3A_69 = tpu.memref_squeeze %dma_start3A_68 : memref<1x80x128xi32, #tpu.memory_space<hbm>> -> memref<80x128xi32, #tpu.memory_space<hbm>>
      %dma_start3A_70 = arith.constant 0 : i32
      %dma_start3A_71 = arith.constant 0 : i32
      %dma_start3A_72 = tpu.memref_slice %arg2[%add3A, %dma_start3A_70, %dma_start3A_71] : memref<32x80x128xi32, #tpu.memory_space<hbm>> -> memref<1x80x128xi32, #tpu.memory_space<hbm>>
      %dma_start3A_73 = tpu.memref_squeeze %dma_start3A_72 : memref<1x80x128xi32, #tpu.memory_space<hbm>> -> memref<80x128xi32, #tpu.memory_space<hbm>>
      tpu.enqueue_dma source(%dma_start3A_73 : memref<80x128xi32, #tpu.memory_space<hbm>>) target(%arg5 : memref<80x128xi32, #tpu.memory_space<vmem>>) target_semaphore(%run_scoped3A : memref<!tpu.dma_semaphore, #tpu.memory_space<semaphore_mem>>)
      %dma_wait3A = arith.constant 0 : i32
      %dma_wait3A_74 = arith.constant 0 : i32
      %dma_wait3A_75 = tpu.memref_slice %arg2[%add3A, %dma_wait3A, %dma_wait3A_74] : memref<32x80x128xi32, #tpu.memory_space<hbm>> -> memref<1x80x128xi32, #tpu.memory_space<hbm>>
      %dma_wait3A_76 = tpu.memref_squeeze %dma_wait3A_75 : memref<1x80x128xi32, #tpu.memory_space<hbm>> -> memref<80x128xi32, #tpu.memory_space<hbm>>
      %dma_wait3A_77 = arith.constant 0 : i32
      %dma_wait3A_78 = arith.constant 0 : i32
      %dma_wait3A_79 = tpu.memref_slice %arg2[%add3A, %dma_wait3A_77, %dma_wait3A_78] : memref<32x80x128xi32, #tpu.memory_space<hbm>> -> memref<1x80x128xi32, #tpu.memory_space<hbm>>
      %dma_wait3A_80 = tpu.memref_squeeze %dma_wait3A_79 : memref<1x80x128xi32, #tpu.memory_space<hbm>> -> memref<80x128xi32, #tpu.memory_space<hbm>>
      tpu.wait_dma2 semaphore(%run_scoped3A : memref<!tpu.dma_semaphore, #tpu.memory_space<semaphore_mem>>) src(%dma_wait3A_80 : memref<80x128xi32, #tpu.memory_space<hbm>>) dst(%arg5 : memref<80x128xi32, #tpu.memory_space<vmem>>)
      tpu.yield
    }) : () -> ()
    %barrier3A = arith.constant 0 : index
    tpu.barrier barrier_id(%barrier3A)
    %scan3A_54 = arith.constant 0 : i32
    %scan3A_55 = arith.constant 0 : i32
    %scan3A_56 = arith.constant 80 : i32
    %scan3A_57 = arith.addi %scan3A_55, %scan3A_56 : i32
    %scan3A_58 = arith.constant 1 : i32
    scf.for %scan3A_67 = %scan3A_55 to %scan3A_57 step %scan3A_58  : i32 {
      "tpu.region"() ({
        %run_scoped3A = tpu.sem_alloc : memref<!tpu.dma_semaphore, #tpu.memory_space<semaphore_mem>>
        %dma_start3A = arith.constant 0 : i32
        %dma_start3A_68 = tpu.memref_slice %arg5[%scan3A_67, %dma_start3A] : memref<80x128xi32, #tpu.memory_space<vmem>> -> memref<1x128xi32, #tpu.memory_space<vmem>>
        %dma_start3A_69 = tpu.memref_squeeze %dma_start3A_68 : memref<1x128xi32, #tpu.memory_space<vmem>> -> memref<128xi32, #tpu.memory_space<vmem>>
        %dma_start3A_70 = arith.constant 0 : i32
        %dma_start3A_71 = tpu.memref_slice %arg8[%dma_start3A_70] : memref<10240xf32, #tpu.memory_space<vmem_shared>> -> memref<10240xf32, #tpu.memory_space<vmem_shared>>
        tpu.enqueue_indirect_dma source(%arg6 : memref<128xf32, #tpu.memory_space<vmem>>) target(%dma_start3A_71 : memref<10240xf32, #tpu.memory_space<vmem_shared>>) offsets(%dma_start3A_69 : memref<128xi32, #tpu.memory_space<vmem>>) semaphore(%run_scoped3A : memref<!tpu.dma_semaphore, #tpu.memory_space<semaphore_mem>>) {add = true}
        %dma_wait3A = arith.constant 0 : i32
        %dma_wait3A_72 = tpu.memref_slice %arg5[%scan3A_67, %dma_wait3A] : memref<80x128xi32, #tpu.memory_space<vmem>> -> memref<1x128xi32, #tpu.memory_space<vmem>>
        %dma_wait3A_73 = tpu.memref_squeeze %dma_wait3A_72 : memref<1x128xi32, #tpu.memory_space<vmem>> -> memref<128xi32, #tpu.memory_space<vmem>>
        %dma_wait3A_74 = arith.constant 0 : i32
        %dma_wait3A_75 = tpu.memref_slice %arg8[%dma_wait3A_74] : memref<10240xf32, #tpu.memory_space<vmem_shared>> -> memref<10240xf32, #tpu.memory_space<vmem_shared>>
        tpu.wait_indirect_dma semaphore(%run_scoped3A : memref<!tpu.dma_semaphore, #tpu.memory_space<semaphore_mem>>) src(%arg6 : memref<128xf32, #tpu.memory_space<vmem>>) dst(%dma_wait3A_75 : memref<10240xf32, #tpu.memory_space<vmem_shared>>)
        tpu.yield
      }) : () -> ()
    }
    %scan3A_59 = arith.constant 80 : i32
    %barrier3A_60 = arith.constant 0 : index
    tpu.barrier barrier_id(%barrier3A_60)
    "tpu.region"() ({
      %run_scoped3A = tpu.sem_alloc : memref<!tpu.dma_semaphore, #tpu.memory_space<semaphore_mem>>
      %dma_start3A = tpu.memref_slice %arg8[%mul3A_2] : memref<10240xf32, #tpu.memory_space<vmem_shared>> -> memref<640xf32, #tpu.memory_space<vmem_shared>>
      %dma_start3A_67 = tpu.memref_slice %arg8[%mul3A_2] : memref<10240xf32, #tpu.memory_space<vmem_shared>> -> memref<640xf32, #tpu.memory_space<vmem_shared>>
      tpu.enqueue_dma source(%dma_start3A_67 : memref<640xf32, #tpu.memory_space<vmem_shared>>) target(%arg7 : memref<640xf32, #tpu.memory_space<vmem>>) target_semaphore(%run_scoped3A : memref<!tpu.dma_semaphore, #tpu.memory_space<semaphore_mem>>)
      %dma_wait3A = tpu.memref_slice %arg8[%mul3A_2] : memref<10240xf32, #tpu.memory_space<vmem_shared>> -> memref<640xf32, #tpu.memory_space<vmem_shared>>
      %dma_wait3A_68 = tpu.memref_slice %arg8[%mul3A_2] : memref<10240xf32, #tpu.memory_space<vmem_shared>> -> memref<640xf32, #tpu.memory_space<vmem_shared>>
      tpu.wait_dma2 semaphore(%run_scoped3A : memref<!tpu.dma_semaphore, #tpu.memory_space<semaphore_mem>>) src(%dma_wait3A_68 : memref<640xf32, #tpu.memory_space<vmem_shared>>) dst(%arg7 : memref<640xf32, #tpu.memory_space<vmem>>)
      tpu.yield
    }) : () -> ()
    %eq3A = arith.constant 0 : i32
    %eq3A_61 = arith.cmpi eq, %arg0, %eq3A : i32
    %convert_element_type3A = arith.extui %eq3A_61 : i1 to i32
    %cond3A = arith.constant 0 : i32
    %cond3A_62 = arith.cmpi ne, %convert_element_type3A, %cond3A : i32
    scf.if %cond3A_62 {
      "tpu.region"() ({
        %run_scoped3A = tpu.sem_alloc : memref<!tpu.dma_semaphore, #tpu.memory_space<semaphore_mem>>
        %dma_start3A = tpu.memref_slice %arg3[%mul3A_2] : memref<10240xf32, #tpu.memory_space<hbm>> -> memref<640xf32, #tpu.memory_space<hbm>>
        %dma_start3A_67 = tpu.memref_slice %arg3[%mul3A_2] : memref<10240xf32, #tpu.memory_space<hbm>> -> memref<640xf32, #tpu.memory_space<hbm>>
        tpu.enqueue_dma source(%arg7 : memref<640xf32, #tpu.memory_space<vmem>>) target(%dma_start3A_67 : memref<640xf32, #tpu.memory_space<hbm>>) target_semaphore(%run_scoped3A : memref<!tpu.dma_semaphore, #tpu.memory_space<semaphore_mem>>)
        %dma_wait3A = tpu.memref_slice %arg3[%mul3A_2] : memref<10240xf32, #tpu.memory_space<hbm>> -> memref<640xf32, #tpu.memory_space<hbm>>
        %dma_wait3A_68 = tpu.memref_slice %arg3[%mul3A_2] : memref<10240xf32, #tpu.memory_space<hbm>> -> memref<640xf32, #tpu.memory_space<hbm>>
        tpu.wait_dma2 semaphore(%run_scoped3A : memref<!tpu.dma_semaphore, #tpu.memory_space<semaphore_mem>>) src(%arg7 : memref<640xf32, #tpu.memory_space<vmem>>) dst(%dma_wait3A_68 : memref<640xf32, #tpu.memory_space<hbm>>)
        tpu.yield
      }) : () -> ()
    } else {
    }
    %ne3A = arith.constant 0 : i32
    %ne3A_63 = arith.cmpi ne, %arg0, %ne3A : i32
    %convert_element_type3A_64 = arith.extui %ne3A_63 : i1 to i32
    %cond3A_65 = arith.constant 0 : i32
    %cond3A_66 = arith.cmpi ne, %convert_element_type3A_64, %cond3A_65 : i32
    scf.if %cond3A_66 {
      "tpu.region"() ({
        %run_scoped3A = tpu.sem_alloc : memref<!tpu.dma_semaphore, #tpu.memory_space<semaphore_mem>>
        %dma_start3A = tpu.memref_slice %arg4[%mul3A_2] : memref<10240xf32, #tpu.memory_space<hbm>> -> memref<640xf32, #tpu.memory_space<hbm>>
        %dma_start3A_67 = tpu.memref_slice %arg4[%mul3A_2] : memref<10240xf32, #tpu.memory_space<hbm>> -> memref<640xf32, #tpu.memory_space<hbm>>
        tpu.enqueue_dma source(%arg7 : memref<640xf32, #tpu.memory_space<vmem>>) target(%dma_start3A_67 : memref<640xf32, #tpu.memory_space<hbm>>) target_semaphore(%run_scoped3A : memref<!tpu.dma_semaphore, #tpu.memory_space<semaphore_mem>>)
        %dma_wait3A = tpu.memref_slice %arg4[%mul3A_2] : memref<10240xf32, #tpu.memory_space<hbm>> -> memref<640xf32, #tpu.memory_space<hbm>>
        %dma_wait3A_68 = tpu.memref_slice %arg4[%mul3A_2] : memref<10240xf32, #tpu.memory_space<hbm>> -> memref<640xf32, #tpu.memory_space<hbm>>
        tpu.wait_dma2 semaphore(%run_scoped3A : memref<!tpu.dma_semaphore, #tpu.memory_space<semaphore_mem>>) src(%arg7 : memref<640xf32, #tpu.memory_space<vmem>>) dst(%dma_wait3A_68 : memref<640xf32, #tpu.memory_space<hbm>>)
        tpu.yield
      }) : () -> ()
    } else {
    }
    return
  }
}

#map = affine_map<(d0, d1) -> (0, 0)>
#map1 = affine_map<(d0, d1) -> (0, 0, 0)>
module attributes {stable_mosaic.version = 14 : i64} {
  func.func @agg16_kernel(%arg0: i32, %arg1: i32, %arg2: memref<10240x16xf32, #tpu.memory_space<hbm>>, %arg3: memref<128x16xf32, #tpu.memory_space<hbm>>, %arg4: memref<32x80x128xi32, #tpu.memory_space<hbm>>, %arg5: memref<32x80x128xi32, #tpu.memory_space<hbm>>, %arg6: memref<2x10240x16xf32, #tpu.memory_space<hbm>>, %arg7: memref<40x128xi32, #tpu.memory_space<vmem>>, %arg8: memref<40x128xi32, #tpu.memory_space<vmem>>, %arg9: memref<128x16xf32, #tpu.memory_space<vmem>>, %arg10: memref<128x16xf32, #tpu.memory_space<vmem>>, %arg11: memref<128x16xf32, #tpu.memory_space<vmem>>, %arg12: memref<128x16xf32, #tpu.memory_space<vmem>>, %arg13: memref<10240x16xf32, #tpu.memory_space<vmem_shared>>, %arg14: memref<!tpu.dma_semaphore, #tpu.memory_space<semaphore_mem>>, %arg15: memref<!tpu.dma_semaphore, #tpu.memory_space<semaphore_mem>>, %arg16: memref<!tpu.dma_semaphore, #tpu.memory_space<semaphore_mem>>, %arg17: memref<!tpu.dma_semaphore, #tpu.memory_space<semaphore_mem>>, %arg18: memref<!tpu.dma_semaphore, #tpu.memory_space<semaphore_mem>>, %arg19: memref<!tpu.dma_semaphore, #tpu.memory_space<semaphore_mem>>, %arg20: memref<!tpu.dma_semaphore, #tpu.memory_space<semaphore_mem>>, %arg21: memref<!tpu.dma_semaphore, #tpu.memory_space<semaphore_mem>>) attributes {dimension_semantics = [#tpu.dimension_semantics<core_parallel>, #tpu.dimension_semantics<subcore_parallel>], iteration_bounds = array<i64: 2, 16>, scalar_prefetch = 0 : i64, scratch_operands = 15 : i64, tpu.core_type = #tpu.core_type<sc_vector_subcore>, window_params = [{transform_indices = #map}, {transform_indices = #map}, {transform_indices = #map1}, {transform_indices = #map1}, {transform_indices = #map1}]} {
    %mul3A = arith.constant 16 : i32
    %mul3A_0 = arith.muli %arg0, %mul3A : i32
    %add3A = arith.addi %mul3A_0, %arg1 : i32
    %mul3A_1 = arith.constant 640 : i32
    %mul3A_2 = arith.muli %arg1, %mul3A_1 : i32
    "tpu.region"() ({
      %run_scoped3A = tpu.sem_alloc : memref<!tpu.dma_semaphore, #tpu.memory_space<semaphore_mem>>
      tpu.enqueue_dma source(%arg3 : memref<128x16xf32, #tpu.memory_space<hbm>>) target(%arg9 : memref<128x16xf32, #tpu.memory_space<vmem>>) target_semaphore(%run_scoped3A : memref<!tpu.dma_semaphore, #tpu.memory_space<semaphore_mem>>)
      tpu.wait_dma2 semaphore(%run_scoped3A : memref<!tpu.dma_semaphore, #tpu.memory_space<semaphore_mem>>) src(%arg3 : memref<128x16xf32, #tpu.memory_space<hbm>>) dst(%arg9 : memref<128x16xf32, #tpu.memory_space<vmem>>)
      tpu.yield
    }) : () -> ()
    %scan3A = arith.constant 0 : i32
    %scan3A_3 = arith.constant 0 : i32
    %scan3A_4 = arith.constant 5 : i32
    %scan3A_5 = arith.addi %scan3A_3, %scan3A_4 : i32
    %scan3A_6 = arith.constant 1 : i32
    scf.for %scan3A_21 = %scan3A_3 to %scan3A_5 step %scan3A_6  : i32 {
      %mul3A_22 = arith.constant 128 : i32
      %mul3A_23 = arith.muli %scan3A_21, %mul3A_22 : i32
      %add3A_24 = arith.addi %mul3A_2, %mul3A_23 : i32
      "tpu.region"() ({
        %run_scoped3A = tpu.sem_alloc : memref<!tpu.dma_semaphore, #tpu.memory_space<semaphore_mem>>
        %dma_start3A = arith.constant 0 : i32
        %dma_start3A_25 = tpu.memref_slice %arg13[%add3A_24, %dma_start3A] : memref<10240x16xf32, #tpu.memory_space<vmem_shared>> -> memref<128x16xf32, #tpu.memory_space<vmem_shared>>
        %dma_start3A_26 = arith.constant 0 : i32
        %dma_start3A_27 = tpu.memref_slice %arg13[%add3A_24, %dma_start3A_26] : memref<10240x16xf32, #tpu.memory_space<vmem_shared>> -> memref<128x16xf32, #tpu.memory_space<vmem_shared>>
        tpu.enqueue_dma source(%arg9 : memref<128x16xf32, #tpu.memory_space<vmem>>) target(%dma_start3A_27 : memref<128x16xf32, #tpu.memory_space<vmem_shared>>) target_semaphore(%run_scoped3A : memref<!tpu.dma_semaphore, #tpu.memory_space<semaphore_mem>>)
        %dma_wait3A = arith.constant 0 : i32
        %dma_wait3A_28 = tpu.memref_slice %arg13[%add3A_24, %dma_wait3A] : memref<10240x16xf32, #tpu.memory_space<vmem_shared>> -> memref<128x16xf32, #tpu.memory_space<vmem_shared>>
        %dma_wait3A_29 = arith.constant 0 : i32
        %dma_wait3A_30 = tpu.memref_slice %arg13[%add3A_24, %dma_wait3A_29] : memref<10240x16xf32, #tpu.memory_space<vmem_shared>> -> memref<128x16xf32, #tpu.memory_space<vmem_shared>>
        tpu.wait_dma2 semaphore(%run_scoped3A : memref<!tpu.dma_semaphore, #tpu.memory_space<semaphore_mem>>) src(%arg9 : memref<128x16xf32, #tpu.memory_space<vmem>>) dst(%dma_wait3A_30 : memref<128x16xf32, #tpu.memory_space<vmem_shared>>)
        tpu.yield
      }) : () -> ()
    }
    %scan3A_7 = arith.constant 5 : i32
    %barrier3A = arith.constant 0 : index
    tpu.barrier barrier_id(%barrier3A)
    %scan3A_8 = arith.constant 0 : i32
    %scan3A_9 = arith.constant 0 : i32
    %scan3A_10 = arith.constant 2 : i32
    %scan3A_11 = arith.addi %scan3A_9, %scan3A_10 : i32
    %scan3A_12 = arith.constant 1 : i32
    scf.for %scan3A_21 = %scan3A_9 to %scan3A_11 step %scan3A_12  : i32 {
      %mul3A_22 = arith.constant 40 : i32
      %mul3A_23 = arith.muli %scan3A_21, %mul3A_22 : i32
      "tpu.region"() ({
        %run_scoped3A = tpu.sem_alloc : memref<!tpu.dma_semaphore, #tpu.memory_space<semaphore_mem>>
        %dma_start3A_86 = arith.constant 0 : i32
        %dma_start3A_87 = tpu.memref_slice %arg4[%add3A, %mul3A_23, %dma_start3A_86] : memref<32x80x128xi32, #tpu.memory_space<hbm>> -> memref<1x40x128xi32, #tpu.memory_space<hbm>>
        %dma_start3A_88 = tpu.memref_squeeze %dma_start3A_87 : memref<1x40x128xi32, #tpu.memory_space<hbm>> -> memref<40x128xi32, #tpu.memory_space<hbm>>
        %dma_start3A_89 = arith.constant 0 : i32
        %dma_start3A_90 = tpu.memref_slice %arg4[%add3A, %mul3A_23, %dma_start3A_89] : memref<32x80x128xi32, #tpu.memory_space<hbm>> -> memref<1x40x128xi32, #tpu.memory_space<hbm>>
        %dma_start3A_91 = tpu.memref_squeeze %dma_start3A_90 : memref<1x40x128xi32, #tpu.memory_space<hbm>> -> memref<40x128xi32, #tpu.memory_space<hbm>>
        tpu.enqueue_dma source(%dma_start3A_91 : memref<40x128xi32, #tpu.memory_space<hbm>>) target(%arg7 : memref<40x128xi32, #tpu.memory_space<vmem>>) target_semaphore(%run_scoped3A : memref<!tpu.dma_semaphore, #tpu.memory_space<semaphore_mem>>)
        %dma_wait3A_92 = arith.constant 0 : i32
        %dma_wait3A_93 = tpu.memref_slice %arg4[%add3A, %mul3A_23, %dma_wait3A_92] : memref<32x80x128xi32, #tpu.memory_space<hbm>> -> memref<1x40x128xi32, #tpu.memory_space<hbm>>
        %dma_wait3A_94 = tpu.memref_squeeze %dma_wait3A_93 : memref<1x40x128xi32, #tpu.memory_space<hbm>> -> memref<40x128xi32, #tpu.memory_space<hbm>>
        %dma_wait3A_95 = arith.constant 0 : i32
        %dma_wait3A_96 = tpu.memref_slice %arg4[%add3A, %mul3A_23, %dma_wait3A_95] : memref<32x80x128xi32, #tpu.memory_space<hbm>> -> memref<1x40x128xi32, #tpu.memory_space<hbm>>
        %dma_wait3A_97 = tpu.memref_squeeze %dma_wait3A_96 : memref<1x40x128xi32, #tpu.memory_space<hbm>> -> memref<40x128xi32, #tpu.memory_space<hbm>>
        tpu.wait_dma2 semaphore(%run_scoped3A : memref<!tpu.dma_semaphore, #tpu.memory_space<semaphore_mem>>) src(%dma_wait3A_97 : memref<40x128xi32, #tpu.memory_space<hbm>>) dst(%arg7 : memref<40x128xi32, #tpu.memory_space<vmem>>)
        tpu.yield
      }) : () -> ()
      %mul3A_24 = arith.constant 40 : i32
      %mul3A_25 = arith.muli %scan3A_21, %mul3A_24 : i32
      "tpu.region"() ({
        %run_scoped3A = tpu.sem_alloc : memref<!tpu.dma_semaphore, #tpu.memory_space<semaphore_mem>>
        %dma_start3A_86 = arith.constant 0 : i32
        %dma_start3A_87 = tpu.memref_slice %arg5[%add3A, %mul3A_25, %dma_start3A_86] : memref<32x80x128xi32, #tpu.memory_space<hbm>> -> memref<1x40x128xi32, #tpu.memory_space<hbm>>
        %dma_start3A_88 = tpu.memref_squeeze %dma_start3A_87 : memref<1x40x128xi32, #tpu.memory_space<hbm>> -> memref<40x128xi32, #tpu.memory_space<hbm>>
        %dma_start3A_89 = arith.constant 0 : i32
        %dma_start3A_90 = tpu.memref_slice %arg5[%add3A, %mul3A_25, %dma_start3A_89] : memref<32x80x128xi32, #tpu.memory_space<hbm>> -> memref<1x40x128xi32, #tpu.memory_space<hbm>>
        %dma_start3A_91 = tpu.memref_squeeze %dma_start3A_90 : memref<1x40x128xi32, #tpu.memory_space<hbm>> -> memref<40x128xi32, #tpu.memory_space<hbm>>
        tpu.enqueue_dma source(%dma_start3A_91 : memref<40x128xi32, #tpu.memory_space<hbm>>) target(%arg8 : memref<40x128xi32, #tpu.memory_space<vmem>>) target_semaphore(%run_scoped3A : memref<!tpu.dma_semaphore, #tpu.memory_space<semaphore_mem>>)
        %dma_wait3A_92 = arith.constant 0 : i32
        %dma_wait3A_93 = tpu.memref_slice %arg5[%add3A, %mul3A_25, %dma_wait3A_92] : memref<32x80x128xi32, #tpu.memory_space<hbm>> -> memref<1x40x128xi32, #tpu.memory_space<hbm>>
        %dma_wait3A_94 = tpu.memref_squeeze %dma_wait3A_93 : memref<1x40x128xi32, #tpu.memory_space<hbm>> -> memref<40x128xi32, #tpu.memory_space<hbm>>
        %dma_wait3A_95 = arith.constant 0 : i32
        %dma_wait3A_96 = tpu.memref_slice %arg5[%add3A, %mul3A_25, %dma_wait3A_95] : memref<32x80x128xi32, #tpu.memory_space<hbm>> -> memref<1x40x128xi32, #tpu.memory_space<hbm>>
        %dma_wait3A_97 = tpu.memref_squeeze %dma_wait3A_96 : memref<1x40x128xi32, #tpu.memory_space<hbm>> -> memref<40x128xi32, #tpu.memory_space<hbm>>
        tpu.wait_dma2 semaphore(%run_scoped3A : memref<!tpu.dma_semaphore, #tpu.memory_space<semaphore_mem>>) src(%dma_wait3A_97 : memref<40x128xi32, #tpu.memory_space<hbm>>) dst(%arg8 : memref<40x128xi32, #tpu.memory_space<vmem>>)
        tpu.yield
      }) : () -> ()
      %dma_start3A = arith.constant 0 : i32
      %dma_start3A_26 = arith.constant 0 : i32
      %dma_start3A_27 = tpu.memref_slice %arg7[%dma_start3A, %dma_start3A_26] : memref<40x128xi32, #tpu.memory_space<vmem>> -> memref<1x128xi32, #tpu.memory_space<vmem>>
      %dma_start3A_28 = tpu.memref_squeeze %dma_start3A_27 : memref<1x128xi32, #tpu.memory_space<vmem>> -> memref<128xi32, #tpu.memory_space<vmem>>
      %dma_start3A_29 = arith.constant 0 : i32
      %dma_start3A_30 = arith.constant 0 : i32
      %dma_start3A_31 = tpu.memref_slice %arg2[%dma_start3A_29, %dma_start3A_30] : memref<10240x16xf32, #tpu.memory_space<hbm>> -> memref<10240x16xf32, #tpu.memory_space<hbm>>
      tpu.enqueue_indirect_dma source(%dma_start3A_31 : memref<10240x16xf32, #tpu.memory_space<hbm>>) target(%arg9 : memref<128x16xf32, #tpu.memory_space<vmem>>) offsets(%dma_start3A_28 : memref<128xi32, #tpu.memory_space<vmem>>) semaphore(%arg14 : memref<!tpu.dma_semaphore, #tpu.memory_space<semaphore_mem>>)
      %dma_start3A_32 = arith.constant 1 : i32
      %dma_start3A_33 = arith.constant 0 : i32
      %dma_start3A_34 = tpu.memref_slice %arg7[%dma_start3A_32, %dma_start3A_33] : memref<40x128xi32, #tpu.memory_space<vmem>> -> memref<1x128xi32, #tpu.memory_space<vmem>>
      %dma_start3A_35 = tpu.memref_squeeze %dma_start3A_34 : memref<1x128xi32, #tpu.memory_space<vmem>> -> memref<128xi32, #tpu.memory_space<vmem>>
      %dma_start3A_36 = arith.constant 0 : i32
      %dma_start3A_37 = arith.constant 0 : i32
      %dma_start3A_38 = tpu.memref_slice %arg2[%dma_start3A_36, %dma_start3A_37] : memref<10240x16xf32, #tpu.memory_space<hbm>> -> memref<10240x16xf32, #tpu.memory_space<hbm>>
      tpu.enqueue_indirect_dma source(%dma_start3A_38 : memref<10240x16xf32, #tpu.memory_space<hbm>>) target(%arg10 : memref<128x16xf32, #tpu.memory_space<vmem>>) offsets(%dma_start3A_35 : memref<128xi32, #tpu.memory_space<vmem>>) semaphore(%arg15 : memref<!tpu.dma_semaphore, #tpu.memory_space<semaphore_mem>>)
      %dma_start3A_39 = arith.constant 2 : i32
      %dma_start3A_40 = arith.constant 0 : i32
      %dma_start3A_41 = tpu.memref_slice %arg7[%dma_start3A_39, %dma_start3A_40] : memref<40x128xi32, #tpu.memory_space<vmem>> -> memref<1x128xi32, #tpu.memory_space<vmem>>
      %dma_start3A_42 = tpu.memref_squeeze %dma_start3A_41 : memref<1x128xi32, #tpu.memory_space<vmem>> -> memref<128xi32, #tpu.memory_space<vmem>>
      %dma_start3A_43 = arith.constant 0 : i32
      %dma_start3A_44 = arith.constant 0 : i32
      %dma_start3A_45 = tpu.memref_slice %arg2[%dma_start3A_43, %dma_start3A_44] : memref<10240x16xf32, #tpu.memory_space<hbm>> -> memref<10240x16xf32, #tpu.memory_space<hbm>>
      tpu.enqueue_indirect_dma source(%dma_start3A_45 : memref<10240x16xf32, #tpu.memory_space<hbm>>) target(%arg11 : memref<128x16xf32, #tpu.memory_space<vmem>>) offsets(%dma_start3A_42 : memref<128xi32, #tpu.memory_space<vmem>>) semaphore(%arg16 : memref<!tpu.dma_semaphore, #tpu.memory_space<semaphore_mem>>)
      %dma_start3A_46 = arith.constant 3 : i32
      %dma_start3A_47 = arith.constant 0 : i32
      %dma_start3A_48 = tpu.memref_slice %arg7[%dma_start3A_46, %dma_start3A_47] : memref<40x128xi32, #tpu.memory_space<vmem>> -> memref<1x128xi32, #tpu.memory_space<vmem>>
      %dma_start3A_49 = tpu.memref_squeeze %dma_start3A_48 : memref<1x128xi32, #tpu.memory_space<vmem>> -> memref<128xi32, #tpu.memory_space<vmem>>
      %dma_start3A_50 = arith.constant 0 : i32
      %dma_start3A_51 = arith.constant 0 : i32
      %dma_start3A_52 = tpu.memref_slice %arg2[%dma_start3A_50, %dma_start3A_51] : memref<10240x16xf32, #tpu.memory_space<hbm>> -> memref<10240x16xf32, #tpu.memory_space<hbm>>
      tpu.enqueue_indirect_dma source(%dma_start3A_52 : memref<10240x16xf32, #tpu.memory_space<hbm>>) target(%arg12 : memref<128x16xf32, #tpu.memory_space<vmem>>) offsets(%dma_start3A_49 : memref<128xi32, #tpu.memory_space<vmem>>) semaphore(%arg17 : memref<!tpu.dma_semaphore, #tpu.memory_space<semaphore_mem>>)
      %scan3A_53 = arith.constant 0 : i32
      %scan3A_54 = arith.constant 0 : i32
      %scan3A_55 = arith.constant 10 : i32
      %scan3A_56 = arith.addi %scan3A_54, %scan3A_55 : i32
      %scan3A_57 = arith.constant 1 : i32
      scf.for %scan3A_86 = %scan3A_54 to %scan3A_56 step %scan3A_57  : i32 {
        %mul3A_87 = arith.constant 4 : i32
        %mul3A_88 = arith.muli %mul3A_87, %scan3A_86 : i32
        %add3A_89 = arith.constant 0 : i32
        %add3A_90 = arith.addi %mul3A_88, %add3A_89 : i32
        %ge3A = arith.constant 1 : i32
        %ge3A_91 = arith.cmpi sge, %scan3A_86, %ge3A : i32
        %convert_element_type3A = arith.extui %ge3A_91 : i1 to i32
        %cond3A = arith.constant 0 : i32
        %cond3A_92 = arith.cmpi ne, %convert_element_type3A, %cond3A : i32
        scf.if %cond3A_92 {
          %dma_wait3A_191 = arith.constant 0 : i32
          %dma_wait3A_192 = arith.constant 0 : i32
          %dma_wait3A_193 = tpu.memref_slice %arg8[%dma_wait3A_191, %dma_wait3A_192] : memref<40x128xi32, #tpu.memory_space<vmem>> -> memref<1x128xi32, #tpu.memory_space<vmem>>
          %dma_wait3A_194 = tpu.memref_squeeze %dma_wait3A_193 : memref<1x128xi32, #tpu.memory_space<vmem>> -> memref<128xi32, #tpu.memory_space<vmem>>
          %dma_wait3A_195 = arith.constant 0 : i32
          %dma_wait3A_196 = arith.constant 0 : i32
          %dma_wait3A_197 = tpu.memref_slice %arg13[%dma_wait3A_195, %dma_wait3A_196] : memref<10240x16xf32, #tpu.memory_space<vmem_shared>> -> memref<10240x16xf32, #tpu.memory_space<vmem_shared>>
          tpu.wait_indirect_dma semaphore(%arg20 : memref<!tpu.dma_semaphore, #tpu.memory_space<semaphore_mem>>) src(%arg11 : memref<128x16xf32, #tpu.memory_space<vmem>>) dst(%dma_wait3A_197 : memref<10240x16xf32, #tpu.memory_space<vmem_shared>>)
          %add3A_198 = arith.constant 2 : i32
          %add3A_199 = arith.addi %add3A_90, %add3A_198 : i32
          %rem3A_200 = arith.constant 40 : i32
          %rem3A_201 = arith.remsi %add3A_199, %rem3A_200 : i32
          %dma_start3A_202 = arith.constant 0 : i32
          %dma_start3A_203 = tpu.memref_slice %arg7[%rem3A_201, %dma_start3A_202] : memref<40x128xi32, #tpu.memory_space<vmem>> -> memref<1x128xi32, #tpu.memory_space<vmem>>
          %dma_start3A_204 = tpu.memref_squeeze %dma_start3A_203 : memref<1x128xi32, #tpu.memory_space<vmem>> -> memref<128xi32, #tpu.memory_space<vmem>>
          %dma_start3A_205 = arith.constant 0 : i32
          %dma_start3A_206 = arith.constant 0 : i32
          %dma_start3A_207 = tpu.memref_slice %arg2[%dma_start3A_205, %dma_start3A_206] : memref<10240x16xf32, #tpu.memory_space<hbm>> -> memref<10240x16xf32, #tpu.memory_space<hbm>>
          tpu.enqueue_indirect_dma source(%dma_start3A_207 : memref<10240x16xf32, #tpu.memory_space<hbm>>) target(%arg11 : memref<128x16xf32, #tpu.memory_space<vmem>>) offsets(%dma_start3A_204 : memref<128xi32, #tpu.memory_space<vmem>>) semaphore(%arg16 : memref<!tpu.dma_semaphore, #tpu.memory_space<semaphore_mem>>)
        } else {
        }
        %dma_wait3A_93 = arith.constant 0 : i32
        %dma_wait3A_94 = tpu.memref_slice %arg7[%add3A_90, %dma_wait3A_93] : memref<40x128xi32, #tpu.memory_space<vmem>> -> memref<1x128xi32, #tpu.memory_space<vmem>>
        %dma_wait3A_95 = tpu.memref_squeeze %dma_wait3A_94 : memref<1x128xi32, #tpu.memory_space<vmem>> -> memref<128xi32, #tpu.memory_space<vmem>>
        %dma_wait3A_96 = arith.constant 0 : i32
        %dma_wait3A_97 = arith.constant 0 : i32
        %dma_wait3A_98 = tpu.memref_slice %arg2[%dma_wait3A_96, %dma_wait3A_97] : memref<10240x16xf32, #tpu.memory_space<hbm>> -> memref<10240x16xf32, #tpu.memory_space<hbm>>
        tpu.wait_indirect_dma semaphore(%arg14 : memref<!tpu.dma_semaphore, #tpu.memory_space<semaphore_mem>>) src(%dma_wait3A_98 : memref<10240x16xf32, #tpu.memory_space<hbm>>) dst(%arg9 : memref<128x16xf32, #tpu.memory_space<vmem>>)
        %dma_start3A_99 = arith.constant 0 : i32
        %dma_start3A_100 = tpu.memref_slice %arg8[%add3A_90, %dma_start3A_99] : memref<40x128xi32, #tpu.memory_space<vmem>> -> memref<1x128xi32, #tpu.memory_space<vmem>>
        %dma_start3A_101 = tpu.memref_squeeze %dma_start3A_100 : memref<1x128xi32, #tpu.memory_space<vmem>> -> memref<128xi32, #tpu.memory_space<vmem>>
        %dma_start3A_102 = arith.constant 0 : i32
        %dma_start3A_103 = arith.constant 0 : i32
        %dma_start3A_104 = tpu.memref_slice %arg13[%dma_start3A_102, %dma_start3A_103] : memref<10240x16xf32, #tpu.memory_space<vmem_shared>> -> memref<10240x16xf32, #tpu.memory_space<vmem_shared>>
        tpu.enqueue_indirect_dma source(%arg9 : memref<128x16xf32, #tpu.memory_space<vmem>>) target(%dma_start3A_104 : memref<10240x16xf32, #tpu.memory_space<vmem_shared>>) offsets(%dma_start3A_101 : memref<128xi32, #tpu.memory_space<vmem>>) semaphore(%arg18 : memref<!tpu.dma_semaphore, #tpu.memory_space<semaphore_mem>>) {add = true}
        %mul3A_105 = arith.constant 4 : i32
        %mul3A_106 = arith.muli %mul3A_105, %scan3A_86 : i32
        %add3A_107 = arith.constant 1 : i32
        %add3A_108 = arith.addi %mul3A_106, %add3A_107 : i32
        %ge3A_109 = arith.constant 1 : i32
        %ge3A_110 = arith.cmpi sge, %scan3A_86, %ge3A_109 : i32
        %convert_element_type3A_111 = arith.extui %ge3A_110 : i1 to i32
        %cond3A_112 = arith.constant 0 : i32
        %cond3A_113 = arith.cmpi ne, %convert_element_type3A_111, %cond3A_112 : i32
        scf.if %cond3A_113 {
          %dma_wait3A_191 = arith.constant 0 : i32
          %dma_wait3A_192 = arith.constant 0 : i32
          %dma_wait3A_193 = tpu.memref_slice %arg8[%dma_wait3A_191, %dma_wait3A_192] : memref<40x128xi32, #tpu.memory_space<vmem>> -> memref<1x128xi32, #tpu.memory_space<vmem>>
          %dma_wait3A_194 = tpu.memref_squeeze %dma_wait3A_193 : memref<1x128xi32, #tpu.memory_space<vmem>> -> memref<128xi32, #tpu.memory_space<vmem>>
          %dma_wait3A_195 = arith.constant 0 : i32
          %dma_wait3A_196 = arith.constant 0 : i32
          %dma_wait3A_197 = tpu.memref_slice %arg13[%dma_wait3A_195, %dma_wait3A_196] : memref<10240x16xf32, #tpu.memory_space<vmem_shared>> -> memref<10240x16xf32, #tpu.memory_space<vmem_shared>>
          tpu.wait_indirect_dma semaphore(%arg21 : memref<!tpu.dma_semaphore, #tpu.memory_space<semaphore_mem>>) src(%arg12 : memref<128x16xf32, #tpu.memory_space<vmem>>) dst(%dma_wait3A_197 : memref<10240x16xf32, #tpu.memory_space<vmem_shared>>)
          %add3A_198 = arith.constant 2 : i32
          %add3A_199 = arith.addi %add3A_108, %add3A_198 : i32
          %rem3A_200 = arith.constant 40 : i32
          %rem3A_201 = arith.remsi %add3A_199, %rem3A_200 : i32
          %dma_start3A_202 = arith.constant 0 : i32
          %dma_start3A_203 = tpu.memref_slice %arg7[%rem3A_201, %dma_start3A_202] : memref<40x128xi32, #tpu.memory_space<vmem>> -> memref<1x128xi32, #tpu.memory_space<vmem>>
          %dma_start3A_204 = tpu.memref_squeeze %dma_start3A_203 : memref<1x128xi32, #tpu.memory_space<vmem>> -> memref<128xi32, #tpu.memory_space<vmem>>
          %dma_start3A_205 = arith.constant 0 : i32
          %dma_start3A_206 = arith.constant 0 : i32
          %dma_start3A_207 = tpu.memref_slice %arg2[%dma_start3A_205, %dma_start3A_206] : memref<10240x16xf32, #tpu.memory_space<hbm>> -> memref<10240x16xf32, #tpu.memory_space<hbm>>
          tpu.enqueue_indirect_dma source(%dma_start3A_207 : memref<10240x16xf32, #tpu.memory_space<hbm>>) target(%arg12 : memref<128x16xf32, #tpu.memory_space<vmem>>) offsets(%dma_start3A_204 : memref<128xi32, #tpu.memory_space<vmem>>) semaphore(%arg17 : memref<!tpu.dma_semaphore, #tpu.memory_space<semaphore_mem>>)
        } else {
        }
        %dma_wait3A_114 = arith.constant 0 : i32
        %dma_wait3A_115 = tpu.memref_slice %arg7[%add3A_108, %dma_wait3A_114] : memref<40x128xi32, #tpu.memory_space<vmem>> -> memref<1x128xi32, #tpu.memory_space<vmem>>
        %dma_wait3A_116 = tpu.memref_squeeze %dma_wait3A_115 : memref<1x128xi32, #tpu.memory_space<vmem>> -> memref<128xi32, #tpu.memory_space<vmem>>
        %dma_wait3A_117 = arith.constant 0 : i32
        %dma_wait3A_118 = arith.constant 0 : i32
        %dma_wait3A_119 = tpu.memref_slice %arg2[%dma_wait3A_117, %dma_wait3A_118] : memref<10240x16xf32, #tpu.memory_space<hbm>> -> memref<10240x16xf32, #tpu.memory_space<hbm>>
        tpu.wait_indirect_dma semaphore(%arg15 : memref<!tpu.dma_semaphore, #tpu.memory_space<semaphore_mem>>) src(%dma_wait3A_119 : memref<10240x16xf32, #tpu.memory_space<hbm>>) dst(%arg10 : memref<128x16xf32, #tpu.memory_space<vmem>>)
        %dma_start3A_120 = arith.constant 0 : i32
        %dma_start3A_121 = tpu.memref_slice %arg8[%add3A_108, %dma_start3A_120] : memref<40x128xi32, #tpu.memory_space<vmem>> -> memref<1x128xi32, #tpu.memory_space<vmem>>
        %dma_start3A_122 = tpu.memref_squeeze %dma_start3A_121 : memref<1x128xi32, #tpu.memory_space<vmem>> -> memref<128xi32, #tpu.memory_space<vmem>>
        %dma_start3A_123 = arith.constant 0 : i32
        %dma_start3A_124 = arith.constant 0 : i32
        %dma_start3A_125 = tpu.memref_slice %arg13[%dma_start3A_123, %dma_start3A_124] : memref<10240x16xf32, #tpu.memory_space<vmem_shared>> -> memref<10240x16xf32, #tpu.memory_space<vmem_shared>>
        tpu.enqueue_indirect_dma source(%arg10 : memref<128x16xf32, #tpu.memory_space<vmem>>) target(%dma_start3A_125 : memref<10240x16xf32, #tpu.memory_space<vmem_shared>>) offsets(%dma_start3A_122 : memref<128xi32, #tpu.memory_space<vmem>>) semaphore(%arg19 : memref<!tpu.dma_semaphore, #tpu.memory_space<semaphore_mem>>) {add = true}
        %mul3A_126 = arith.constant 4 : i32
        %mul3A_127 = arith.muli %mul3A_126, %scan3A_86 : i32
        %add3A_128 = arith.constant 2 : i32
        %add3A_129 = arith.addi %mul3A_127, %add3A_128 : i32
        %dma_wait3A_130 = arith.constant 0 : i32
        %dma_wait3A_131 = arith.constant 0 : i32
        %dma_wait3A_132 = tpu.memref_slice %arg8[%dma_wait3A_130, %dma_wait3A_131] : memref<40x128xi32, #tpu.memory_space<vmem>> -> memref<1x128xi32, #tpu.memory_space<vmem>>
        %dma_wait3A_133 = tpu.memref_squeeze %dma_wait3A_132 : memref<1x128xi32, #tpu.memory_space<vmem>> -> memref<128xi32, #tpu.memory_space<vmem>>
        %dma_wait3A_134 = arith.constant 0 : i32
        %dma_wait3A_135 = arith.constant 0 : i32
        %dma_wait3A_136 = tpu.memref_slice %arg13[%dma_wait3A_134, %dma_wait3A_135] : memref<10240x16xf32, #tpu.memory_space<vmem_shared>> -> memref<10240x16xf32, #tpu.memory_space<vmem_shared>>
        tpu.wait_indirect_dma semaphore(%arg18 : memref<!tpu.dma_semaphore, #tpu.memory_space<semaphore_mem>>) src(%arg9 : memref<128x16xf32, #tpu.memory_space<vmem>>) dst(%dma_wait3A_136 : memref<10240x16xf32, #tpu.memory_space<vmem_shared>>)
        %add3A_137 = arith.constant 2 : i32
        %add3A_138 = arith.addi %add3A_129, %add3A_137 : i32
        %rem3A = arith.constant 40 : i32
        %rem3A_139 = arith.remsi %add3A_138, %rem3A : i32
        %dma_start3A_140 = arith.constant 0 : i32
        %dma_start3A_141 = tpu.memref_slice %arg7[%rem3A_139, %dma_start3A_140] : memref<40x128xi32, #tpu.memory_space<vmem>> -> memref<1x128xi32, #tpu.memory_space<vmem>>
        %dma_start3A_142 = tpu.memref_squeeze %dma_start3A_141 : memref<1x128xi32, #tpu.memory_space<vmem>> -> memref<128xi32, #tpu.memory_space<vmem>>
        %dma_start3A_143 = arith.constant 0 : i32
        %dma_start3A_144 = arith.constant 0 : i32
        %dma_start3A_145 = tpu.memref_slice %arg2[%dma_start3A_143, %dma_start3A_144] : memref<10240x16xf32, #tpu.memory_space<hbm>> -> memref<10240x16xf32, #tpu.memory_space<hbm>>
        tpu.enqueue_indirect_dma source(%dma_start3A_145 : memref<10240x16xf32, #tpu.memory_space<hbm>>) target(%arg9 : memref<128x16xf32, #tpu.memory_space<vmem>>) offsets(%dma_start3A_142 : memref<128xi32, #tpu.memory_space<vmem>>) semaphore(%arg14 : memref<!tpu.dma_semaphore, #tpu.memory_space<semaphore_mem>>)
        %dma_wait3A_146 = arith.constant 0 : i32
        %dma_wait3A_147 = tpu.memref_slice %arg7[%add3A_129, %dma_wait3A_146] : memref<40x128xi32, #tpu.memory_space<vmem>> -> memref<1x128xi32, #tpu.memory_space<vmem>>
        %dma_wait3A_148 = tpu.memref_squeeze %dma_wait3A_147 : memref<1x128xi32, #tpu.memory_space<vmem>> -> memref<128xi32, #tpu.memory_space<vmem>>
        %dma_wait3A_149 = arith.constant 0 : i32
        %dma_wait3A_150 = arith.constant 0 : i32
        %dma_wait3A_151 = tpu.memref_slice %arg2[%dma_wait3A_149, %dma_wait3A_150] : memref<10240x16xf32, #tpu.memory_space<hbm>> -> memref<10240x16xf32, #tpu.memory_space<hbm>>
        tpu.wait_indirect_dma semaphore(%arg16 : memref<!tpu.dma_semaphore, #tpu.memory_space<semaphore_mem>>) src(%dma_wait3A_151 : memref<10240x16xf32, #tpu.memory_space<hbm>>) dst(%arg11 : memref<128x16xf32, #tpu.memory_space<vmem>>)
        %dma_start3A_152 = arith.constant 0 : i32
        %dma_start3A_153 = tpu.memref_slice %arg8[%add3A_129, %dma_start3A_152] : memref<40x128xi32, #tpu.memory_space<vmem>> -> memref<1x128xi32, #tpu.memory_space<vmem>>
        %dma_start3A_154 = tpu.memref_squeeze %dma_start3A_153 : memref<1x128xi32, #tpu.memory_space<vmem>> -> memref<128xi32, #tpu.memory_space<vmem>>
        %dma_start3A_155 = arith.constant 0 : i32
        %dma_start3A_156 = arith.constant 0 : i32
        %dma_start3A_157 = tpu.memref_slice %arg13[%dma_start3A_155, %dma_start3A_156] : memref<10240x16xf32, #tpu.memory_space<vmem_shared>> -> memref<10240x16xf32, #tpu.memory_space<vmem_shared>>
        tpu.enqueue_indirect_dma source(%arg11 : memref<128x16xf32, #tpu.memory_space<vmem>>) target(%dma_start3A_157 : memref<10240x16xf32, #tpu.memory_space<vmem_shared>>) offsets(%dma_start3A_154 : memref<128xi32, #tpu.memory_space<vmem>>) semaphore(%arg20 : memref<!tpu.dma_semaphore, #tpu.memory_space<semaphore_mem>>) {add = true}
        %mul3A_158 = arith.constant 4 : i32
        %mul3A_159 = arith.muli %mul3A_158, %scan3A_86 : i32
        %add3A_160 = arith.constant 3 : i32
        %add3A_161 = arith.addi %mul3A_159, %add3A_160 : i32
        %dma_wait3A_162 = arith.constant 0 : i32
        %dma_wait3A_163 = arith.constant 0 : i32
        %dma_wait3A_164 = tpu.memref_slice %arg8[%dma_wait3A_162, %dma_wait3A_163] : memref<40x128xi32, #tpu.memory_space<vmem>> -> memref<1x128xi32, #tpu.memory_space<vmem>>
        %dma_wait3A_165 = tpu.memref_squeeze %dma_wait3A_164 : memref<1x128xi32, #tpu.memory_space<vmem>> -> memref<128xi32, #tpu.memory_space<vmem>>
        %dma_wait3A_166 = arith.constant 0 : i32
        %dma_wait3A_167 = arith.constant 0 : i32
        %dma_wait3A_168 = tpu.memref_slice %arg13[%dma_wait3A_166, %dma_wait3A_167] : memref<10240x16xf32, #tpu.memory_space<vmem_shared>> -> memref<10240x16xf32, #tpu.memory_space<vmem_shared>>
        tpu.wait_indirect_dma semaphore(%arg19 : memref<!tpu.dma_semaphore, #tpu.memory_space<semaphore_mem>>) src(%arg10 : memref<128x16xf32, #tpu.memory_space<vmem>>) dst(%dma_wait3A_168 : memref<10240x16xf32, #tpu.memory_space<vmem_shared>>)
        %add3A_169 = arith.constant 2 : i32
        %add3A_170 = arith.addi %add3A_161, %add3A_169 : i32
        %rem3A_171 = arith.constant 40 : i32
        %rem3A_172 = arith.remsi %add3A_170, %rem3A_171 : i32
        %dma_start3A_173 = arith.constant 0 : i32
        %dma_start3A_174 = tpu.memref_slice %arg7[%rem3A_172, %dma_start3A_173] : memref<40x128xi32, #tpu.memory_space<vmem>> -> memref<1x128xi32, #tpu.memory_space<vmem>>
        %dma_start3A_175 = tpu.memref_squeeze %dma_start3A_174 : memref<1x128xi32, #tpu.memory_space<vmem>> -> memref<128xi32, #tpu.memory_space<vmem>>
        %dma_start3A_176 = arith.constant 0 : i32
        %dma_start3A_177 = arith.constant 0 : i32
        %dma_start3A_178 = tpu.memref_slice %arg2[%dma_start3A_176, %dma_start3A_177] : memref<10240x16xf32, #tpu.memory_space<hbm>> -> memref<10240x16xf32, #tpu.memory_space<hbm>>
        tpu.enqueue_indirect_dma source(%dma_start3A_178 : memref<10240x16xf32, #tpu.memory_space<hbm>>) target(%arg10 : memref<128x16xf32, #tpu.memory_space<vmem>>) offsets(%dma_start3A_175 : memref<128xi32, #tpu.memory_space<vmem>>) semaphore(%arg15 : memref<!tpu.dma_semaphore, #tpu.memory_space<semaphore_mem>>)
        %dma_wait3A_179 = arith.constant 0 : i32
        %dma_wait3A_180 = tpu.memref_slice %arg7[%add3A_161, %dma_wait3A_179] : memref<40x128xi32, #tpu.memory_space<vmem>> -> memref<1x128xi32, #tpu.memory_space<vmem>>
        %dma_wait3A_181 = tpu.memref_squeeze %dma_wait3A_180 : memref<1x128xi32, #tpu.memory_space<vmem>> -> memref<128xi32, #tpu.memory_space<vmem>>
        %dma_wait3A_182 = arith.constant 0 : i32
        %dma_wait3A_183 = arith.constant 0 : i32
        %dma_wait3A_184 = tpu.memref_slice %arg2[%dma_wait3A_182, %dma_wait3A_183] : memref<10240x16xf32, #tpu.memory_space<hbm>> -> memref<10240x16xf32, #tpu.memory_space<hbm>>
        tpu.wait_indirect_dma semaphore(%arg17 : memref<!tpu.dma_semaphore, #tpu.memory_space<semaphore_mem>>) src(%dma_wait3A_184 : memref<10240x16xf32, #tpu.memory_space<hbm>>) dst(%arg12 : memref<128x16xf32, #tpu.memory_space<vmem>>)
        %dma_start3A_185 = arith.constant 0 : i32
        %dma_start3A_186 = tpu.memref_slice %arg8[%add3A_161, %dma_start3A_185] : memref<40x128xi32, #tpu.memory_space<vmem>> -> memref<1x128xi32, #tpu.memory_space<vmem>>
        %dma_start3A_187 = tpu.memref_squeeze %dma_start3A_186 : memref<1x128xi32, #tpu.memory_space<vmem>> -> memref<128xi32, #tpu.memory_space<vmem>>
        %dma_start3A_188 = arith.constant 0 : i32
        %dma_start3A_189 = arith.constant 0 : i32
        %dma_start3A_190 = tpu.memref_slice %arg13[%dma_start3A_188, %dma_start3A_189] : memref<10240x16xf32, #tpu.memory_space<vmem_shared>> -> memref<10240x16xf32, #tpu.memory_space<vmem_shared>>
        tpu.enqueue_indirect_dma source(%arg12 : memref<128x16xf32, #tpu.memory_space<vmem>>) target(%dma_start3A_190 : memref<10240x16xf32, #tpu.memory_space<vmem_shared>>) offsets(%dma_start3A_187 : memref<128xi32, #tpu.memory_space<vmem>>) semaphore(%arg21 : memref<!tpu.dma_semaphore, #tpu.memory_space<semaphore_mem>>) {add = true}
      }
      %scan3A_58 = arith.constant 10 : i32
      %dma_wait3A = arith.constant 0 : i32
      %dma_wait3A_59 = arith.constant 0 : i32
      %dma_wait3A_60 = tpu.memref_slice %arg7[%dma_wait3A, %dma_wait3A_59] : memref<40x128xi32, #tpu.memory_space<vmem>> -> memref<1x128xi32, #tpu.memory_space<vmem>>
      %dma_wait3A_61 = tpu.memref_squeeze %dma_wait3A_60 : memref<1x128xi32, #tpu.memory_space<vmem>> -> memref<128xi32, #tpu.memory_space<vmem>>
      %dma_wait3A_62 = arith.constant 0 : i32
      %dma_wait3A_63 = arith.constant 0 : i32
      %dma_wait3A_64 = tpu.memref_slice %arg2[%dma_wait3A_62, %dma_wait3A_63] : memref<10240x16xf32, #tpu.memory_space<hbm>> -> memref<10240x16xf32, #tpu.memory_space<hbm>>
      tpu.wait_indirect_dma semaphore(%arg14 : memref<!tpu.dma_semaphore, #tpu.memory_space<semaphore_mem>>) src(%dma_wait3A_64 : memref<10240x16xf32, #tpu.memory_space<hbm>>) dst(%arg9 : memref<128x16xf32, #tpu.memory_space<vmem>>)
      %dma_wait3A_65 = arith.constant 0 : i32
      %dma_wait3A_66 = arith.constant 0 : i32
      %dma_wait3A_67 = tpu.memref_slice %arg7[%dma_wait3A_65, %dma_wait3A_66] : memref<40x128xi32, #tpu.memory_space<vmem>> -> memref<1x128xi32, #tpu.memory_space<vmem>>
      %dma_wait3A_68 = tpu.memref_squeeze %dma_wait3A_67 : memref<1x128xi32, #tpu.memory_space<vmem>> -> memref<128xi32, #tpu.memory_space<vmem>>
      %dma_wait3A_69 = arith.constant 0 : i32
      %dma_wait3A_70 = arith.constant 0 : i32
      %dma_wait3A_71 = tpu.memref_slice %arg2[%dma_wait3A_69, %dma_wait3A_70] : memref<10240x16xf32, #tpu.memory_space<hbm>> -> memref<10240x16xf32, #tpu.memory_space<hbm>>
      tpu.wait_indirect_dma semaphore(%arg15 : memref<!tpu.dma_semaphore, #tpu.memory_space<semaphore_mem>>) src(%dma_wait3A_71 : memref<10240x16xf32, #tpu.memory_space<hbm>>) dst(%arg10 : memref<128x16xf32, #tpu.memory_space<vmem>>)
      %dma_wait3A_72 = arith.constant 0 : i32
      %dma_wait3A_73 = arith.constant 0 : i32
      %dma_wait3A_74 = tpu.memref_slice %arg8[%dma_wait3A_72, %dma_wait3A_73] : memref<40x128xi32, #tpu.memory_space<vmem>> -> memref<1x128xi32, #tpu.memory_space<vmem>>
      %dma_wait3A_75 = tpu.memref_squeeze %dma_wait3A_74 : memref<1x128xi32, #tpu.memory_space<vmem>> -> memref<128xi32, #tpu.memory_space<vmem>>
      %dma_wait3A_76 = arith.constant 0 : i32
      %dma_wait3A_77 = arith.constant 0 : i32
      %dma_wait3A_78 = tpu.memref_slice %arg13[%dma_wait3A_76, %dma_wait3A_77] : memref<10240x16xf32, #tpu.memory_space<vmem_shared>> -> memref<10240x16xf32, #tpu.memory_space<vmem_shared>>
      tpu.wait_indirect_dma semaphore(%arg20 : memref<!tpu.dma_semaphore, #tpu.memory_space<semaphore_mem>>) src(%arg11 : memref<128x16xf32, #tpu.memory_space<vmem>>) dst(%dma_wait3A_78 : memref<10240x16xf32, #tpu.memory_space<vmem_shared>>)
      %dma_wait3A_79 = arith.constant 0 : i32
      %dma_wait3A_80 = arith.constant 0 : i32
      %dma_wait3A_81 = tpu.memref_slice %arg8[%dma_wait3A_79, %dma_wait3A_80] : memref<40x128xi32, #tpu.memory_space<vmem>> -> memref<1x128xi32, #tpu.memory_space<vmem>>
      %dma_wait3A_82 = tpu.memref_squeeze %dma_wait3A_81 : memref<1x128xi32, #tpu.memory_space<vmem>> -> memref<128xi32, #tpu.memory_space<vmem>>
      %dma_wait3A_83 = arith.constant 0 : i32
      %dma_wait3A_84 = arith.constant 0 : i32
      %dma_wait3A_85 = tpu.memref_slice %arg13[%dma_wait3A_83, %dma_wait3A_84] : memref<10240x16xf32, #tpu.memory_space<vmem_shared>> -> memref<10240x16xf32, #tpu.memory_space<vmem_shared>>
      tpu.wait_indirect_dma semaphore(%arg21 : memref<!tpu.dma_semaphore, #tpu.memory_space<semaphore_mem>>) src(%arg12 : memref<128x16xf32, #tpu.memory_space<vmem>>) dst(%dma_wait3A_85 : memref<10240x16xf32, #tpu.memory_space<vmem_shared>>)
    }
    %scan3A_13 = arith.constant 2 : i32
    %barrier3A_14 = arith.constant 0 : index
    tpu.barrier barrier_id(%barrier3A_14)
    %scan3A_15 = arith.constant 0 : i32
    %scan3A_16 = arith.constant 0 : i32
    %scan3A_17 = arith.constant 5 : i32
    %scan3A_18 = arith.addi %scan3A_16, %scan3A_17 : i32
    %scan3A_19 = arith.constant 1 : i32
    scf.for %scan3A_21 = %scan3A_16 to %scan3A_18 step %scan3A_19  : i32 {
      %mul3A_22 = arith.constant 128 : i32
      %mul3A_23 = arith.muli %scan3A_21, %mul3A_22 : i32
      %add3A_24 = arith.addi %mul3A_2, %mul3A_23 : i32
      "tpu.region"() ({
        %run_scoped3A = tpu.sem_alloc : memref<!tpu.dma_semaphore, #tpu.memory_space<semaphore_mem>>
        %dma_start3A = arith.constant 0 : i32
        %dma_start3A_28 = tpu.memref_slice %arg13[%add3A_24, %dma_start3A] : memref<10240x16xf32, #tpu.memory_space<vmem_shared>> -> memref<128x16xf32, #tpu.memory_space<vmem_shared>>
        %dma_start3A_29 = arith.constant 0 : i32
        %dma_start3A_30 = tpu.memref_slice %arg13[%add3A_24, %dma_start3A_29] : memref<10240x16xf32, #tpu.memory_space<vmem_shared>> -> memref<128x16xf32, #tpu.memory_space<vmem_shared>>
        tpu.enqueue_dma source(%dma_start3A_30 : memref<128x16xf32, #tpu.memory_space<vmem_shared>>) target(%arg9 : memref<128x16xf32, #tpu.memory_space<vmem>>) target_semaphore(%run_scoped3A : memref<!tpu.dma_semaphore, #tpu.memory_space<semaphore_mem>>)
        %dma_wait3A = arith.constant 0 : i32
        %dma_wait3A_31 = tpu.memref_slice %arg13[%add3A_24, %dma_wait3A] : memref<10240x16xf32, #tpu.memory_space<vmem_shared>> -> memref<128x16xf32, #tpu.memory_space<vmem_shared>>
        %dma_wait3A_32 = arith.constant 0 : i32
        %dma_wait3A_33 = tpu.memref_slice %arg13[%add3A_24, %dma_wait3A_32] : memref<10240x16xf32, #tpu.memory_space<vmem_shared>> -> memref<128x16xf32, #tpu.memory_space<vmem_shared>>
        tpu.wait_dma2 semaphore(%run_scoped3A : memref<!tpu.dma_semaphore, #tpu.memory_space<semaphore_mem>>) src(%dma_wait3A_33 : memref<128x16xf32, #tpu.memory_space<vmem_shared>>) dst(%arg9 : memref<128x16xf32, #tpu.memory_space<vmem>>)
        tpu.yield
      }) : () -> ()
      %mul3A_25 = arith.constant 128 : i32
      %mul3A_26 = arith.muli %scan3A_21, %mul3A_25 : i32
      %add3A_27 = arith.addi %mul3A_2, %mul3A_26 : i32
      "tpu.region"() ({
        %run_scoped3A = tpu.sem_alloc : memref<!tpu.dma_semaphore, #tpu.memory_space<semaphore_mem>>
        %dma_start3A = arith.constant 0 : i32
        %dma_start3A_28 = tpu.memref_slice %arg6[%arg0, %add3A_27, %dma_start3A] : memref<2x10240x16xf32, #tpu.memory_space<hbm>> -> memref<1x128x16xf32, #tpu.memory_space<hbm>>
        %dma_start3A_29 = tpu.memref_squeeze %dma_start3A_28 : memref<1x128x16xf32, #tpu.memory_space<hbm>> -> memref<128x16xf32, #tpu.memory_space<hbm>>
        %dma_start3A_30 = arith.constant 0 : i32
        %dma_start3A_31 = tpu.memref_slice %arg6[%arg0, %add3A_27, %dma_start3A_30] : memref<2x10240x16xf32, #tpu.memory_space<hbm>> -> memref<1x128x16xf32, #tpu.memory_space<hbm>>
        %dma_start3A_32 = tpu.memref_squeeze %dma_start3A_31 : memref<1x128x16xf32, #tpu.memory_space<hbm>> -> memref<128x16xf32, #tpu.memory_space<hbm>>
        tpu.enqueue_dma source(%arg9 : memref<128x16xf32, #tpu.memory_space<vmem>>) target(%dma_start3A_32 : memref<128x16xf32, #tpu.memory_space<hbm>>) target_semaphore(%run_scoped3A : memref<!tpu.dma_semaphore, #tpu.memory_space<semaphore_mem>>)
        %dma_wait3A = arith.constant 0 : i32
        %dma_wait3A_33 = tpu.memref_slice %arg6[%arg0, %add3A_27, %dma_wait3A] : memref<2x10240x16xf32, #tpu.memory_space<hbm>> -> memref<1x128x16xf32, #tpu.memory_space<hbm>>
        %dma_wait3A_34 = tpu.memref_squeeze %dma_wait3A_33 : memref<1x128x16xf32, #tpu.memory_space<hbm>> -> memref<128x16xf32, #tpu.memory_space<hbm>>
        %dma_wait3A_35 = arith.constant 0 : i32
        %dma_wait3A_36 = tpu.memref_slice %arg6[%arg0, %add3A_27, %dma_wait3A_35] : memref<2x10240x16xf32, #tpu.memory_space<hbm>> -> memref<1x128x16xf32, #tpu.memory_space<hbm>>
        %dma_wait3A_37 = tpu.memref_squeeze %dma_wait3A_36 : memref<1x128x16xf32, #tpu.memory_space<hbm>> -> memref<128x16xf32, #tpu.memory_space<hbm>>
        tpu.wait_dma2 semaphore(%run_scoped3A : memref<!tpu.dma_semaphore, #tpu.memory_space<semaphore_mem>>) src(%arg9 : memref<128x16xf32, #tpu.memory_space<vmem>>) dst(%dma_wait3A_37 : memref<128x16xf32, #tpu.memory_space<hbm>>)
        tpu.yield
      }) : () -> ()
    }
    %scan3A_20 = arith.constant 5 : i32
    return
  }
}

#map = affine_map<(d0, d1) -> (0, 0)>
#map1 = affine_map<(d0, d1) -> (0, 0, 0)>
module attributes {stable_mosaic.version = 14 : i64} {
  func.func @agg_kernel(%arg0: i32, %arg1: i32, %arg2: memref<10240x128xf32, #tpu.memory_space<hbm>>, %arg3: memref<128x128xf32, #tpu.memory_space<hbm>>, %arg4: memref<32x80x128xi32, #tpu.memory_space<hbm>>, %arg5: memref<32x80x128xi32, #tpu.memory_space<hbm>>, %arg6: memref<2x10240x128xf32, #tpu.memory_space<hbm>>, %arg7: memref<40x128xi32, #tpu.memory_space<vmem>>, %arg8: memref<40x128xi32, #tpu.memory_space<vmem>>, %arg9: memref<128x128xf32, #tpu.memory_space<vmem>>, %arg10: memref<128x128xf32, #tpu.memory_space<vmem>>, %arg11: memref<10240x128xf32, #tpu.memory_space<vmem_shared>>, %arg12: memref<!tpu.dma_semaphore, #tpu.memory_space<semaphore_mem>>, %arg13: memref<!tpu.dma_semaphore, #tpu.memory_space<semaphore_mem>>) attributes {dimension_semantics = [#tpu.dimension_semantics<core_parallel>, #tpu.dimension_semantics<subcore_parallel>], iteration_bounds = array<i64: 2, 16>, scalar_prefetch = 0 : i64, scratch_operands = 7 : i64, tpu.core_type = #tpu.core_type<sc_vector_subcore>, window_params = [{transform_indices = #map}, {transform_indices = #map}, {transform_indices = #map1}, {transform_indices = #map1}, {transform_indices = #map1}]} {
    %mul3A = arith.constant 16 : i32
    %mul3A_0 = arith.muli %arg0, %mul3A : i32
    %add3A = arith.addi %mul3A_0, %arg1 : i32
    %mul3A_1 = arith.constant 640 : i32
    %mul3A_2 = arith.muli %arg1, %mul3A_1 : i32
    "tpu.region"() ({
      %run_scoped3A = tpu.sem_alloc : memref<!tpu.dma_semaphore, #tpu.memory_space<semaphore_mem>>
      tpu.enqueue_dma source(%arg3 : memref<128x128xf32, #tpu.memory_space<hbm>>) target(%arg9 : memref<128x128xf32, #tpu.memory_space<vmem>>) target_semaphore(%run_scoped3A : memref<!tpu.dma_semaphore, #tpu.memory_space<semaphore_mem>>)
      tpu.wait_dma2 semaphore(%run_scoped3A : memref<!tpu.dma_semaphore, #tpu.memory_space<semaphore_mem>>) src(%arg3 : memref<128x128xf32, #tpu.memory_space<hbm>>) dst(%arg9 : memref<128x128xf32, #tpu.memory_space<vmem>>)
      tpu.yield
    }) : () -> ()
    %scan3A = arith.constant 0 : i32
    %scan3A_3 = arith.constant 0 : i32
    %scan3A_4 = arith.constant 5 : i32
    %scan3A_5 = arith.addi %scan3A_3, %scan3A_4 : i32
    %scan3A_6 = arith.constant 1 : i32
    scf.for %scan3A_21 = %scan3A_3 to %scan3A_5 step %scan3A_6  : i32 {
      %mul3A_22 = arith.constant 128 : i32
      %mul3A_23 = arith.muli %scan3A_21, %mul3A_22 : i32
      %add3A_24 = arith.addi %mul3A_2, %mul3A_23 : i32
      "tpu.region"() ({
        %run_scoped3A = tpu.sem_alloc : memref<!tpu.dma_semaphore, #tpu.memory_space<semaphore_mem>>
        %dma_start3A = arith.constant 0 : i32
        %dma_start3A_25 = tpu.memref_slice %arg11[%add3A_24, %dma_start3A] : memref<10240x128xf32, #tpu.memory_space<vmem_shared>> -> memref<128x128xf32, #tpu.memory_space<vmem_shared>>
        %dma_start3A_26 = arith.constant 0 : i32
        %dma_start3A_27 = tpu.memref_slice %arg11[%add3A_24, %dma_start3A_26] : memref<10240x128xf32, #tpu.memory_space<vmem_shared>> -> memref<128x128xf32, #tpu.memory_space<vmem_shared>>
        tpu.enqueue_dma source(%arg9 : memref<128x128xf32, #tpu.memory_space<vmem>>) target(%dma_start3A_27 : memref<128x128xf32, #tpu.memory_space<vmem_shared>>) target_semaphore(%run_scoped3A : memref<!tpu.dma_semaphore, #tpu.memory_space<semaphore_mem>>)
        %dma_wait3A = arith.constant 0 : i32
        %dma_wait3A_28 = tpu.memref_slice %arg11[%add3A_24, %dma_wait3A] : memref<10240x128xf32, #tpu.memory_space<vmem_shared>> -> memref<128x128xf32, #tpu.memory_space<vmem_shared>>
        %dma_wait3A_29 = arith.constant 0 : i32
        %dma_wait3A_30 = tpu.memref_slice %arg11[%add3A_24, %dma_wait3A_29] : memref<10240x128xf32, #tpu.memory_space<vmem_shared>> -> memref<128x128xf32, #tpu.memory_space<vmem_shared>>
        tpu.wait_dma2 semaphore(%run_scoped3A : memref<!tpu.dma_semaphore, #tpu.memory_space<semaphore_mem>>) src(%arg9 : memref<128x128xf32, #tpu.memory_space<vmem>>) dst(%dma_wait3A_30 : memref<128x128xf32, #tpu.memory_space<vmem_shared>>)
        tpu.yield
      }) : () -> ()
    }
    %scan3A_7 = arith.constant 5 : i32
    %barrier3A = arith.constant 0 : index
    tpu.barrier barrier_id(%barrier3A)
    %scan3A_8 = arith.constant 0 : i32
    %scan3A_9 = arith.constant 0 : i32
    %scan3A_10 = arith.constant 2 : i32
    %scan3A_11 = arith.addi %scan3A_9, %scan3A_10 : i32
    %scan3A_12 = arith.constant 1 : i32
    scf.for %scan3A_21 = %scan3A_9 to %scan3A_11 step %scan3A_12  : i32 {
      %mul3A_22 = arith.constant 40 : i32
      %mul3A_23 = arith.muli %scan3A_21, %mul3A_22 : i32
      "tpu.region"() ({
        %run_scoped3A = tpu.sem_alloc : memref<!tpu.dma_semaphore, #tpu.memory_space<semaphore_mem>>
        %dma_start3A_44 = arith.constant 0 : i32
        %dma_start3A_45 = tpu.memref_slice %arg4[%add3A, %mul3A_23, %dma_start3A_44] : memref<32x80x128xi32, #tpu.memory_space<hbm>> -> memref<1x40x128xi32, #tpu.memory_space<hbm>>
        %dma_start3A_46 = tpu.memref_squeeze %dma_start3A_45 : memref<1x40x128xi32, #tpu.memory_space<hbm>> -> memref<40x128xi32, #tpu.memory_space<hbm>>
        %dma_start3A_47 = arith.constant 0 : i32
        %dma_start3A_48 = tpu.memref_slice %arg4[%add3A, %mul3A_23, %dma_start3A_47] : memref<32x80x128xi32, #tpu.memory_space<hbm>> -> memref<1x40x128xi32, #tpu.memory_space<hbm>>
        %dma_start3A_49 = tpu.memref_squeeze %dma_start3A_48 : memref<1x40x128xi32, #tpu.memory_space<hbm>> -> memref<40x128xi32, #tpu.memory_space<hbm>>
        tpu.enqueue_dma source(%dma_start3A_49 : memref<40x128xi32, #tpu.memory_space<hbm>>) target(%arg7 : memref<40x128xi32, #tpu.memory_space<vmem>>) target_semaphore(%run_scoped3A : memref<!tpu.dma_semaphore, #tpu.memory_space<semaphore_mem>>)
        %dma_wait3A_50 = arith.constant 0 : i32
        %dma_wait3A_51 = tpu.memref_slice %arg4[%add3A, %mul3A_23, %dma_wait3A_50] : memref<32x80x128xi32, #tpu.memory_space<hbm>> -> memref<1x40x128xi32, #tpu.memory_space<hbm>>
        %dma_wait3A_52 = tpu.memref_squeeze %dma_wait3A_51 : memref<1x40x128xi32, #tpu.memory_space<hbm>> -> memref<40x128xi32, #tpu.memory_space<hbm>>
        %dma_wait3A_53 = arith.constant 0 : i32
        %dma_wait3A_54 = tpu.memref_slice %arg4[%add3A, %mul3A_23, %dma_wait3A_53] : memref<32x80x128xi32, #tpu.memory_space<hbm>> -> memref<1x40x128xi32, #tpu.memory_space<hbm>>
        %dma_wait3A_55 = tpu.memref_squeeze %dma_wait3A_54 : memref<1x40x128xi32, #tpu.memory_space<hbm>> -> memref<40x128xi32, #tpu.memory_space<hbm>>
        tpu.wait_dma2 semaphore(%run_scoped3A : memref<!tpu.dma_semaphore, #tpu.memory_space<semaphore_mem>>) src(%dma_wait3A_55 : memref<40x128xi32, #tpu.memory_space<hbm>>) dst(%arg7 : memref<40x128xi32, #tpu.memory_space<vmem>>)
        tpu.yield
      }) : () -> ()
      %mul3A_24 = arith.constant 40 : i32
      %mul3A_25 = arith.muli %scan3A_21, %mul3A_24 : i32
      "tpu.region"() ({
        %run_scoped3A = tpu.sem_alloc : memref<!tpu.dma_semaphore, #tpu.memory_space<semaphore_mem>>
        %dma_start3A_44 = arith.constant 0 : i32
        %dma_start3A_45 = tpu.memref_slice %arg5[%add3A, %mul3A_25, %dma_start3A_44] : memref<32x80x128xi32, #tpu.memory_space<hbm>> -> memref<1x40x128xi32, #tpu.memory_space<hbm>>
        %dma_start3A_46 = tpu.memref_squeeze %dma_start3A_45 : memref<1x40x128xi32, #tpu.memory_space<hbm>> -> memref<40x128xi32, #tpu.memory_space<hbm>>
        %dma_start3A_47 = arith.constant 0 : i32
        %dma_start3A_48 = tpu.memref_slice %arg5[%add3A, %mul3A_25, %dma_start3A_47] : memref<32x80x128xi32, #tpu.memory_space<hbm>> -> memref<1x40x128xi32, #tpu.memory_space<hbm>>
        %dma_start3A_49 = tpu.memref_squeeze %dma_start3A_48 : memref<1x40x128xi32, #tpu.memory_space<hbm>> -> memref<40x128xi32, #tpu.memory_space<hbm>>
        tpu.enqueue_dma source(%dma_start3A_49 : memref<40x128xi32, #tpu.memory_space<hbm>>) target(%arg8 : memref<40x128xi32, #tpu.memory_space<vmem>>) target_semaphore(%run_scoped3A : memref<!tpu.dma_semaphore, #tpu.memory_space<semaphore_mem>>)
        %dma_wait3A_50 = arith.constant 0 : i32
        %dma_wait3A_51 = tpu.memref_slice %arg5[%add3A, %mul3A_25, %dma_wait3A_50] : memref<32x80x128xi32, #tpu.memory_space<hbm>> -> memref<1x40x128xi32, #tpu.memory_space<hbm>>
        %dma_wait3A_52 = tpu.memref_squeeze %dma_wait3A_51 : memref<1x40x128xi32, #tpu.memory_space<hbm>> -> memref<40x128xi32, #tpu.memory_space<hbm>>
        %dma_wait3A_53 = arith.constant 0 : i32
        %dma_wait3A_54 = tpu.memref_slice %arg5[%add3A, %mul3A_25, %dma_wait3A_53] : memref<32x80x128xi32, #tpu.memory_space<hbm>> -> memref<1x40x128xi32, #tpu.memory_space<hbm>>
        %dma_wait3A_55 = tpu.memref_squeeze %dma_wait3A_54 : memref<1x40x128xi32, #tpu.memory_space<hbm>> -> memref<40x128xi32, #tpu.memory_space<hbm>>
        tpu.wait_dma2 semaphore(%run_scoped3A : memref<!tpu.dma_semaphore, #tpu.memory_space<semaphore_mem>>) src(%dma_wait3A_55 : memref<40x128xi32, #tpu.memory_space<hbm>>) dst(%arg8 : memref<40x128xi32, #tpu.memory_space<vmem>>)
        tpu.yield
      }) : () -> ()
      %dma_start3A = arith.constant 0 : i32
      %dma_start3A_26 = arith.constant 0 : i32
      %dma_start3A_27 = tpu.memref_slice %arg7[%dma_start3A, %dma_start3A_26] : memref<40x128xi32, #tpu.memory_space<vmem>> -> memref<1x128xi32, #tpu.memory_space<vmem>>
      %dma_start3A_28 = tpu.memref_squeeze %dma_start3A_27 : memref<1x128xi32, #tpu.memory_space<vmem>> -> memref<128xi32, #tpu.memory_space<vmem>>
      %dma_start3A_29 = arith.constant 0 : i32
      %dma_start3A_30 = arith.constant 0 : i32
      %dma_start3A_31 = tpu.memref_slice %arg2[%dma_start3A_29, %dma_start3A_30] : memref<10240x128xf32, #tpu.memory_space<hbm>> -> memref<10240x128xf32, #tpu.memory_space<hbm>>
      tpu.enqueue_indirect_dma source(%dma_start3A_31 : memref<10240x128xf32, #tpu.memory_space<hbm>>) target(%arg9 : memref<128x128xf32, #tpu.memory_space<vmem>>) offsets(%dma_start3A_28 : memref<128xi32, #tpu.memory_space<vmem>>) semaphore(%arg12 : memref<!tpu.dma_semaphore, #tpu.memory_space<semaphore_mem>>)
      %scan3A_32 = arith.constant 0 : i32
      %scan3A_33 = arith.constant 0 : i32
      %scan3A_34 = arith.constant 20 : i32
      %scan3A_35 = arith.addi %scan3A_33, %scan3A_34 : i32
      %scan3A_36 = arith.constant 1 : i32
      scf.for %scan3A_44 = %scan3A_33 to %scan3A_35 step %scan3A_36  : i32 {
        %mul3A_45 = arith.constant 2 : i32
        %mul3A_46 = arith.muli %mul3A_45, %scan3A_44 : i32
        %mul3A_47 = arith.constant 2 : i32
        %mul3A_48 = arith.muli %mul3A_47, %scan3A_44 : i32
        %add3A_49 = arith.constant 1 : i32
        %add3A_50 = arith.addi %mul3A_48, %add3A_49 : i32
        %dma_start3A_51 = arith.constant 0 : i32
        %dma_start3A_52 = tpu.memref_slice %arg7[%add3A_50, %dma_start3A_51] : memref<40x128xi32, #tpu.memory_space<vmem>> -> memref<1x128xi32, #tpu.memory_space<vmem>>
        %dma_start3A_53 = tpu.memref_squeeze %dma_start3A_52 : memref<1x128xi32, #tpu.memory_space<vmem>> -> memref<128xi32, #tpu.memory_space<vmem>>
        %dma_start3A_54 = arith.constant 0 : i32
        %dma_start3A_55 = arith.constant 0 : i32
        %dma_start3A_56 = tpu.memref_slice %arg2[%dma_start3A_54, %dma_start3A_55] : memref<10240x128xf32, #tpu.memory_space<hbm>> -> memref<10240x128xf32, #tpu.memory_space<hbm>>
        tpu.enqueue_indirect_dma source(%dma_start3A_56 : memref<10240x128xf32, #tpu.memory_space<hbm>>) target(%arg10 : memref<128x128xf32, #tpu.memory_space<vmem>>) offsets(%dma_start3A_53 : memref<128xi32, #tpu.memory_space<vmem>>) semaphore(%arg13 : memref<!tpu.dma_semaphore, #tpu.memory_space<semaphore_mem>>)
        %dma_wait3A_57 = arith.constant 0 : i32
        %dma_wait3A_58 = tpu.memref_slice %arg7[%mul3A_46, %dma_wait3A_57] : memref<40x128xi32, #tpu.memory_space<vmem>> -> memref<1x128xi32, #tpu.memory_space<vmem>>
        %dma_wait3A_59 = tpu.memref_squeeze %dma_wait3A_58 : memref<1x128xi32, #tpu.memory_space<vmem>> -> memref<128xi32, #tpu.memory_space<vmem>>
        %dma_wait3A_60 = arith.constant 0 : i32
        %dma_wait3A_61 = arith.constant 0 : i32
        %dma_wait3A_62 = tpu.memref_slice %arg2[%dma_wait3A_60, %dma_wait3A_61] : memref<10240x128xf32, #tpu.memory_space<hbm>> -> memref<10240x128xf32, #tpu.memory_space<hbm>>
        tpu.wait_indirect_dma semaphore(%arg12 : memref<!tpu.dma_semaphore, #tpu.memory_space<semaphore_mem>>) src(%dma_wait3A_62 : memref<10240x128xf32, #tpu.memory_space<hbm>>) dst(%arg9 : memref<128x128xf32, #tpu.memory_space<vmem>>)
        "tpu.region"() ({
          %run_scoped3A = tpu.sem_alloc : memref<!tpu.dma_semaphore, #tpu.memory_space<semaphore_mem>>
          %dma_start3A_78 = arith.constant 0 : i32
          %dma_start3A_79 = tpu.memref_slice %arg8[%mul3A_46, %dma_start3A_78] : memref<40x128xi32, #tpu.memory_space<vmem>> -> memref<1x128xi32, #tpu.memory_space<vmem>>
          %dma_start3A_80 = tpu.memref_squeeze %dma_start3A_79 : memref<1x128xi32, #tpu.memory_space<vmem>> -> memref<128xi32, #tpu.memory_space<vmem>>
          %dma_start3A_81 = arith.constant 0 : i32
          %dma_start3A_82 = arith.constant 0 : i32
          %dma_start3A_83 = tpu.memref_slice %arg11[%dma_start3A_81, %dma_start3A_82] : memref<10240x128xf32, #tpu.memory_space<vmem_shared>> -> memref<10240x128xf32, #tpu.memory_space<vmem_shared>>
          tpu.enqueue_indirect_dma source(%arg9 : memref<128x128xf32, #tpu.memory_space<vmem>>) target(%dma_start3A_83 : memref<10240x128xf32, #tpu.memory_space<vmem_shared>>) offsets(%dma_start3A_80 : memref<128xi32, #tpu.memory_space<vmem>>) semaphore(%run_scoped3A : memref<!tpu.dma_semaphore, #tpu.memory_space<semaphore_mem>>) {add = true}
          %dma_wait3A_84 = arith.constant 0 : i32
          %dma_wait3A_85 = tpu.memref_slice %arg8[%mul3A_46, %dma_wait3A_84] : memref<40x128xi32, #tpu.memory_space<vmem>> -> memref<1x128xi32, #tpu.memory_space<vmem>>
          %dma_wait3A_86 = tpu.memref_squeeze %dma_wait3A_85 : memref<1x128xi32, #tpu.memory_space<vmem>> -> memref<128xi32, #tpu.memory_space<vmem>>
          %dma_wait3A_87 = arith.constant 0 : i32
          %dma_wait3A_88 = arith.constant 0 : i32
          %dma_wait3A_89 = tpu.memref_slice %arg11[%dma_wait3A_87, %dma_wait3A_88] : memref<10240x128xf32, #tpu.memory_space<vmem_shared>> -> memref<10240x128xf32, #tpu.memory_space<vmem_shared>>
          tpu.wait_indirect_dma semaphore(%run_scoped3A : memref<!tpu.dma_semaphore, #tpu.memory_space<semaphore_mem>>) src(%arg9 : memref<128x128xf32, #tpu.memory_space<vmem>>) dst(%dma_wait3A_89 : memref<10240x128xf32, #tpu.memory_space<vmem_shared>>)
          tpu.yield
        }) : () -> ()
        %add3A_63 = arith.constant 2 : i32
        %add3A_64 = arith.addi %mul3A_46, %add3A_63 : i32
        %rem3A = arith.constant 40 : i32
        %rem3A_65 = arith.remsi %add3A_64, %rem3A : i32
        %dma_start3A_66 = arith.constant 0 : i32
        %dma_start3A_67 = tpu.memref_slice %arg7[%rem3A_65, %dma_start3A_66] : memref<40x128xi32, #tpu.memory_space<vmem>> -> memref<1x128xi32, #tpu.memory_space<vmem>>
        %dma_start3A_68 = tpu.memref_squeeze %dma_start3A_67 : memref<1x128xi32, #tpu.memory_space<vmem>> -> memref<128xi32, #tpu.memory_space<vmem>>
        %dma_start3A_69 = arith.constant 0 : i32
        %dma_start3A_70 = arith.constant 0 : i32
        %dma_start3A_71 = tpu.memref_slice %arg2[%dma_start3A_69, %dma_start3A_70] : memref<10240x128xf32, #tpu.memory_space<hbm>> -> memref<10240x128xf32, #tpu.memory_space<hbm>>
        tpu.enqueue_indirect_dma source(%dma_start3A_71 : memref<10240x128xf32, #tpu.memory_space<hbm>>) target(%arg9 : memref<128x128xf32, #tpu.memory_space<vmem>>) offsets(%dma_start3A_68 : memref<128xi32, #tpu.memory_space<vmem>>) semaphore(%arg12 : memref<!tpu.dma_semaphore, #tpu.memory_space<semaphore_mem>>)
        %dma_wait3A_72 = arith.constant 0 : i32
        %dma_wait3A_73 = tpu.memref_slice %arg7[%add3A_50, %dma_wait3A_72] : memref<40x128xi32, #tpu.memory_space<vmem>> -> memref<1x128xi32, #tpu.memory_space<vmem>>
        %dma_wait3A_74 = tpu.memref_squeeze %dma_wait3A_73 : memref<1x128xi32, #tpu.memory_space<vmem>> -> memref<128xi32, #tpu.memory_space<vmem>>
        %dma_wait3A_75 = arith.constant 0 : i32
        %dma_wait3A_76 = arith.constant 0 : i32
        %dma_wait3A_77 = tpu.memref_slice %arg2[%dma_wait3A_75, %dma_wait3A_76] : memref<10240x128xf32, #tpu.memory_space<hbm>> -> memref<10240x128xf32, #tpu.memory_space<hbm>>
        tpu.wait_indirect_dma semaphore(%arg13 : memref<!tpu.dma_semaphore, #tpu.memory_space<semaphore_mem>>) src(%dma_wait3A_77 : memref<10240x128xf32, #tpu.memory_space<hbm>>) dst(%arg10 : memref<128x128xf32, #tpu.memory_space<vmem>>)
        "tpu.region"() ({
          %run_scoped3A = tpu.sem_alloc : memref<!tpu.dma_semaphore, #tpu.memory_space<semaphore_mem>>
          %dma_start3A_78 = arith.constant 0 : i32
          %dma_start3A_79 = tpu.memref_slice %arg8[%add3A_50, %dma_start3A_78] : memref<40x128xi32, #tpu.memory_space<vmem>> -> memref<1x128xi32, #tpu.memory_space<vmem>>
          %dma_start3A_80 = tpu.memref_squeeze %dma_start3A_79 : memref<1x128xi32, #tpu.memory_space<vmem>> -> memref<128xi32, #tpu.memory_space<vmem>>
          %dma_start3A_81 = arith.constant 0 : i32
          %dma_start3A_82 = arith.constant 0 : i32
          %dma_start3A_83 = tpu.memref_slice %arg11[%dma_start3A_81, %dma_start3A_82] : memref<10240x128xf32, #tpu.memory_space<vmem_shared>> -> memref<10240x128xf32, #tpu.memory_space<vmem_shared>>
          tpu.enqueue_indirect_dma source(%arg10 : memref<128x128xf32, #tpu.memory_space<vmem>>) target(%dma_start3A_83 : memref<10240x128xf32, #tpu.memory_space<vmem_shared>>) offsets(%dma_start3A_80 : memref<128xi32, #tpu.memory_space<vmem>>) semaphore(%run_scoped3A : memref<!tpu.dma_semaphore, #tpu.memory_space<semaphore_mem>>) {add = true}
          %dma_wait3A_84 = arith.constant 0 : i32
          %dma_wait3A_85 = tpu.memref_slice %arg8[%add3A_50, %dma_wait3A_84] : memref<40x128xi32, #tpu.memory_space<vmem>> -> memref<1x128xi32, #tpu.memory_space<vmem>>
          %dma_wait3A_86 = tpu.memref_squeeze %dma_wait3A_85 : memref<1x128xi32, #tpu.memory_space<vmem>> -> memref<128xi32, #tpu.memory_space<vmem>>
          %dma_wait3A_87 = arith.constant 0 : i32
          %dma_wait3A_88 = arith.constant 0 : i32
          %dma_wait3A_89 = tpu.memref_slice %arg11[%dma_wait3A_87, %dma_wait3A_88] : memref<10240x128xf32, #tpu.memory_space<vmem_shared>> -> memref<10240x128xf32, #tpu.memory_space<vmem_shared>>
          tpu.wait_indirect_dma semaphore(%run_scoped3A : memref<!tpu.dma_semaphore, #tpu.memory_space<semaphore_mem>>) src(%arg10 : memref<128x128xf32, #tpu.memory_space<vmem>>) dst(%dma_wait3A_89 : memref<10240x128xf32, #tpu.memory_space<vmem_shared>>)
          tpu.yield
        }) : () -> ()
      }
      %scan3A_37 = arith.constant 20 : i32
      %dma_wait3A = arith.constant 0 : i32
      %dma_wait3A_38 = arith.constant 0 : i32
      %dma_wait3A_39 = tpu.memref_slice %arg7[%dma_wait3A, %dma_wait3A_38] : memref<40x128xi32, #tpu.memory_space<vmem>> -> memref<1x128xi32, #tpu.memory_space<vmem>>
      %dma_wait3A_40 = tpu.memref_squeeze %dma_wait3A_39 : memref<1x128xi32, #tpu.memory_space<vmem>> -> memref<128xi32, #tpu.memory_space<vmem>>
      %dma_wait3A_41 = arith.constant 0 : i32
      %dma_wait3A_42 = arith.constant 0 : i32
      %dma_wait3A_43 = tpu.memref_slice %arg2[%dma_wait3A_41, %dma_wait3A_42] : memref<10240x128xf32, #tpu.memory_space<hbm>> -> memref<10240x128xf32, #tpu.memory_space<hbm>>
      tpu.wait_indirect_dma semaphore(%arg12 : memref<!tpu.dma_semaphore, #tpu.memory_space<semaphore_mem>>) src(%dma_wait3A_43 : memref<10240x128xf32, #tpu.memory_space<hbm>>) dst(%arg9 : memref<128x128xf32, #tpu.memory_space<vmem>>)
    }
    %scan3A_13 = arith.constant 2 : i32
    %barrier3A_14 = arith.constant 0 : index
    tpu.barrier barrier_id(%barrier3A_14)
    %scan3A_15 = arith.constant 0 : i32
    %scan3A_16 = arith.constant 0 : i32
    %scan3A_17 = arith.constant 5 : i32
    %scan3A_18 = arith.addi %scan3A_16, %scan3A_17 : i32
    %scan3A_19 = arith.constant 1 : i32
    scf.for %scan3A_21 = %scan3A_16 to %scan3A_18 step %scan3A_19  : i32 {
      %mul3A_22 = arith.constant 128 : i32
      %mul3A_23 = arith.muli %scan3A_21, %mul3A_22 : i32
      %add3A_24 = arith.addi %mul3A_2, %mul3A_23 : i32
      "tpu.region"() ({
        %run_scoped3A = tpu.sem_alloc : memref<!tpu.dma_semaphore, #tpu.memory_space<semaphore_mem>>
        %dma_start3A = arith.constant 0 : i32
        %dma_start3A_28 = tpu.memref_slice %arg11[%add3A_24, %dma_start3A] : memref<10240x128xf32, #tpu.memory_space<vmem_shared>> -> memref<128x128xf32, #tpu.memory_space<vmem_shared>>
        %dma_start3A_29 = arith.constant 0 : i32
        %dma_start3A_30 = tpu.memref_slice %arg11[%add3A_24, %dma_start3A_29] : memref<10240x128xf32, #tpu.memory_space<vmem_shared>> -> memref<128x128xf32, #tpu.memory_space<vmem_shared>>
        tpu.enqueue_dma source(%dma_start3A_30 : memref<128x128xf32, #tpu.memory_space<vmem_shared>>) target(%arg9 : memref<128x128xf32, #tpu.memory_space<vmem>>) target_semaphore(%run_scoped3A : memref<!tpu.dma_semaphore, #tpu.memory_space<semaphore_mem>>)
        %dma_wait3A = arith.constant 0 : i32
        %dma_wait3A_31 = tpu.memref_slice %arg11[%add3A_24, %dma_wait3A] : memref<10240x128xf32, #tpu.memory_space<vmem_shared>> -> memref<128x128xf32, #tpu.memory_space<vmem_shared>>
        %dma_wait3A_32 = arith.constant 0 : i32
        %dma_wait3A_33 = tpu.memref_slice %arg11[%add3A_24, %dma_wait3A_32] : memref<10240x128xf32, #tpu.memory_space<vmem_shared>> -> memref<128x128xf32, #tpu.memory_space<vmem_shared>>
        tpu.wait_dma2 semaphore(%run_scoped3A : memref<!tpu.dma_semaphore, #tpu.memory_space<semaphore_mem>>) src(%dma_wait3A_33 : memref<128x128xf32, #tpu.memory_space<vmem_shared>>) dst(%arg9 : memref<128x128xf32, #tpu.memory_space<vmem>>)
        tpu.yield
      }) : () -> ()
      %mul3A_25 = arith.constant 128 : i32
      %mul3A_26 = arith.muli %scan3A_21, %mul3A_25 : i32
      %add3A_27 = arith.addi %mul3A_2, %mul3A_26 : i32
      "tpu.region"() ({
        %run_scoped3A = tpu.sem_alloc : memref<!tpu.dma_semaphore, #tpu.memory_space<semaphore_mem>>
        %dma_start3A = arith.constant 0 : i32
        %dma_start3A_28 = tpu.memref_slice %arg6[%arg0, %add3A_27, %dma_start3A] : memref<2x10240x128xf32, #tpu.memory_space<hbm>> -> memref<1x128x128xf32, #tpu.memory_space<hbm>>
        %dma_start3A_29 = tpu.memref_squeeze %dma_start3A_28 : memref<1x128x128xf32, #tpu.memory_space<hbm>> -> memref<128x128xf32, #tpu.memory_space<hbm>>
        %dma_start3A_30 = arith.constant 0 : i32
        %dma_start3A_31 = tpu.memref_slice %arg6[%arg0, %add3A_27, %dma_start3A_30] : memref<2x10240x128xf32, #tpu.memory_space<hbm>> -> memref<1x128x128xf32, #tpu.memory_space<hbm>>
        %dma_start3A_32 = tpu.memref_squeeze %dma_start3A_31 : memref<1x128x128xf32, #tpu.memory_space<hbm>> -> memref<128x128xf32, #tpu.memory_space<hbm>>
        tpu.enqueue_dma source(%arg9 : memref<128x128xf32, #tpu.memory_space<vmem>>) target(%dma_start3A_32 : memref<128x128xf32, #tpu.memory_space<hbm>>) target_semaphore(%run_scoped3A : memref<!tpu.dma_semaphore, #tpu.memory_space<semaphore_mem>>)
        %dma_wait3A = arith.constant 0 : i32
        %dma_wait3A_33 = tpu.memref_slice %arg6[%arg0, %add3A_27, %dma_wait3A] : memref<2x10240x128xf32, #tpu.memory_space<hbm>> -> memref<1x128x128xf32, #tpu.memory_space<hbm>>
        %dma_wait3A_34 = tpu.memref_squeeze %dma_wait3A_33 : memref<1x128x128xf32, #tpu.memory_space<hbm>> -> memref<128x128xf32, #tpu.memory_space<hbm>>
        %dma_wait3A_35 = arith.constant 0 : i32
        %dma_wait3A_36 = tpu.memref_slice %arg6[%arg0, %add3A_27, %dma_wait3A_35] : memref<2x10240x128xf32, #tpu.memory_space<hbm>> -> memref<1x128x128xf32, #tpu.memory_space<hbm>>
        %dma_wait3A_37 = tpu.memref_squeeze %dma_wait3A_36 : memref<1x128x128xf32, #tpu.memory_space<hbm>> -> memref<128x128xf32, #tpu.memory_space<hbm>>
        tpu.wait_dma2 semaphore(%run_scoped3A : memref<!tpu.dma_semaphore, #tpu.memory_space<semaphore_mem>>) src(%arg9 : memref<128x128xf32, #tpu.memory_space<vmem>>) dst(%dma_wait3A_37 : memref<128x128xf32, #tpu.memory_space<hbm>>)
        tpu.yield
      }) : () -> ()
    }
    %scan3A_20 = arith.constant 5 : i32
    return
  }
}

#map = affine_map<(d0, d1) -> (0, 0)>
#map1 = affine_map<(d0, d1) -> (0, 0, 0)>
module attributes {stable_mosaic.version = 14 : i64} {
  func.func @agg_kernel(%arg0: i32, %arg1: i32, %arg2: memref<10240x128xf32, #tpu.memory_space<hbm>>, %arg3: memref<128x128xf32, #tpu.memory_space<hbm>>, %arg4: memref<32x80x128xi32, #tpu.memory_space<hbm>>, %arg5: memref<32x80x128xi32, #tpu.memory_space<hbm>>, %arg6: memref<2x10240x128xf32, #tpu.memory_space<hbm>>, %arg7: memref<40x128xi32, #tpu.memory_space<vmem>>, %arg8: memref<40x128xi32, #tpu.memory_space<vmem>>, %arg9: memref<128x128xf32, #tpu.memory_space<vmem>>, %arg10: memref<128x128xf32, #tpu.memory_space<vmem>>, %arg11: memref<10240x128xf32, #tpu.memory_space<vmem_shared>>, %arg12: memref<!tpu.dma_semaphore, #tpu.memory_space<semaphore_mem>>, %arg13: memref<!tpu.dma_semaphore, #tpu.memory_space<semaphore_mem>>) attributes {dimension_semantics = [#tpu.dimension_semantics<core_parallel>, #tpu.dimension_semantics<subcore_parallel>], iteration_bounds = array<i64: 2, 16>, scalar_prefetch = 0 : i64, scratch_operands = 7 : i64, tpu.core_type = #tpu.core_type<sc_vector_subcore>, window_params = [{transform_indices = #map}, {transform_indices = #map}, {transform_indices = #map1}, {transform_indices = #map1}, {transform_indices = #map1}]} {
    %mul3A = arith.constant 16 : i32
    %mul3A_0 = arith.muli %arg0, %mul3A : i32
    %add3A = arith.addi %mul3A_0, %arg1 : i32
    %mul3A_1 = arith.constant 640 : i32
    %mul3A_2 = arith.muli %arg1, %mul3A_1 : i32
    "tpu.region"() ({
      %run_scoped3A = tpu.sem_alloc : memref<!tpu.dma_semaphore, #tpu.memory_space<semaphore_mem>>
      tpu.enqueue_dma source(%arg3 : memref<128x128xf32, #tpu.memory_space<hbm>>) target(%arg9 : memref<128x128xf32, #tpu.memory_space<vmem>>) target_semaphore(%run_scoped3A : memref<!tpu.dma_semaphore, #tpu.memory_space<semaphore_mem>>)
      tpu.wait_dma2 semaphore(%run_scoped3A : memref<!tpu.dma_semaphore, #tpu.memory_space<semaphore_mem>>) src(%arg3 : memref<128x128xf32, #tpu.memory_space<hbm>>) dst(%arg9 : memref<128x128xf32, #tpu.memory_space<vmem>>)
      tpu.yield
    }) : () -> ()
    %scan3A = arith.constant 0 : i32
    %scan3A_3 = arith.constant 0 : i32
    %scan3A_4 = arith.constant 5 : i32
    %scan3A_5 = arith.addi %scan3A_3, %scan3A_4 : i32
    %scan3A_6 = arith.constant 1 : i32
    scf.for %scan3A_21 = %scan3A_3 to %scan3A_5 step %scan3A_6  : i32 {
      %mul3A_22 = arith.constant 128 : i32
      %mul3A_23 = arith.muli %scan3A_21, %mul3A_22 : i32
      %add3A_24 = arith.addi %mul3A_2, %mul3A_23 : i32
      "tpu.region"() ({
        %run_scoped3A = tpu.sem_alloc : memref<!tpu.dma_semaphore, #tpu.memory_space<semaphore_mem>>
        %dma_start3A = arith.constant 0 : i32
        %dma_start3A_25 = tpu.memref_slice %arg11[%add3A_24, %dma_start3A] : memref<10240x128xf32, #tpu.memory_space<vmem_shared>> -> memref<128x128xf32, #tpu.memory_space<vmem_shared>>
        %dma_start3A_26 = arith.constant 0 : i32
        %dma_start3A_27 = tpu.memref_slice %arg11[%add3A_24, %dma_start3A_26] : memref<10240x128xf32, #tpu.memory_space<vmem_shared>> -> memref<128x128xf32, #tpu.memory_space<vmem_shared>>
        tpu.enqueue_dma source(%arg9 : memref<128x128xf32, #tpu.memory_space<vmem>>) target(%dma_start3A_27 : memref<128x128xf32, #tpu.memory_space<vmem_shared>>) target_semaphore(%run_scoped3A : memref<!tpu.dma_semaphore, #tpu.memory_space<semaphore_mem>>)
        %dma_wait3A = arith.constant 0 : i32
        %dma_wait3A_28 = tpu.memref_slice %arg11[%add3A_24, %dma_wait3A] : memref<10240x128xf32, #tpu.memory_space<vmem_shared>> -> memref<128x128xf32, #tpu.memory_space<vmem_shared>>
        %dma_wait3A_29 = arith.constant 0 : i32
        %dma_wait3A_30 = tpu.memref_slice %arg11[%add3A_24, %dma_wait3A_29] : memref<10240x128xf32, #tpu.memory_space<vmem_shared>> -> memref<128x128xf32, #tpu.memory_space<vmem_shared>>
        tpu.wait_dma2 semaphore(%run_scoped3A : memref<!tpu.dma_semaphore, #tpu.memory_space<semaphore_mem>>) src(%arg9 : memref<128x128xf32, #tpu.memory_space<vmem>>) dst(%dma_wait3A_30 : memref<128x128xf32, #tpu.memory_space<vmem_shared>>)
        tpu.yield
      }) : () -> ()
    }
    %scan3A_7 = arith.constant 5 : i32
    %barrier3A = arith.constant 0 : index
    tpu.barrier barrier_id(%barrier3A)
    %scan3A_8 = arith.constant 0 : i32
    %scan3A_9 = arith.constant 0 : i32
    %scan3A_10 = arith.constant 2 : i32
    %scan3A_11 = arith.addi %scan3A_9, %scan3A_10 : i32
    %scan3A_12 = arith.constant 1 : i32
    scf.for %scan3A_21 = %scan3A_9 to %scan3A_11 step %scan3A_12  : i32 {
      %mul3A_22 = arith.constant 40 : i32
      %mul3A_23 = arith.muli %scan3A_21, %mul3A_22 : i32
      "tpu.region"() ({
        %run_scoped3A = tpu.sem_alloc : memref<!tpu.dma_semaphore, #tpu.memory_space<semaphore_mem>>
        %dma_start3A_44 = arith.constant 0 : i32
        %dma_start3A_45 = tpu.memref_slice %arg4[%add3A, %mul3A_23, %dma_start3A_44] : memref<32x80x128xi32, #tpu.memory_space<hbm>> -> memref<1x40x128xi32, #tpu.memory_space<hbm>>
        %dma_start3A_46 = tpu.memref_squeeze %dma_start3A_45 : memref<1x40x128xi32, #tpu.memory_space<hbm>> -> memref<40x128xi32, #tpu.memory_space<hbm>>
        %dma_start3A_47 = arith.constant 0 : i32
        %dma_start3A_48 = tpu.memref_slice %arg4[%add3A, %mul3A_23, %dma_start3A_47] : memref<32x80x128xi32, #tpu.memory_space<hbm>> -> memref<1x40x128xi32, #tpu.memory_space<hbm>>
        %dma_start3A_49 = tpu.memref_squeeze %dma_start3A_48 : memref<1x40x128xi32, #tpu.memory_space<hbm>> -> memref<40x128xi32, #tpu.memory_space<hbm>>
        tpu.enqueue_dma source(%dma_start3A_49 : memref<40x128xi32, #tpu.memory_space<hbm>>) target(%arg7 : memref<40x128xi32, #tpu.memory_space<vmem>>) target_semaphore(%run_scoped3A : memref<!tpu.dma_semaphore, #tpu.memory_space<semaphore_mem>>)
        %dma_wait3A_50 = arith.constant 0 : i32
        %dma_wait3A_51 = tpu.memref_slice %arg4[%add3A, %mul3A_23, %dma_wait3A_50] : memref<32x80x128xi32, #tpu.memory_space<hbm>> -> memref<1x40x128xi32, #tpu.memory_space<hbm>>
        %dma_wait3A_52 = tpu.memref_squeeze %dma_wait3A_51 : memref<1x40x128xi32, #tpu.memory_space<hbm>> -> memref<40x128xi32, #tpu.memory_space<hbm>>
        %dma_wait3A_53 = arith.constant 0 : i32
        %dma_wait3A_54 = tpu.memref_slice %arg4[%add3A, %mul3A_23, %dma_wait3A_53] : memref<32x80x128xi32, #tpu.memory_space<hbm>> -> memref<1x40x128xi32, #tpu.memory_space<hbm>>
        %dma_wait3A_55 = tpu.memref_squeeze %dma_wait3A_54 : memref<1x40x128xi32, #tpu.memory_space<hbm>> -> memref<40x128xi32, #tpu.memory_space<hbm>>
        tpu.wait_dma2 semaphore(%run_scoped3A : memref<!tpu.dma_semaphore, #tpu.memory_space<semaphore_mem>>) src(%dma_wait3A_55 : memref<40x128xi32, #tpu.memory_space<hbm>>) dst(%arg7 : memref<40x128xi32, #tpu.memory_space<vmem>>)
        tpu.yield
      }) : () -> ()
      %mul3A_24 = arith.constant 40 : i32
      %mul3A_25 = arith.muli %scan3A_21, %mul3A_24 : i32
      "tpu.region"() ({
        %run_scoped3A = tpu.sem_alloc : memref<!tpu.dma_semaphore, #tpu.memory_space<semaphore_mem>>
        %dma_start3A_44 = arith.constant 0 : i32
        %dma_start3A_45 = tpu.memref_slice %arg5[%add3A, %mul3A_25, %dma_start3A_44] : memref<32x80x128xi32, #tpu.memory_space<hbm>> -> memref<1x40x128xi32, #tpu.memory_space<hbm>>
        %dma_start3A_46 = tpu.memref_squeeze %dma_start3A_45 : memref<1x40x128xi32, #tpu.memory_space<hbm>> -> memref<40x128xi32, #tpu.memory_space<hbm>>
        %dma_start3A_47 = arith.constant 0 : i32
        %dma_start3A_48 = tpu.memref_slice %arg5[%add3A, %mul3A_25, %dma_start3A_47] : memref<32x80x128xi32, #tpu.memory_space<hbm>> -> memref<1x40x128xi32, #tpu.memory_space<hbm>>
        %dma_start3A_49 = tpu.memref_squeeze %dma_start3A_48 : memref<1x40x128xi32, #tpu.memory_space<hbm>> -> memref<40x128xi32, #tpu.memory_space<hbm>>
        tpu.enqueue_dma source(%dma_start3A_49 : memref<40x128xi32, #tpu.memory_space<hbm>>) target(%arg8 : memref<40x128xi32, #tpu.memory_space<vmem>>) target_semaphore(%run_scoped3A : memref<!tpu.dma_semaphore, #tpu.memory_space<semaphore_mem>>)
        %dma_wait3A_50 = arith.constant 0 : i32
        %dma_wait3A_51 = tpu.memref_slice %arg5[%add3A, %mul3A_25, %dma_wait3A_50] : memref<32x80x128xi32, #tpu.memory_space<hbm>> -> memref<1x40x128xi32, #tpu.memory_space<hbm>>
        %dma_wait3A_52 = tpu.memref_squeeze %dma_wait3A_51 : memref<1x40x128xi32, #tpu.memory_space<hbm>> -> memref<40x128xi32, #tpu.memory_space<hbm>>
        %dma_wait3A_53 = arith.constant 0 : i32
        %dma_wait3A_54 = tpu.memref_slice %arg5[%add3A, %mul3A_25, %dma_wait3A_53] : memref<32x80x128xi32, #tpu.memory_space<hbm>> -> memref<1x40x128xi32, #tpu.memory_space<hbm>>
        %dma_wait3A_55 = tpu.memref_squeeze %dma_wait3A_54 : memref<1x40x128xi32, #tpu.memory_space<hbm>> -> memref<40x128xi32, #tpu.memory_space<hbm>>
        tpu.wait_dma2 semaphore(%run_scoped3A : memref<!tpu.dma_semaphore, #tpu.memory_space<semaphore_mem>>) src(%dma_wait3A_55 : memref<40x128xi32, #tpu.memory_space<hbm>>) dst(%arg8 : memref<40x128xi32, #tpu.memory_space<vmem>>)
        tpu.yield
      }) : () -> ()
      %dma_start3A = arith.constant 0 : i32
      %dma_start3A_26 = arith.constant 0 : i32
      %dma_start3A_27 = tpu.memref_slice %arg7[%dma_start3A, %dma_start3A_26] : memref<40x128xi32, #tpu.memory_space<vmem>> -> memref<1x128xi32, #tpu.memory_space<vmem>>
      %dma_start3A_28 = tpu.memref_squeeze %dma_start3A_27 : memref<1x128xi32, #tpu.memory_space<vmem>> -> memref<128xi32, #tpu.memory_space<vmem>>
      %dma_start3A_29 = arith.constant 0 : i32
      %dma_start3A_30 = arith.constant 0 : i32
      %dma_start3A_31 = tpu.memref_slice %arg2[%dma_start3A_29, %dma_start3A_30] : memref<10240x128xf32, #tpu.memory_space<hbm>> -> memref<10240x128xf32, #tpu.memory_space<hbm>>
      tpu.enqueue_indirect_dma source(%dma_start3A_31 : memref<10240x128xf32, #tpu.memory_space<hbm>>) target(%arg9 : memref<128x128xf32, #tpu.memory_space<vmem>>) offsets(%dma_start3A_28 : memref<128xi32, #tpu.memory_space<vmem>>) semaphore(%arg12 : memref<!tpu.dma_semaphore, #tpu.memory_space<semaphore_mem>>)
      %scan3A_32 = arith.constant 0 : i32
      %scan3A_33 = arith.constant 0 : i32
      %scan3A_34 = arith.constant 20 : i32
      %scan3A_35 = arith.addi %scan3A_33, %scan3A_34 : i32
      %scan3A_36 = arith.constant 1 : i32
      scf.for %scan3A_44 = %scan3A_33 to %scan3A_35 step %scan3A_36  : i32 {
        %mul3A_45 = arith.constant 2 : i32
        %mul3A_46 = arith.muli %mul3A_45, %scan3A_44 : i32
        %mul3A_47 = arith.constant 2 : i32
        %mul3A_48 = arith.muli %mul3A_47, %scan3A_44 : i32
        %add3A_49 = arith.constant 1 : i32
        %add3A_50 = arith.addi %mul3A_48, %add3A_49 : i32
        %dma_start3A_51 = arith.constant 0 : i32
        %dma_start3A_52 = tpu.memref_slice %arg7[%add3A_50, %dma_start3A_51] : memref<40x128xi32, #tpu.memory_space<vmem>> -> memref<1x128xi32, #tpu.memory_space<vmem>>
        %dma_start3A_53 = tpu.memref_squeeze %dma_start3A_52 : memref<1x128xi32, #tpu.memory_space<vmem>> -> memref<128xi32, #tpu.memory_space<vmem>>
        %dma_start3A_54 = arith.constant 0 : i32
        %dma_start3A_55 = arith.constant 0 : i32
        %dma_start3A_56 = tpu.memref_slice %arg2[%dma_start3A_54, %dma_start3A_55] : memref<10240x128xf32, #tpu.memory_space<hbm>> -> memref<10240x128xf32, #tpu.memory_space<hbm>>
        tpu.enqueue_indirect_dma source(%dma_start3A_56 : memref<10240x128xf32, #tpu.memory_space<hbm>>) target(%arg10 : memref<128x128xf32, #tpu.memory_space<vmem>>) offsets(%dma_start3A_53 : memref<128xi32, #tpu.memory_space<vmem>>) semaphore(%arg13 : memref<!tpu.dma_semaphore, #tpu.memory_space<semaphore_mem>>)
        %dma_wait3A_57 = arith.constant 0 : i32
        %dma_wait3A_58 = tpu.memref_slice %arg7[%mul3A_46, %dma_wait3A_57] : memref<40x128xi32, #tpu.memory_space<vmem>> -> memref<1x128xi32, #tpu.memory_space<vmem>>
        %dma_wait3A_59 = tpu.memref_squeeze %dma_wait3A_58 : memref<1x128xi32, #tpu.memory_space<vmem>> -> memref<128xi32, #tpu.memory_space<vmem>>
        %dma_wait3A_60 = arith.constant 0 : i32
        %dma_wait3A_61 = arith.constant 0 : i32
        %dma_wait3A_62 = tpu.memref_slice %arg2[%dma_wait3A_60, %dma_wait3A_61] : memref<10240x128xf32, #tpu.memory_space<hbm>> -> memref<10240x128xf32, #tpu.memory_space<hbm>>
        tpu.wait_indirect_dma semaphore(%arg12 : memref<!tpu.dma_semaphore, #tpu.memory_space<semaphore_mem>>) src(%dma_wait3A_62 : memref<10240x128xf32, #tpu.memory_space<hbm>>) dst(%arg9 : memref<128x128xf32, #tpu.memory_space<vmem>>)
        "tpu.region"() ({
          %run_scoped3A = tpu.sem_alloc : memref<!tpu.dma_semaphore, #tpu.memory_space<semaphore_mem>>
          %dma_start3A_78 = arith.constant 0 : i32
          %dma_start3A_79 = tpu.memref_slice %arg8[%mul3A_46, %dma_start3A_78] : memref<40x128xi32, #tpu.memory_space<vmem>> -> memref<1x128xi32, #tpu.memory_space<vmem>>
          %dma_start3A_80 = tpu.memref_squeeze %dma_start3A_79 : memref<1x128xi32, #tpu.memory_space<vmem>> -> memref<128xi32, #tpu.memory_space<vmem>>
          %dma_start3A_81 = arith.constant 0 : i32
          %dma_start3A_82 = arith.constant 0 : i32
          %dma_start3A_83 = tpu.memref_slice %arg11[%dma_start3A_81, %dma_start3A_82] : memref<10240x128xf32, #tpu.memory_space<vmem_shared>> -> memref<10240x128xf32, #tpu.memory_space<vmem_shared>>
          tpu.enqueue_indirect_dma source(%arg9 : memref<128x128xf32, #tpu.memory_space<vmem>>) target(%dma_start3A_83 : memref<10240x128xf32, #tpu.memory_space<vmem_shared>>) offsets(%dma_start3A_80 : memref<128xi32, #tpu.memory_space<vmem>>) semaphore(%run_scoped3A : memref<!tpu.dma_semaphore, #tpu.memory_space<semaphore_mem>>) {add = true}
          %dma_wait3A_84 = arith.constant 0 : i32
          %dma_wait3A_85 = tpu.memref_slice %arg8[%mul3A_46, %dma_wait3A_84] : memref<40x128xi32, #tpu.memory_space<vmem>> -> memref<1x128xi32, #tpu.memory_space<vmem>>
          %dma_wait3A_86 = tpu.memref_squeeze %dma_wait3A_85 : memref<1x128xi32, #tpu.memory_space<vmem>> -> memref<128xi32, #tpu.memory_space<vmem>>
          %dma_wait3A_87 = arith.constant 0 : i32
          %dma_wait3A_88 = arith.constant 0 : i32
          %dma_wait3A_89 = tpu.memref_slice %arg11[%dma_wait3A_87, %dma_wait3A_88] : memref<10240x128xf32, #tpu.memory_space<vmem_shared>> -> memref<10240x128xf32, #tpu.memory_space<vmem_shared>>
          tpu.wait_indirect_dma semaphore(%run_scoped3A : memref<!tpu.dma_semaphore, #tpu.memory_space<semaphore_mem>>) src(%arg9 : memref<128x128xf32, #tpu.memory_space<vmem>>) dst(%dma_wait3A_89 : memref<10240x128xf32, #tpu.memory_space<vmem_shared>>)
          tpu.yield
        }) : () -> ()
        %add3A_63 = arith.constant 2 : i32
        %add3A_64 = arith.addi %mul3A_46, %add3A_63 : i32
        %rem3A = arith.constant 40 : i32
        %rem3A_65 = arith.remsi %add3A_64, %rem3A : i32
        %dma_start3A_66 = arith.constant 0 : i32
        %dma_start3A_67 = tpu.memref_slice %arg7[%rem3A_65, %dma_start3A_66] : memref<40x128xi32, #tpu.memory_space<vmem>> -> memref<1x128xi32, #tpu.memory_space<vmem>>
        %dma_start3A_68 = tpu.memref_squeeze %dma_start3A_67 : memref<1x128xi32, #tpu.memory_space<vmem>> -> memref<128xi32, #tpu.memory_space<vmem>>
        %dma_start3A_69 = arith.constant 0 : i32
        %dma_start3A_70 = arith.constant 0 : i32
        %dma_start3A_71 = tpu.memref_slice %arg2[%dma_start3A_69, %dma_start3A_70] : memref<10240x128xf32, #tpu.memory_space<hbm>> -> memref<10240x128xf32, #tpu.memory_space<hbm>>
        tpu.enqueue_indirect_dma source(%dma_start3A_71 : memref<10240x128xf32, #tpu.memory_space<hbm>>) target(%arg9 : memref<128x128xf32, #tpu.memory_space<vmem>>) offsets(%dma_start3A_68 : memref<128xi32, #tpu.memory_space<vmem>>) semaphore(%arg12 : memref<!tpu.dma_semaphore, #tpu.memory_space<semaphore_mem>>)
        %dma_wait3A_72 = arith.constant 0 : i32
        %dma_wait3A_73 = tpu.memref_slice %arg7[%add3A_50, %dma_wait3A_72] : memref<40x128xi32, #tpu.memory_space<vmem>> -> memref<1x128xi32, #tpu.memory_space<vmem>>
        %dma_wait3A_74 = tpu.memref_squeeze %dma_wait3A_73 : memref<1x128xi32, #tpu.memory_space<vmem>> -> memref<128xi32, #tpu.memory_space<vmem>>
        %dma_wait3A_75 = arith.constant 0 : i32
        %dma_wait3A_76 = arith.constant 0 : i32
        %dma_wait3A_77 = tpu.memref_slice %arg2[%dma_wait3A_75, %dma_wait3A_76] : memref<10240x128xf32, #tpu.memory_space<hbm>> -> memref<10240x128xf32, #tpu.memory_space<hbm>>
        tpu.wait_indirect_dma semaphore(%arg13 : memref<!tpu.dma_semaphore, #tpu.memory_space<semaphore_mem>>) src(%dma_wait3A_77 : memref<10240x128xf32, #tpu.memory_space<hbm>>) dst(%arg10 : memref<128x128xf32, #tpu.memory_space<vmem>>)
        "tpu.region"() ({
          %run_scoped3A = tpu.sem_alloc : memref<!tpu.dma_semaphore, #tpu.memory_space<semaphore_mem>>
          %dma_start3A_78 = arith.constant 0 : i32
          %dma_start3A_79 = tpu.memref_slice %arg8[%add3A_50, %dma_start3A_78] : memref<40x128xi32, #tpu.memory_space<vmem>> -> memref<1x128xi32, #tpu.memory_space<vmem>>
          %dma_start3A_80 = tpu.memref_squeeze %dma_start3A_79 : memref<1x128xi32, #tpu.memory_space<vmem>> -> memref<128xi32, #tpu.memory_space<vmem>>
          %dma_start3A_81 = arith.constant 0 : i32
          %dma_start3A_82 = arith.constant 0 : i32
          %dma_start3A_83 = tpu.memref_slice %arg11[%dma_start3A_81, %dma_start3A_82] : memref<10240x128xf32, #tpu.memory_space<vmem_shared>> -> memref<10240x128xf32, #tpu.memory_space<vmem_shared>>
          tpu.enqueue_indirect_dma source(%arg10 : memref<128x128xf32, #tpu.memory_space<vmem>>) target(%dma_start3A_83 : memref<10240x128xf32, #tpu.memory_space<vmem_shared>>) offsets(%dma_start3A_80 : memref<128xi32, #tpu.memory_space<vmem>>) semaphore(%run_scoped3A : memref<!tpu.dma_semaphore, #tpu.memory_space<semaphore_mem>>) {add = true}
          %dma_wait3A_84 = arith.constant 0 : i32
          %dma_wait3A_85 = tpu.memref_slice %arg8[%add3A_50, %dma_wait3A_84] : memref<40x128xi32, #tpu.memory_space<vmem>> -> memref<1x128xi32, #tpu.memory_space<vmem>>
          %dma_wait3A_86 = tpu.memref_squeeze %dma_wait3A_85 : memref<1x128xi32, #tpu.memory_space<vmem>> -> memref<128xi32, #tpu.memory_space<vmem>>
          %dma_wait3A_87 = arith.constant 0 : i32
          %dma_wait3A_88 = arith.constant 0 : i32
          %dma_wait3A_89 = tpu.memref_slice %arg11[%dma_wait3A_87, %dma_wait3A_88] : memref<10240x128xf32, #tpu.memory_space<vmem_shared>> -> memref<10240x128xf32, #tpu.memory_space<vmem_shared>>
          tpu.wait_indirect_dma semaphore(%run_scoped3A : memref<!tpu.dma_semaphore, #tpu.memory_space<semaphore_mem>>) src(%arg10 : memref<128x128xf32, #tpu.memory_space<vmem>>) dst(%dma_wait3A_89 : memref<10240x128xf32, #tpu.memory_space<vmem_shared>>)
          tpu.yield
        }) : () -> ()
      }
      %scan3A_37 = arith.constant 20 : i32
      %dma_wait3A = arith.constant 0 : i32
      %dma_wait3A_38 = arith.constant 0 : i32
      %dma_wait3A_39 = tpu.memref_slice %arg7[%dma_wait3A, %dma_wait3A_38] : memref<40x128xi32, #tpu.memory_space<vmem>> -> memref<1x128xi32, #tpu.memory_space<vmem>>
      %dma_wait3A_40 = tpu.memref_squeeze %dma_wait3A_39 : memref<1x128xi32, #tpu.memory_space<vmem>> -> memref<128xi32, #tpu.memory_space<vmem>>
      %dma_wait3A_41 = arith.constant 0 : i32
      %dma_wait3A_42 = arith.constant 0 : i32
      %dma_wait3A_43 = tpu.memref_slice %arg2[%dma_wait3A_41, %dma_wait3A_42] : memref<10240x128xf32, #tpu.memory_space<hbm>> -> memref<10240x128xf32, #tpu.memory_space<hbm>>
      tpu.wait_indirect_dma semaphore(%arg12 : memref<!tpu.dma_semaphore, #tpu.memory_space<semaphore_mem>>) src(%dma_wait3A_43 : memref<10240x128xf32, #tpu.memory_space<hbm>>) dst(%arg9 : memref<128x128xf32, #tpu.memory_space<vmem>>)
    }
    %scan3A_13 = arith.constant 2 : i32
    %barrier3A_14 = arith.constant 0 : index
    tpu.barrier barrier_id(%barrier3A_14)
    %scan3A_15 = arith.constant 0 : i32
    %scan3A_16 = arith.constant 0 : i32
    %scan3A_17 = arith.constant 5 : i32
    %scan3A_18 = arith.addi %scan3A_16, %scan3A_17 : i32
    %scan3A_19 = arith.constant 1 : i32
    scf.for %scan3A_21 = %scan3A_16 to %scan3A_18 step %scan3A_19  : i32 {
      %mul3A_22 = arith.constant 128 : i32
      %mul3A_23 = arith.muli %scan3A_21, %mul3A_22 : i32
      %add3A_24 = arith.addi %mul3A_2, %mul3A_23 : i32
      "tpu.region"() ({
        %run_scoped3A = tpu.sem_alloc : memref<!tpu.dma_semaphore, #tpu.memory_space<semaphore_mem>>
        %dma_start3A = arith.constant 0 : i32
        %dma_start3A_28 = tpu.memref_slice %arg11[%add3A_24, %dma_start3A] : memref<10240x128xf32, #tpu.memory_space<vmem_shared>> -> memref<128x128xf32, #tpu.memory_space<vmem_shared>>
        %dma_start3A_29 = arith.constant 0 : i32
        %dma_start3A_30 = tpu.memref_slice %arg11[%add3A_24, %dma_start3A_29] : memref<10240x128xf32, #tpu.memory_space<vmem_shared>> -> memref<128x128xf32, #tpu.memory_space<vmem_shared>>
        tpu.enqueue_dma source(%dma_start3A_30 : memref<128x128xf32, #tpu.memory_space<vmem_shared>>) target(%arg9 : memref<128x128xf32, #tpu.memory_space<vmem>>) target_semaphore(%run_scoped3A : memref<!tpu.dma_semaphore, #tpu.memory_space<semaphore_mem>>)
        %dma_wait3A = arith.constant 0 : i32
        %dma_wait3A_31 = tpu.memref_slice %arg11[%add3A_24, %dma_wait3A] : memref<10240x128xf32, #tpu.memory_space<vmem_shared>> -> memref<128x128xf32, #tpu.memory_space<vmem_shared>>
        %dma_wait3A_32 = arith.constant 0 : i32
        %dma_wait3A_33 = tpu.memref_slice %arg11[%add3A_24, %dma_wait3A_32] : memref<10240x128xf32, #tpu.memory_space<vmem_shared>> -> memref<128x128xf32, #tpu.memory_space<vmem_shared>>
        tpu.wait_dma2 semaphore(%run_scoped3A : memref<!tpu.dma_semaphore, #tpu.memory_space<semaphore_mem>>) src(%dma_wait3A_33 : memref<128x128xf32, #tpu.memory_space<vmem_shared>>) dst(%arg9 : memref<128x128xf32, #tpu.memory_space<vmem>>)
        tpu.yield
      }) : () -> ()
      %mul3A_25 = arith.constant 128 : i32
      %mul3A_26 = arith.muli %scan3A_21, %mul3A_25 : i32
      %add3A_27 = arith.addi %mul3A_2, %mul3A_26 : i32
      "tpu.region"() ({
        %run_scoped3A = tpu.sem_alloc : memref<!tpu.dma_semaphore, #tpu.memory_space<semaphore_mem>>
        %dma_start3A = arith.constant 0 : i32
        %dma_start3A_28 = tpu.memref_slice %arg6[%arg0, %add3A_27, %dma_start3A] : memref<2x10240x128xf32, #tpu.memory_space<hbm>> -> memref<1x128x128xf32, #tpu.memory_space<hbm>>
        %dma_start3A_29 = tpu.memref_squeeze %dma_start3A_28 : memref<1x128x128xf32, #tpu.memory_space<hbm>> -> memref<128x128xf32, #tpu.memory_space<hbm>>
        %dma_start3A_30 = arith.constant 0 : i32
        %dma_start3A_31 = tpu.memref_slice %arg6[%arg0, %add3A_27, %dma_start3A_30] : memref<2x10240x128xf32, #tpu.memory_space<hbm>> -> memref<1x128x128xf32, #tpu.memory_space<hbm>>
        %dma_start3A_32 = tpu.memref_squeeze %dma_start3A_31 : memref<1x128x128xf32, #tpu.memory_space<hbm>> -> memref<128x128xf32, #tpu.memory_space<hbm>>
        tpu.enqueue_dma source(%arg9 : memref<128x128xf32, #tpu.memory_space<vmem>>) target(%dma_start3A_32 : memref<128x128xf32, #tpu.memory_space<hbm>>) target_semaphore(%run_scoped3A : memref<!tpu.dma_semaphore, #tpu.memory_space<semaphore_mem>>)
        %dma_wait3A = arith.constant 0 : i32
        %dma_wait3A_33 = tpu.memref_slice %arg6[%arg0, %add3A_27, %dma_wait3A] : memref<2x10240x128xf32, #tpu.memory_space<hbm>> -> memref<1x128x128xf32, #tpu.memory_space<hbm>>
        %dma_wait3A_34 = tpu.memref_squeeze %dma_wait3A_33 : memref<1x128x128xf32, #tpu.memory_space<hbm>> -> memref<128x128xf32, #tpu.memory_space<hbm>>
        %dma_wait3A_35 = arith.constant 0 : i32
        %dma_wait3A_36 = tpu.memref_slice %arg6[%arg0, %add3A_27, %dma_wait3A_35] : memref<2x10240x128xf32, #tpu.memory_space<hbm>> -> memref<1x128x128xf32, #tpu.memory_space<hbm>>
        %dma_wait3A_37 = tpu.memref_squeeze %dma_wait3A_36 : memref<1x128x128xf32, #tpu.memory_space<hbm>> -> memref<128x128xf32, #tpu.memory_space<hbm>>
        tpu.wait_dma2 semaphore(%run_scoped3A : memref<!tpu.dma_semaphore, #tpu.memory_space<semaphore_mem>>) src(%arg9 : memref<128x128xf32, #tpu.memory_space<vmem>>) dst(%dma_wait3A_37 : memref<128x128xf32, #tpu.memory_space<hbm>>)
        tpu.yield
      }) : () -> ()
    }
    %scan3A_20 = arith.constant 5 : i32
    return
  }
}

module attributes {stable_mosaic.version = 14 : i64} {
  func.func @_tc_prep_body(%arg0: memref<10000x128xf32, #tpu.memory_space<vmem>>, %arg1: memref<128x128xf32, #tpu.memory_space<vmem>>, %arg2: memref<10240xf32, #tpu.memory_space<vmem>>, %arg3: memref<10240xf32, #tpu.memory_space<vmem>>, %arg4: memref<10240x128xf32, #tpu.memory_space<vmem>>, %arg5: memref<10240xf32, #tpu.memory_space<vmem>>) attributes {dimension_semantics = [], scalar_prefetch = 0 : i64, scratch_operands = 0 : i64, tpu.core_type = #tpu.core_type<tc>} {
    %get3A = arith.constant 0 : index
    %get3A_0 = vector.load %arg2[%get3A] : memref<10240xf32, #tpu.memory_space<vmem>>, vector<10240xf32>
    %get3A_1 = arith.constant 0 : index
    %get3A_2 = vector.load %arg3[%get3A_1] : memref<10240xf32, #tpu.memory_space<vmem>>, vector<10240xf32>
    %add3A = arith.addf %get3A_0, %get3A_2 : vector<10240xf32>
    %add3A_3 = arith.constant 1.000000e+00 : f32
    %add3A_4 = vector.broadcast %add3A_3 : f32 to vector<10240xf32>
    %add3A_5 = arith.addf %add3A, %add3A_4 : vector<10240xf32>
    %rsqrt3A = math.rsqrt %add3A_5 : vector<10240xf32>
    %swap3A = arith.constant 0 : index
    %swap3A_6 = vector.load %arg5[%swap3A] : memref<10240xf32, #tpu.memory_space<vmem>>, vector<10240xf32>
    tpu.vector_store %arg5[%swap3A], %rsqrt3A {strides = array<i32>} : memref<10240xf32, #tpu.memory_space<vmem>>, vector<10240xf32>,
    %get3A_7 = arith.constant 0 : index
    %get3A_8 = arith.constant 0 : index
    %get3A_9 = vector.load %arg0[%get3A_7, %get3A_8] : memref<10000x128xf32, #tpu.memory_space<vmem>>, vector<10000x128xf32>
    %get3A_10 = arith.constant 0 : index
    %get3A_11 = arith.constant 0 : index
    %get3A_12 = vector.load %arg1[%get3A_10, %get3A_11] : memref<128x128xf32, #tpu.memory_space<vmem>>, vector<128x128xf32>
    %dot_general3A = arith.constant dense<0.000000e+00> : vector<10000x128xf32>
    %dot_general3A_13 = tpu.matmul %get3A_9, %get3A_12, %dot_general3A {dimension_numbers = #tpu.dot_dimension_numbers<[1], [0], [0], [1], [0, 0, 1, 1], [], []>, transpose_lhs_hint = false} : vector<10000x128xf32>, vector<128x128xf32>, vector<10000x128xf32> -> vector<10000x128xf32>
    %slice3A = vector.extract_strided_slice %rsqrt3A {offsets = [0], sizes = [10000], strides = [1]} : vector<10240xf32> to vector<10000xf32>
    %broadcast_in_dim3A = vector.shape_cast %slice3A : vector<10000xf32> to vector<10000x1xf32>
    %mul3A = vector.broadcast %broadcast_in_dim3A : vector<10000x1xf32> to vector<10000x128xf32>
    %mul3A_14 = arith.mulf %dot_general3A_13, %mul3A : vector<10000x128xf32>
    %swap3A_15 = arith.constant 0 : index
    %swap3A_16 = arith.constant 0 : index
    %swap3A_17 = vector.load %arg4[%swap3A_15, %swap3A_16] : memref<10240x128xf32, #tpu.memory_space<vmem>>, vector<10000x128xf32>
    tpu.vector_store %arg4[%swap3A_15, %swap3A_16], %mul3A_14 {strides = array<i32>} : memref<10240x128xf32, #tpu.memory_space<vmem>>, vector<10000x128xf32>,
    %broadcast_in_dim3A_18 = arith.constant 0.000000e+00 : f32
    %broadcast_in_dim3A_19 = vector.broadcast %broadcast_in_dim3A_18 : f32 to vector<240x128xf32>
    %swap3A_20 = arith.constant 10000 : index
    %swap3A_21 = arith.constant 0 : index
    %swap3A_22 = vector.load %arg4[%swap3A_20, %swap3A_21] : memref<10240x128xf32, #tpu.memory_space<vmem>>, vector<240x128xf32>
    tpu.vector_store %arg4[%swap3A_20, %swap3A_21], %broadcast_in_dim3A_19 {strides = array<i32>} : memref<10240x128xf32, #tpu.memory_space<vmem>>, vector<240x128xf32>,
    return
  }
}

module attributes {stable_mosaic.version = 14 : i64} {
  func.func @_tc_mid_body(%arg0: memref<10240x128xf32, #tpu.memory_space<vmem>>, %arg1: memref<2x10240x128xf32, #tpu.memory_space<vmem>>, %arg2: memref<10240xf32, #tpu.memory_space<vmem>>, %arg3: memref<128xf32, #tpu.memory_space<vmem>>, %arg4: memref<128xf32, #tpu.memory_space<vmem>>, %arg5: memref<128xf32, #tpu.memory_space<vmem>>, %arg6: memref<128x128xf32, #tpu.memory_space<vmem>>, %arg7: memref<10240x128xf32, #tpu.memory_space<vmem>>) attributes {dimension_semantics = [], scalar_prefetch = 0 : i64, scratch_operands = 0 : i64, tpu.core_type = #tpu.core_type<tc>} {
    %get3A = arith.constant 0 : index
    %get3A_0 = vector.load %arg2[%get3A] : memref<10240xf32, #tpu.memory_space<vmem>>, vector<10240xf32>
    %get3A_1 = arith.constant 0 : index
    %get3A_2 = arith.constant 0 : index
    %get3A_3 = vector.load %arg0[%get3A_1, %get3A_2] : memref<10240x128xf32, #tpu.memory_space<vmem>>, vector<10000x128xf32>
    %get3A_4 = arith.constant 0 : index
    %get3A_5 = arith.constant 0 : index
    %get3A_6 = arith.constant 0 : index
    %get3A_7 = vector.load %arg1[%get3A_4, %get3A_5, %get3A_6] : memref<2x10240x128xf32, #tpu.memory_space<vmem>>, vector<1x10000x128xf32>
    %get3A_8 = vector.shape_cast %get3A_7 : vector<1x10000x128xf32> to vector<10000x128xf32>
    %add3A = arith.addf %get3A_3, %get3A_8 : vector<10000x128xf32>
    %get3A_9 = arith.constant 1 : index
    %get3A_10 = arith.constant 0 : index
    %get3A_11 = arith.constant 0 : index
    %get3A_12 = vector.load %arg1[%get3A_9, %get3A_10, %get3A_11] : memref<2x10240x128xf32, #tpu.memory_space<vmem>>, vector<1x10000x128xf32>
    %get3A_13 = vector.shape_cast %get3A_12 : vector<1x10000x128xf32> to vector<10000x128xf32>
    %add3A_14 = arith.addf %add3A, %get3A_13 : vector<10000x128xf32>
    %slice3A = vector.extract_strided_slice %get3A_0 {offsets = [0], sizes = [10000], strides = [1]} : vector<10240xf32> to vector<10000xf32>
    %broadcast_in_dim3A = vector.shape_cast %slice3A : vector<10000xf32> to vector<10000x1xf32>
    %mul3A = vector.broadcast %broadcast_in_dim3A : vector<10000x1xf32> to vector<10000x128xf32>
    %mul3A_15 = arith.mulf %add3A_14, %mul3A : vector<10000x128xf32>
    %get3A_16 = arith.constant 0 : index
    %get3A_17 = vector.load %arg3[%get3A_16] : memref<128xf32, #tpu.memory_space<vmem>>, vector<128xf32>
    %broadcast_in_dim3A_18 = vector.shape_cast %get3A_17 : vector<128xf32> to vector<1x128xf32>
    %add3A_19 = vector.broadcast %broadcast_in_dim3A_18 : vector<1x128xf32> to vector<10000x128xf32>
    %add3A_20 = arith.addf %mul3A_15, %add3A_19 : vector<10000x128xf32>
    %reduce_sum3A = arith.constant dense<0.000000e+00> : vector<128xf32>
    %reduce_sum3A_21 = vector.multi_reduction <add>, %add3A_20, %reduce_sum3A [0] : vector<10000x128xf32> to vector<128xf32>
    %div3A = arith.constant 1.000000e+04 : f32
    %div3A_22 = vector.broadcast %div3A : f32 to vector<128xf32>
    %div3A_23 = arith.divf %reduce_sum3A_21, %div3A_22 : vector<128xf32>
    %broadcast_in_dim3A_24 = vector.shape_cast %div3A_23 : vector<128xf32> to vector<1x128xf32>
    %sub3A = vector.broadcast %broadcast_in_dim3A_24 : vector<1x128xf32> to vector<10000x128xf32>
    %sub3A_25 = arith.subf %add3A_20, %sub3A : vector<10000x128xf32>
    %integer_pow3A = arith.mulf %sub3A_25, %sub3A_25 : vector<10000x128xf32>
    %reduce_sum3A_26 = arith.constant dense<0.000000e+00> : vector<128xf32>
    %reduce_sum3A_27 = vector.multi_reduction <add>, %integer_pow3A, %reduce_sum3A_26 [0] : vector<10000x128xf32> to vector<128xf32>
    %div3A_28 = arith.constant 1.000000e+04 : f32
    %div3A_29 = vector.broadcast %div3A_28 : f32 to vector<128xf32>
    %div3A_30 = arith.divf %reduce_sum3A_27, %div3A_29 : vector<128xf32>
    %broadcast_in_dim3A_31 = vector.shape_cast %div3A_23 : vector<128xf32> to vector<1x128xf32>
    %sub3A_32 = vector.broadcast %broadcast_in_dim3A_31 : vector<1x128xf32> to vector<10000x128xf32>
    %sub3A_33 = arith.subf %add3A_20, %sub3A_32 : vector<10000x128xf32>
    %add3A_34 = arith.constant 9.99999974E-6 : f32
    %add3A_35 = vector.broadcast %add3A_34 : f32 to vector<128xf32>
    %add3A_36 = arith.addf %div3A_30, %add3A_35 : vector<128xf32>
    %rsqrt3A = math.rsqrt %add3A_36 : vector<128xf32>
    %broadcast_in_dim3A_37 = vector.shape_cast %rsqrt3A : vector<128xf32> to vector<1x128xf32>
    %mul3A_38 = vector.broadcast %broadcast_in_dim3A_37 : vector<1x128xf32> to vector<10000x128xf32>
    %mul3A_39 = arith.mulf %sub3A_33, %mul3A_38 : vector<10000x128xf32>
    %get3A_40 = arith.constant 0 : index
    %get3A_41 = vector.load %arg4[%get3A_40] : memref<128xf32, #tpu.memory_space<vmem>>, vector<128xf32>
    %broadcast_in_dim3A_42 = vector.shape_cast %get3A_41 : vector<128xf32> to vector<1x128xf32>
    %mul3A_43 = vector.broadcast %broadcast_in_dim3A_42 : vector<1x128xf32> to vector<10000x128xf32>
    %mul3A_44 = arith.mulf %mul3A_39, %mul3A_43 : vector<10000x128xf32>
    %get3A_45 = arith.constant 0 : index
    %get3A_46 = vector.load %arg5[%get3A_45] : memref<128xf32, #tpu.memory_space<vmem>>, vector<128xf32>
    %broadcast_in_dim3A_47 = vector.shape_cast %get3A_46 : vector<128xf32> to vector<1x128xf32>
    %add3A_48 = vector.broadcast %broadcast_in_dim3A_47 : vector<1x128xf32> to vector<10000x128xf32>
    %add3A_49 = arith.addf %mul3A_44, %add3A_48 : vector<10000x128xf32>
    %max3A = arith.constant 0.000000e+00 : f32
    %max3A_50 = vector.broadcast %max3A : f32 to vector<10000x128xf32>
    %max3A_51 = arith.maximumf %add3A_49, %max3A_50 : vector<10000x128xf32>
    %get3A_52 = arith.constant 0 : index
    %get3A_53 = arith.constant 0 : index
    %get3A_54 = vector.load %arg6[%get3A_52, %get3A_53] : memref<128x128xf32, #tpu.memory_space<vmem>>, vector<128x128xf32>
    %dot_general3A = arith.constant dense<0.000000e+00> : vector<10000x128xf32>
    %dot_general3A_55 = tpu.matmul %max3A_51, %get3A_54, %dot_general3A {dimension_numbers = #tpu.dot_dimension_numbers<[1], [0], [0], [1], [0, 0, 1, 1], [], []>, transpose_lhs_hint = false} : vector<10000x128xf32>, vector<128x128xf32>, vector<10000x128xf32> -> vector<10000x128xf32>
    %slice3A_56 = vector.extract_strided_slice %get3A_0 {offsets = [0], sizes = [10000], strides = [1]} : vector<10240xf32> to vector<10000xf32>
    %broadcast_in_dim3A_57 = vector.shape_cast %slice3A_56 : vector<10000xf32> to vector<10000x1xf32>
    %mul3A_58 = vector.broadcast %broadcast_in_dim3A_57 : vector<10000x1xf32> to vector<10000x128xf32>
    %mul3A_59 = arith.mulf %dot_general3A_55, %mul3A_58 : vector<10000x128xf32>
    %swap3A = arith.constant 0 : index
    %swap3A_60 = arith.constant 0 : index
    %swap3A_61 = vector.load %arg7[%swap3A, %swap3A_60] : memref<10240x128xf32, #tpu.memory_space<vmem>>, vector<10000x128xf32>
    tpu.vector_store %arg7[%swap3A, %swap3A_60], %mul3A_59 {strides = array<i32>} : memref<10240x128xf32, #tpu.memory_space<vmem>>, vector<10000x128xf32>,
    %broadcast_in_dim3A_62 = arith.constant 0.000000e+00 : f32
    %broadcast_in_dim3A_63 = vector.broadcast %broadcast_in_dim3A_62 : f32 to vector<240x128xf32>
    %swap3A_64 = arith.constant 10000 : index
    %swap3A_65 = arith.constant 0 : index
    %swap3A_66 = vector.load %arg7[%swap3A_64, %swap3A_65] : memref<10240x128xf32, #tpu.memory_space<vmem>>, vector<240x128xf32>
    tpu.vector_store %arg7[%swap3A_64, %swap3A_65], %broadcast_in_dim3A_63 {strides = array<i32>} : memref<10240x128xf32, #tpu.memory_space<vmem>>, vector<240x128xf32>,
    return
  }
}

module attributes {stable_mosaic.version = 14 : i64} {
  func.func @_tc_last_body(%arg0: memref<10240x128xf32, #tpu.memory_space<vmem>>, %arg1: memref<2x10240x128xf32, #tpu.memory_space<vmem>>, %arg2: memref<10240xf32, #tpu.memory_space<vmem>>, %arg3: memref<128xf32, #tpu.memory_space<vmem>>, %arg4: memref<128xf32, #tpu.memory_space<vmem>>, %arg5: memref<128xf32, #tpu.memory_space<vmem>>, %arg6: memref<128x16xf32, #tpu.memory_space<vmem>>, %arg7: memref<10240x16xf32, #tpu.memory_space<vmem>>) attributes {dimension_semantics = [], scalar_prefetch = 0 : i64, scratch_operands = 0 : i64, tpu.core_type = #tpu.core_type<tc>} {
    %get3A = arith.constant 0 : index
    %get3A_0 = vector.load %arg2[%get3A] : memref<10240xf32, #tpu.memory_space<vmem>>, vector<10240xf32>
    %get3A_1 = arith.constant 0 : index
    %get3A_2 = arith.constant 0 : index
    %get3A_3 = vector.load %arg0[%get3A_1, %get3A_2] : memref<10240x128xf32, #tpu.memory_space<vmem>>, vector<10000x128xf32>
    %get3A_4 = arith.constant 0 : index
    %get3A_5 = arith.constant 0 : index
    %get3A_6 = arith.constant 0 : index
    %get3A_7 = vector.load %arg1[%get3A_4, %get3A_5, %get3A_6] : memref<2x10240x128xf32, #tpu.memory_space<vmem>>, vector<1x10000x128xf32>
    %get3A_8 = vector.shape_cast %get3A_7 : vector<1x10000x128xf32> to vector<10000x128xf32>
    %add3A = arith.addf %get3A_3, %get3A_8 : vector<10000x128xf32>
    %get3A_9 = arith.constant 1 : index
    %get3A_10 = arith.constant 0 : index
    %get3A_11 = arith.constant 0 : index
    %get3A_12 = vector.load %arg1[%get3A_9, %get3A_10, %get3A_11] : memref<2x10240x128xf32, #tpu.memory_space<vmem>>, vector<1x10000x128xf32>
    %get3A_13 = vector.shape_cast %get3A_12 : vector<1x10000x128xf32> to vector<10000x128xf32>
    %add3A_14 = arith.addf %add3A, %get3A_13 : vector<10000x128xf32>
    %slice3A = vector.extract_strided_slice %get3A_0 {offsets = [0], sizes = [10000], strides = [1]} : vector<10240xf32> to vector<10000xf32>
    %broadcast_in_dim3A = vector.shape_cast %slice3A : vector<10000xf32> to vector<10000x1xf32>
    %mul3A = vector.broadcast %broadcast_in_dim3A : vector<10000x1xf32> to vector<10000x128xf32>
    %mul3A_15 = arith.mulf %add3A_14, %mul3A : vector<10000x128xf32>
    %get3A_16 = arith.constant 0 : index
    %get3A_17 = vector.load %arg3[%get3A_16] : memref<128xf32, #tpu.memory_space<vmem>>, vector<128xf32>
    %broadcast_in_dim3A_18 = vector.shape_cast %get3A_17 : vector<128xf32> to vector<1x128xf32>
    %add3A_19 = vector.broadcast %broadcast_in_dim3A_18 : vector<1x128xf32> to vector<10000x128xf32>
    %add3A_20 = arith.addf %mul3A_15, %add3A_19 : vector<10000x128xf32>
    %reduce_sum3A = arith.constant dense<0.000000e+00> : vector<128xf32>
    %reduce_sum3A_21 = vector.multi_reduction <add>, %add3A_20, %reduce_sum3A [0] : vector<10000x128xf32> to vector<128xf32>
    %div3A = arith.constant 1.000000e+04 : f32
    %div3A_22 = vector.broadcast %div3A : f32 to vector<128xf32>
    %div3A_23 = arith.divf %reduce_sum3A_21, %div3A_22 : vector<128xf32>
    %broadcast_in_dim3A_24 = vector.shape_cast %div3A_23 : vector<128xf32> to vector<1x128xf32>
    %sub3A = vector.broadcast %broadcast_in_dim3A_24 : vector<1x128xf32> to vector<10000x128xf32>
    %sub3A_25 = arith.subf %add3A_20, %sub3A : vector<10000x128xf32>
    %integer_pow3A = arith.mulf %sub3A_25, %sub3A_25 : vector<10000x128xf32>
    %reduce_sum3A_26 = arith.constant dense<0.000000e+00> : vector<128xf32>
    %reduce_sum3A_27 = vector.multi_reduction <add>, %integer_pow3A, %reduce_sum3A_26 [0] : vector<10000x128xf32> to vector<128xf32>
    %div3A_28 = arith.constant 1.000000e+04 : f32
    %div3A_29 = vector.broadcast %div3A_28 : f32 to vector<128xf32>
    %div3A_30 = arith.divf %reduce_sum3A_27, %div3A_29 : vector<128xf32>
    %broadcast_in_dim3A_31 = vector.shape_cast %div3A_23 : vector<128xf32> to vector<1x128xf32>
    %sub3A_32 = vector.broadcast %broadcast_in_dim3A_31 : vector<1x128xf32> to vector<10000x128xf32>
    %sub3A_33 = arith.subf %add3A_20, %sub3A_32 : vector<10000x128xf32>
    %add3A_34 = arith.constant 9.99999974E-6 : f32
    %add3A_35 = vector.broadcast %add3A_34 : f32 to vector<128xf32>
    %add3A_36 = arith.addf %div3A_30, %add3A_35 : vector<128xf32>
    %rsqrt3A = math.rsqrt %add3A_36 : vector<128xf32>
    %broadcast_in_dim3A_37 = vector.shape_cast %rsqrt3A : vector<128xf32> to vector<1x128xf32>
    %mul3A_38 = vector.broadcast %broadcast_in_dim3A_37 : vector<1x128xf32> to vector<10000x128xf32>
    %mul3A_39 = arith.mulf %sub3A_33, %mul3A_38 : vector<10000x128xf32>
    %get3A_40 = arith.constant 0 : index
    %get3A_41 = vector.load %arg4[%get3A_40] : memref<128xf32, #tpu.memory_space<vmem>>, vector<128xf32>
    %broadcast_in_dim3A_42 = vector.shape_cast %get3A_41 : vector<128xf32> to vector<1x128xf32>
    %mul3A_43 = vector.broadcast %broadcast_in_dim3A_42 : vector<1x128xf32> to vector<10000x128xf32>
    %mul3A_44 = arith.mulf %mul3A_39, %mul3A_43 : vector<10000x128xf32>
    %get3A_45 = arith.constant 0 : index
    %get3A_46 = vector.load %arg5[%get3A_45] : memref<128xf32, #tpu.memory_space<vmem>>, vector<128xf32>
    %broadcast_in_dim3A_47 = vector.shape_cast %get3A_46 : vector<128xf32> to vector<1x128xf32>
    %add3A_48 = vector.broadcast %broadcast_in_dim3A_47 : vector<1x128xf32> to vector<10000x128xf32>
    %add3A_49 = arith.addf %mul3A_44, %add3A_48 : vector<10000x128xf32>
    %max3A = arith.constant 0.000000e+00 : f32
    %max3A_50 = vector.broadcast %max3A : f32 to vector<10000x128xf32>
    %max3A_51 = arith.maximumf %add3A_49, %max3A_50 : vector<10000x128xf32>
    %get3A_52 = arith.constant 0 : index
    %get3A_53 = arith.constant 0 : index
    %get3A_54 = vector.load %arg6[%get3A_52, %get3A_53] : memref<128x16xf32, #tpu.memory_space<vmem>>, vector<128x16xf32>
    %dot_general3A = arith.constant dense<0.000000e+00> : vector<10000x16xf32>
    %dot_general3A_55 = tpu.matmul %max3A_51, %get3A_54, %dot_general3A {dimension_numbers = #tpu.dot_dimension_numbers<[1], [0], [0], [1], [0, 0, 1, 1], [], []>, transpose_lhs_hint = false} : vector<10000x128xf32>, vector<128x16xf32>, vector<10000x16xf32> -> vector<10000x16xf32>
    %slice3A_56 = vector.extract_strided_slice %get3A_0 {offsets = [0], sizes = [10000], strides = [1]} : vector<10240xf32> to vector<10000xf32>
    %broadcast_in_dim3A_57 = vector.shape_cast %slice3A_56 : vector<10000xf32> to vector<10000x1xf32>
    %mul3A_58 = vector.broadcast %broadcast_in_dim3A_57 : vector<10000x1xf32> to vector<10000x16xf32>
    %mul3A_59 = arith.mulf %dot_general3A_55, %mul3A_58 : vector<10000x16xf32>
    %swap3A = arith.constant 0 : index
    %swap3A_60 = arith.constant 0 : index
    %swap3A_61 = vector.load %arg7[%swap3A, %swap3A_60] : memref<10240x16xf32, #tpu.memory_space<vmem>>, vector<10000x16xf32>
    tpu.vector_store %arg7[%swap3A, %swap3A_60], %mul3A_59 {strides = array<i32>} : memref<10240x16xf32, #tpu.memory_space<vmem>>, vector<10000x16xf32>,
    %broadcast_in_dim3A_62 = arith.constant 0.000000e+00 : f32
    %broadcast_in_dim3A_63 = vector.broadcast %broadcast_in_dim3A_62 : f32 to vector<240x16xf32>
    %swap3A_64 = arith.constant 10000 : index
    %swap3A_65 = arith.constant 0 : index
    %swap3A_66 = vector.load %arg7[%swap3A_64, %swap3A_65] : memref<10240x16xf32, #tpu.memory_space<vmem>>, vector<240x16xf32>
    tpu.vector_store %arg7[%swap3A_64, %swap3A_65], %broadcast_in_dim3A_63 {strides = array<i32>} : memref<10240x16xf32, #tpu.memory_space<vmem>>, vector<240x16xf32>,
    return
  }
}

module attributes {stable_mosaic.version = 14 : i64} {
  func.func @_tc_fin_body(%arg0: memref<10240x16xf32, #tpu.memory_space<vmem>>, %arg1: memref<2x10240x16xf32, #tpu.memory_space<vmem>>, %arg2: memref<10240xf32, #tpu.memory_space<vmem>>, %arg3: memref<2xf32, #tpu.memory_space<vmem>>, %arg4: memref<10000x2xf32, #tpu.memory_space<vmem>>) attributes {dimension_semantics = [], scalar_prefetch = 0 : i64, scratch_operands = 0 : i64, tpu.core_type = #tpu.core_type<tc>} {
    %get3A = arith.constant 0 : index
    %get3A_0 = vector.load %arg2[%get3A] : memref<10240xf32, #tpu.memory_space<vmem>>, vector<10240xf32>
    %get3A_1 = arith.constant 0 : index
    %get3A_2 = arith.constant 0 : index
    %get3A_3 = vector.load %arg0[%get3A_1, %get3A_2] : memref<10240x16xf32, #tpu.memory_space<vmem>>, vector<10000x16xf32>
    %get3A_4 = arith.constant 0 : index
    %get3A_5 = arith.constant 0 : index
    %get3A_6 = arith.constant 0 : index
    %get3A_7 = vector.load %arg1[%get3A_4, %get3A_5, %get3A_6] : memref<2x10240x16xf32, #tpu.memory_space<vmem>>, vector<1x10000x16xf32>
    %get3A_8 = vector.shape_cast %get3A_7 : vector<1x10000x16xf32> to vector<10000x16xf32>
    %add3A = arith.addf %get3A_3, %get3A_8 : vector<10000x16xf32>
    %get3A_9 = arith.constant 1 : index
    %get3A_10 = arith.constant 0 : index
    %get3A_11 = arith.constant 0 : index
    %get3A_12 = vector.load %arg1[%get3A_9, %get3A_10, %get3A_11] : memref<2x10240x16xf32, #tpu.memory_space<vmem>>, vector<1x10000x16xf32>
    %get3A_13 = vector.shape_cast %get3A_12 : vector<1x10000x16xf32> to vector<10000x16xf32>
    %add3A_14 = arith.addf %add3A, %get3A_13 : vector<10000x16xf32>
    %slice3A = vector.extract_strided_slice %get3A_0 {offsets = [0], sizes = [10000], strides = [1]} : vector<10240xf32> to vector<10000xf32>
    %broadcast_in_dim3A = vector.shape_cast %slice3A : vector<10000xf32> to vector<10000x1xf32>
    %mul3A = vector.broadcast %broadcast_in_dim3A : vector<10000x1xf32> to vector<10000x16xf32>
    %mul3A_15 = arith.mulf %add3A_14, %mul3A : vector<10000x16xf32>
    %slice3A_16 = vector.extract_strided_slice %mul3A_15 {offsets = [0, 0], sizes = [10000, 2], strides = [1, 1]} : vector<10000x16xf32> to vector<10000x2xf32>
    %get3A_17 = arith.constant 0 : index
    %get3A_18 = vector.load %arg3[%get3A_17] : memref<2xf32, #tpu.memory_space<vmem>>, vector<2xf32>
    %broadcast_in_dim3A_19 = vector.shape_cast %get3A_18 : vector<2xf32> to vector<1x2xf32>
    %add3A_20 = vector.broadcast %broadcast_in_dim3A_19 : vector<1x2xf32> to vector<10000x2xf32>
    %add3A_21 = arith.addf %slice3A_16, %add3A_20 : vector<10000x2xf32>
    %swap3A = arith.constant 0 : index
    %swap3A_22 = arith.constant 0 : index
    %swap3A_23 = vector.load %arg4[%swap3A, %swap3A_22] : memref<10000x2xf32, #tpu.memory_space<vmem>>, vector<10000x2xf32>
    tpu.vector_store %arg4[%swap3A, %swap3A_22], %add3A_21 {strides = array<i32>} : memref<10000x2xf32, #tpu.memory_space<vmem>>, vector<10000x2xf32>,
    return
  }
}

</mosaic_0001>

<sc_bundles>
// kernel: kernel.10.cloned.1.call-start
scs
__scs_entry_jumppad:
0x0: {  	(pc) =	sbr.rel $0x88, $3  }
0x1: {  	(tag) =	ssettag $0x0;
	lr =	simm.s32 $0x1  }
0x2: {  	[smem:$0x3F95] =	sst lr;
	_ =	strace $0xD0000000  }
0x3: {  	_ = 	snop  }
0x4: {  	_ = 	snop  }
0x5: {  	_ = 	snop  }
0x6: {  	_ = 	snop  }
0x7: {  	_ = 	snop  }
__scs_overlays_trampoline_lowered:
0x8: {  	[smem:$0x3FA4] =	sst s0  }
0x9: {  	[smem:$0x3FA5] =	sst s1  }
0xa: {  	[smem:$0x3FA6] =	sst s2  }
0xb: {  	[smem:$0x3FA7] =	sst s3  }
0xc: {  	[smem:$0x3FA8] =	sst s4  }
0xd: {  	[smem:$0x3FA9] =	sst s5  }
0xe: {  	[smem:$0x3FAA] =	sst s6  }
0xf: {  	[smem:$0x3FAB] =	sst s7  }
0x10: {  	[smem:$0x3FAC] =	sst s8  }
0x11: {  	[smem:$0x3FAD] =	sst s9;
	s0 =	simm.s32 @!p0 $0x0  }
0x12: {  	s1 =	sld [smem:$0x3F93];
	s0 =	simm.s32 @p0 $0x1  }
0x13: {  	[smem:$0x3FAE] =	sst s0;
	s0 =	simm.s32 @!p1 $0x0  }
0x14: {  	s2 =	sld [smem:$0x3F92];
	s0 =	simm.s32 @p1 $0x1  }
0x15: {  	[smem:$0x3FAF] =	sst s0;
	s0 =	simm.s32 @!p2 $0x0  }
0x16: {  	s3 =	sld [smem:$0x3FDB];
	s0 =	simm.s32 @p2 $0x1  }
0x17: {  	s4 =	simm.s32 $0x1BF5;
	[smem:$0x3FB1] =	sst s0  }
0x18: {  	s0 =	sld [smem:$0x3F94];
	_ =	swait.ge [sflag:s4], $0x0  }
0x19: {  	s7 =	sld [smem:$0x3F95]  }
0x1a: {  	s8 =	sadd.s32 $0xFFFFE003, lr  }
0x1b: {  	s9 =	sadd.s32 $0xFFFFFEF7, lr;
	s5 =	simm.s32 $0xFFFFFFFF;
	p2 =	slt.u32 s8, $0xFFFFF086  }
0x1c: {  	p1 =	slt.u32 s9, $0xF7A;
	s5 =	simm.s32 @!p2 $0x0  }
0x1d: {  	s5 =	simm.s32 @p1 $0x1;
	p0 =	seq.s32 s7, s2  }
0x1e: {  	s7 =	smul.u32 @!p0 $0xF7A, s2;
	p2 =	seq.s32 @!p0 s5, $0x0  }
0x1f: {  	s9 =	smul.u32 $0xF7A, s1;
	s8 =	simm.s32 @!p0 $0x1BF5;
	p2 =	por !p2, p0  }
0x20: {  	[sflag:s8] =	ssyncset.s32 @!p0 $0xFFFFF086;
	s6 =	sadd.s32 @!p0 s3, s7;
	s7 =	simm.s32 @!p0 $0x108  }
0x21: {  	s3 =	sadd.s32 s3, s9;
	s6 =	sadd.s32 @!p0 $0x88, s6;
	s7 =	simm.s32 @p2 $0x1082  }
0x22: {  	[simem:s7], [sflag:s8] =	dma.local @!p0 [hbm:s6], $0xF7A  }
0x23: {  	s9 =	sor.u32 $0xD0000000, s2;
	s6 =	simm.s32 $0x108;
	_ =	swait.ge @!p0 [sflag:s8], $0x0  }
0x24: {  	s3 =	sadd.s32 $0x88, s3;
	s6 =	simm.s32 @!p1 $0x1082;
	[sflag:s4] =	ssyncset.s32 $0xFFFFF086  }
0x25: {  	[simem:s6], [sflag:s4] =	dma.local [hbm:s3], $0xF7A  }
0x26: {  	[smem:$0x3F95] =	sst s1;
	(tag) =	ssettag s2;
	_ =	strace s9  }
0x27: {  	s1 =	sld [smem:$0x3FA5]  }
0x28: {  	s2 =	sld [smem:$0x3FA6]  }
0x29: {  	s4 =	sld [smem:$0x3FA8]  }
0x2a: {  	p0 =	seq.s32 s5, $0x0;
	s5 =	sld [smem:$0x3FA9]  }
0x2b: {  	s6 =	sld [smem:$0x3FAA]  }
0x2c: {  	s7 =	sld [smem:$0x3FAB]  }
0x2d: {  	s3 =	simm.s32 $0x108;
	s8 =	sld [smem:$0x3FAC]  }
0x2e: {  	s3 =	simm.s32 @!p0 $0x1082;
	s9 =	sld [smem:$0x3FAD]  }
0x2f: {  	lr =	sadd.s32 s0, s3;
	s0 =	sld [smem:$0x3FA4]  }
0x30: {  	s3 =	sld [smem:$0x3FA7]  }
0x31: {  	[smem:$0x3FB0] =	sst s10  }
0x32: {  	s10 =	sld [smem:$0x3FAE];
	_ =	sdelay $0x3  }
0x33: {  	p0 =	seq.s32 s10, $0x1;
	s10 =	sld [smem:$0x3FB0];
	_ =	sdelay $0x3  }
0x34: {  	[smem:$0x3FB0] =	sst s10  }
0x35: {  	s10 =	sld [smem:$0x3FAF];
	_ =	sdelay $0x3  }
0x36: {  	p1 =	seq.s32 s10, $0x1;
	s10 =	sld [smem:$0x3FB0];
	_ =	sdelay $0x3  }
0x37: {  	[smem:$0x3FB0] =	sst s10  }
0x38: {  	s10 =	sld [smem:$0x3FB1]  }
0x39: {  	_ = 	snop;
	(pc) =	sbr.ind lr, $3  }
0x3a: {  	_ = 	snop  }
0x3b: {  	_ = 	snop  }
0x3c: {  	p2 =	seq.s32 s10, $0x1;
	s10 =	sld [smem:$0x3FB0]  }
0x3d: {  	_ =	shalt  }
0x3e: {  	_ =	shalt  }
0x3f: {  	_ =	shalt  }
0x40: {  	_ =	shalt  }
0x41: {  	_ =	shalt  }
0x42: {  	_ =	shalt  }
0x43: {  	_ =	shalt  }
0x44: {  	_ =	shalt  }
0x45: {  	_ =	shalt  }
0x46: {  	_ =	shalt  }
0x47: {  	_ =	shalt  }
0x48: {  	_ =	shalt  }
0x49: {  	_ =	shalt  }
0x4a: {  	_ =	shalt  }
0x4b: {  	_ =	shalt  }
0x4c: {  	_ =	shalt  }
0x4d: {  	_ =	shalt  }
0x4e: {  	_ =	shalt  }
0x4f: {  	_ =	shalt  }
0x50: {  	_ =	shalt  }
0x51: {  	_ =	shalt  }
0x52: {  	_ =	shalt  }
0x53: {  	_ =	shalt  }
0x54: {  	_ =	shalt  }
0x55: {  	_ =	shalt  }
0x56: {  	_ =	shalt  }
0x57: {  	_ =	shalt  }
0x58: {  	_ =	shalt  }
0x59: {  	_ =	shalt  }
0x5a: {  	_ =	shalt  }
0x5b: {  	_ =	shalt  }
0x5c: {  	_ =	shalt  }
0x5d: {  	_ =	shalt  }
0x5e: {  	_ =	shalt  }
0x5f: {  	_ =	shalt  }
0x60: {  	_ =	shalt  }
0x61: {  	_ =	shalt  }
0x62: {  	_ =	shalt  }
0x63: {  	_ =	shalt  }
0x64: {  	_ =	shalt  }
0x65: {  	_ =	shalt  }
0x66: {  	_ =	shalt  }
0x67: {  	_ =	shalt  }
0x68: {  	_ =	shalt  }
0x69: {  	_ =	shalt  }
0x6a: {  	_ =	shalt  }
0x6b: {  	_ =	shalt  }
0x6c: {  	_ =	shalt  }
0x6d: {  	_ =	shalt  }
0x6e: {  	_ =	shalt  }
0x6f: {  	_ =	shalt  }
0x70: {  	_ =	shalt  }
0x71: {  	_ =	shalt  }
0x72: {  	_ =	shalt  }
0x73: {  	_ =	shalt  }
0x74: {  	_ =	shalt  }
0x75: {  	_ =	shalt  }
0x76: {  	_ =	shalt  }
0x77: {  	_ =	shalt  }
0x78: {  	_ =	shalt  }
0x79: {  	_ =	shalt  }
0x7a: {  	_ =	shalt  }
0x7b: {  	_ =	shalt  }
0x7c: {  	_ =	shalt  }
0x7d: {  	_ =	shalt  }
0x7e: {  	_ =	shalt  }
0x7f: {  	_ =	shalt  }
0x80: {  	_ =	shalt  }
0x81: {  	_ =	shalt  }
0x82: {  	_ =	shalt  }
0x83: {  	_ =	shalt  }
0x84: {  	_ =	shalt  }
0x85: {  	_ =	shalt  }
0x86: {  	_ =	shalt  }
0x87: {  	_ =	shalt  }
.Lfunc_end0:
.L_simem_size_0:
called_computation_lowered:
.L_overlay_start_0:
0x88: {  	s2 =	sld [smem:$0x3FD9]  }
0x89: {  	s3 =	sld [smem:$0x3FFE];
	_ =	sdelay $0x1  }
0x8a: {  	s1 =	srdreg.scid  }
0x8b: {  	s0 =	sand.u32 $0x1, s1  }
0x8c: {  	s17 =	sshll.u32 s0, $0xA;
	s2 =	sadd.s32 s3, s2  }
0x8d: {  	s2 =	sadd.s32 s2, s17  }
0x8e: {  	[smem:$0x3FBC] =	sst s2  }
0x8f: {  	_ = 	snop  }
0x90: {  	s2 =	sld [smem:$0x3FD0];
	(tm) =	ssettm $0x1  }
0x91: {  	s18 =	sld [smem:$0x3FFB];
	_ =	sdelay $0x3  }
0x92: {  	_ =	strace s18  }
0x93: {  	s3 =	sld [smem:$0x3FFC];
	_ =	sdelay $0x3  }
0x94: {  	_ =	strace s3  }
0x95: {  	s3 =	sld [smem:$0x3FFD];
	_ =	sdelay $0x3  }
0x96: {  	_ =	strace s3  }
0x97: {  	_ =	strace $0x8FFFFFFF  }
0x98: {  	s19 =	sld [smem:$0x3FDB];
	_ =	sdelay $0x1  }
0x99: {  	s4 =	simm.s32 $_scs_section_size  }
0x9a: {  	s5 =	simm.s32 $_size__tile_overlayer_lowered;
	s6 =	simm.s32 $_tile_overlayer_lowered  }
0x9b: {  	s22 =	simm.s32 $0x1BFF;
	s21 =	sshll.u32 s6, $0x1;
	s3 =	sadd.s32 s4, s19  }
0x9c: {  	s7 =	simm.s32 $0x0;
	s20 =	sshll.u32 s5, $0x1;
	s5 =	sadd.s32 s21, s3  }
0x9d: {  	[timem:s7], [sflag:s22] =	dma.local [hbm:s5], s20  }
0x9e: {  	_ =	swait.ge [sflag:s22], s20  }
0x9f: {  	s4 =	ssub.s32 $0x0, s20;
	[sflag:s22] =	ssyncset.done $0x0  }
0xa0: {  	[sflag:s22] =	ssyncadd.s32 s4;
	_ =	sdelay $0x1  }
0xa1: {  	s23 =	simm.s32 $0x1B8B  }
0xa2: {  	_ =	swait.ge [sflag:s23], $0x1  }
0xa3: {  	[sflag:s23] =	ssyncset.done $0x0  }
0xa4: {  	s25 =	simm.s32 $0x1B8E;
	s24 =	sld [smem:$0x3FFE];
	[sflag:s23] =	ssyncadd.s32 $0xFFFFFFFF  }
0xa5: {  	s26 =	simm.s32 $execute0_lowered;
	[smem:$0x3FD2] =	sst s25  }
0xa6: {  	s5 =	sshll.u32 s26, $0x1;
	_ =	strace $0x80000046;
	[dreg:$0x1] =	wrdreg $0xFFFFFFFF  }
0xa7: {  	s28 =	simm.s32 $_size_execute0_lowered;
	s3 =	sadd.s32 s3, s5;
	[dreg:$0x0] =	wrdreg $0x0  }
0xa8: {  	s5 =	sshll.u32 s28, $0x1;
	[dreg:$0x2] =	wrdreg s3  }
0xa9: {  	[dreg:$0x3] =	wrdreg s5  }
0xaa: {  	[dreg:$0x4] =	wrdreg $0xC0  }
0xab: {  	_ =	task [dreg:s7], $0x5FFFF  }
0xac: {  	[dreg:$0x1] =	wrdreg $0xFFFFFFFF  }
0xad: {  	[dreg:$0x0] =	wrdreg $0x60  }
0xae: {  	[dreg:$0x2] =	wrdreg s24  }
0xaf: {  	[dreg:$0x3] =	wrdreg s2  }
0xb0: {  	[dreg:$0x4] =	wrdreg $0x2B000  }
0xb1: {  	[dreg:$0x5] =	wrdreg $0x9  }
0xb2: {  	_ =	task.clear_ibuf [dreg:s7], $0x6FFFF;
	_ =	strace $0x90000046  }
0xb3: {  	s29 =	simm.s32 $0x9;
	_ =	strace $0x80000048  }
0xb4: {  	_ =	swait.ge [sflag:s29], $0x1  }
0xb5: {  	[sflag:s29] =	ssyncadd.s32 $0xFFFFFFFF  }
0xb6: {  	_ =	strace $0x90000048  }
0xb7: {  	_ =	sfence  }
0xb8: {  	s30 =	sld [smem:$0x0];
	_ =	sdelay $0x2  }
0xb9: {  	s31 =	sshll.u32 s1, $0xD;
	s1 =	sshrl.u32 s1, $0x2  }
0xba: {  	s3 =	sand.u32 $0x4000, s31;
	s1 =	sadd.s32 s1, s30  }
0xbb: {  	s0 =	sor.u32 s3, s0;
	s1 =	sshll.u32 s1, $0x11  }
0xbc: {  	s0 =	sor.u32 s1, s0  }
0xbd: {  	s0 =	sadd.s32 $0x8F2B, s0  }
0xbe: {  	[sflag:s0] =	ssyncadd.remote.s32 $0x1  }
0xbf: {  	_ =	sfence.sel $0xFFFF  }
0xc0: {  	[dreg:$0x0] =	wrdreg $0xFFFFFFFF;
	(pc) =	sbr.abs _section_cstart, $3  }
0xc1: {  	[dreg:$0x1] =	wrdreg $0xFFFFFFFF  }
0xc2: {  	_ =	task.clear_ibuf [dreg:s7], $0x2FFFF;
	_ =	strace $0x9FFFFFFF  }
0xc3: {  	(tm) =	ssettm $0x7FFFFFFF  }
tec
execute0_lowered:
.L_overlay_start_1:
0x0: {  	(tag) =	ssettag $0x1  }
0x1: {  	s4 =	rddreg [dreg:$0x0]  }
0x2: {  	s7 =	rddreg [dreg:$0x1]  }
0x3: {  	s0 =	srdreg.scid;
	s2 =	rddreg [dreg:$0x2]  }
0x4: {  	s3 =	simm.s32 $0x0;
	s6 =	sand.u32 $0x1, s0;
	s0 =	rddreg [dreg:$0x3]  }
0x5: {  	s1 =	stileid.u32;
	s12 =	simm.s32 $0x0;
	[smem:$0x7FF] =	sst s3  }
0x6: {  	s10 =	smul.u32 $0x280, s1;
	s11 =	sadd.s32 $0x18400, s4;
	s5 =	sshll.u32 s6, $0x4  }
0x7: {  	s8 =	ssub.s32 $0x2, s6;
	_ =	strace $0x80000047;
	p0 =	seq.s32 s6, $0x0  }
0x8: {  	s5 =	sor.u32 s1, s5;
	s9 =	sshrl.u32 s8, $0x1;
	s31 =	sshrl.u32 s10, $0x3  }
0x9: {  	s11 =	smov.u32 @p0 s7;
	s5 =	smul.u32 $0x500, s5;
	s8 =	ssub.s32 s8, s9  }
0xa: {  	s7 =	sadd.s32 s11, s31;
	s9 =	simm.s32 $0x1;
	s11 =	simm.s32 $0x2800  }
0xb: {  	s6 =	smax.u32 s8, $0x1;
	s8 =	simm.s32 $0x2880;
	s5 =	sadd.s32 s5, s4  }
0xc: {  	v0 =	vimm.f32 $1.000000000e+00;
	v1 =	vimm.f32 $0.0e+00;
	s4 =	sadd.s32 s10, s2;
	s10 =	simm.s32 $0x80;
	s5 =	sadd.s32 $0xE400, s5  }
.LBB2_1:
0xd: {  	[tilespmem:$0x2800] =	vst v0  }
0xe: {  	[tilespmem:$0x2810] =	vst v0  }
0xf: {  	[tilespmem:$0x2820] =	vst v0  }
0x10: {  	[tilespmem:$0x2830] =	vst v0  }
0x11: {  	[tilespmem:$0x2840] =	vst v0  }
0x12: {  	[tilespmem:$0x2850] =	vst v0  }
0x13: {  	[tilespmem:$0x2860] =	vst v0  }
0x14: {  	[tilespmem:$0x2870] =	vst v0  }
0x15: {  	[tilespmem:$0x2880] =	vst v1  }
0x16: {  	[tilespmem:$0x2890] =	vst v1  }
0x17: {  	[tilespmem:$0x28A0] =	vst v1  }
0x18: {  	[tilespmem:$0x28B0] =	vst v1  }
0x19: {  	[tilespmem:$0x28C0] =	vst v1  }
0x1a: {  	[tilespmem:$0x28D0] =	vst v1  }
0x1b: {  	[tilespmem:$0x28E0] =	vst v1  }
0x1c: {  	[tilespmem:$0x28F0] =	vst v1  }
0x1d: {  	[tilespmem:$0x2900] =	vst v1  }
0x1e: {  	[tilespmem:$0x2910] =	vst v1  }
0x1f: {  	[tilespmem:$0x2920] =	vst v1  }
0x20: {  	[tilespmem:$0x2930] =	vst v1  }
0x21: {  	[tilespmem:$0x2940] =	vst v1  }
0x22: {  	[tilespmem:$0x2950] =	vst v1  }
0x23: {  	[tilespmem:$0x2960] =	vst v1  }
0x24: {  	[tilespmem:$0x2970] =	vst v1  }
0x25: {  	[tilespmem:$0x2980] =	vst v1  }
0x26: {  	[tilespmem:$0x2990] =	vst v1  }
0x27: {  	[tilespmem:$0x29A0] =	vst v1  }
0x28: {  	[tilespmem:$0x29B0] =	vst v1  }
0x29: {  	[tilespmem:$0x29C0] =	vst v1  }
0x2a: {  	[tilespmem:$0x29D0] =	vst v1  }
0x2b: {  	[tilespmem:$0x29E0] =	vst v1  }
0x2c: {  	[tilespmem:$0x29F0] =	vst v1  }
0x2d: {  	[tilespmem:$0x2A00] =	vst v1  }
0x2e: {  	[tilespmem:$0x2A10] =	vst v1  }
0x2f: {  	[tilespmem:$0x2A20] =	vst v1  }
0x30: {  	[tilespmem:$0x2A30] =	vst v1  }
0x31: {  	[tilespmem:$0x2A40] =	vst v1  }
0x32: {  	[tilespmem:$0x2A50] =	vst v1  }
0x33: {  	[tilespmem:$0x2A60] =	vst v1  }
0x34: {  	[tilespmem:$0x2A70] =	vst v1  }
0x35: {  	[tilespmem:$0x2A80] =	vst v1  }
0x36: {  	[tilespmem:$0x2A90] =	vst v1  }
0x37: {  	[tilespmem:$0x2AA0] =	vst v1  }
0x38: {  	[tilespmem:$0x2AB0] =	vst v1  }
0x39: {  	[tilespmem:$0x2AC0] =	vst v1  }
0x3a: {  	[tilespmem:$0x2AD0] =	vst v1  }
0x3b: {  	[tilespmem:$0x2AE0] =	vst v1  }
0x3c: {  	[tilespmem:$0x2AF0] =	vst v1  }
0x3d: {  	[spmem:s4] =	stream.linear.scatter [tilespmem:s8], [sflag:$0x1], $0x280, $0x38;
	[tilespmem:$0x2D80] =	vst v63  }
0x3e: {  	_ =	swait.ge [sflag:s9], $0x280  }
0x3f: {  	[sflag:s9] =	ssyncset.done $0x0  }
0x40: {  	[sflag:s9] =	ssyncadd.s32 $0xFFFFFD80  }
0x41: {  	[tilespmem:s3], [sflag:$0x1] =	stream.linear.gather [hbm4b:s5+s3], $0x2800, $0x38;
	[tilespmem:$0x2D80] =	vst v63  }
0x42: {  	_ =	swait.ge [sflag:s9], $0x2800  }
0x43: {  	[sflag:s9] =	ssyncset.done $0x0  }
0x44: {  	[sflag:s9] =	ssyncadd.s32 $0xFFFFD800  }
0x45: {  	s13 =	simm.s32 $0x0;
	[bflag:$0x0] =	sbarrier.arrive $0xFFFF  }
0x46: {  	[spmem:s2] =	stream.indirect.scatter.add.f32 [tilespmem:s11], [sflag:$0x1], $0x1, s13, s10, $0xb8;
	[tilespmem:$0x2D80] =	vst v63  }
0x47: {  	_ =	swait.ge [sflag:s9], $0x80  }
0x48: {  	s13 =	simm.s32 $0x200;
	[sflag:s9] =	ssyncset.done $0x0  }
.LBB2_2:
0x49: {  	s14 =	sshra.s32 s13, $0x2;
	[sflag:s9] =	ssyncadd.s32 $0xFFFFFF80;
	p0 =	sne.s32 s13, $0x9E00  }
0x4a: {  	[spmem:s2] =	stream.indirect.scatter.add.f32 [tilespmem:s11], [sflag:$0x1], $0x1, s14, s10, $0xb8;
	[tilespmem:$0x2D80] =	vst v63  }
.Ltmp0:
0x4b: {  	_ = 	snop;
	(pc) =	sbr.rel @p0 .LBB2_2-.Ltmp0, $4  }
0x4c: {  	_ = 	snop  }
0x4d: {  	s13 =	sadd.s32 $0x200, s13  }
0x4e: {  	_ =	swait.ge [sflag:s9], $0x80  }
0x4f: {  	[sflag:s9] =	ssyncset.done $0x0  }
0x50: {  	[sflag:s9] =	ssyncadd.s32 $0xFFFFFF80  }
0x51: {  	[bflag:$0x0] =	sbarrier.arrive $0xFFFF  }
0x52: {  	[tilespmem:s8], [sflag:$0x1] =	stream.linear.gather [spmem:s4], $0x280, $0x38;
	[tilespmem:$0x2D80] =	vst v63  }
0x53: {  	s12 =	sadd.s32 $0x1, s12;
	_ =	swait.ge [sflag:s9], $0x280  }
0x54: {  	p0 =	sne.s32 s12, s6;
	[sflag:s9] =	ssyncset.done $0x0  }
.Ltmp1:
0x55: {  	[sflag:s9] =	ssyncadd.s32 $0xFFFFFD80;
	(pc) =	sbr.rel @p0 .LBB2_1-.Ltmp1, $4  }
0x56: {  	[hbm4b:s7+s3] =	stream.linear.scatter [tilespmem:s8], [sflag:$0x1], $0x280, $0x38;
	[tilespmem:$0x2D80] =	vst v63  }
0x57: {  	_ =	swait.ge [sflag:s9], $0x280  }
0x58: {  	[sflag:s9] =	ssyncset.done $0x0  }
0x59: {  	[sflag:s9] =	ssyncadd.s32 $0xFFFFFD80  }
0x5a: {  	_ =	sfence.sel $0x180000  }
0x5b: {  	[bflag:$0x0] =	sbarrier.arrive $0xFFFF  }
0x5c: {  	p0 =	sne.s32 s1, $0x0;
	_ =	strace $0x90000047  }
0x5d: {  	s0 =	sadd.s32 @!p0 $0x100000, s0;
	[bflag:$0x2] =	sbarrier.arrive $0xFFFF  }
0x5e: {  	[sflag:s0] =	ssyncadd.tile.s32 @!p0 $0x1;
	_ =	shalt  }
.Lfunc_end2:
_tile_overlayer_lowered:
.L_overlay_start_2:
0x5f: {  	(tag) =	ssettag $0x2  }
0x60: {  	s0 =	rddreg [dreg:$0x0];
	s2 =	stileid.u32  }
0x61: {  	s1 =	rddreg [dreg:$0x1];
	p0 =	sne.s32 s2, $0x0  }
0x62: {  	s3 =	rddreg [dreg:$0x2];
	[bflag:$0x3] =	sbarrier.arrive $0xFFFF;
	s2 =	simm.s32 @!p0 $0x1C01  }
0x63: {  	[timem:s3], [sflag:s2] =	dma.local @!p0 [hbm:s0], s1  }
0x64: {  	s0 =	simm.s32 @!p0 $0x1  }
0x65: {  	_ =	swait.ge @!p0 [sflag:s0], s1  }
0x66: {  	s1 =	ssub.s32 @!p0 $0x0, s1;
	[sflag:s0] =	ssyncset.done @!p0 $0x0  }
0x67: {  	[sflag:s0] =	ssyncadd.s32 @!p0 s1  }
0x68: {  	[bflag:$0x3] =	sbarrier.arrive $0xFFFF  }
0x69: {  	_ =	shalt  }

// kernel: kernel.13.cloned.1.call-start
scs
__scs_entry_jumppad:
0x0: {  	(pc) =	sbr.rel $0x88, $3  }
0x1: {  	(tag) =	ssettag $0x0;
	lr =	simm.s32 $0x1  }
0x2: {  	[smem:$0x3F95] =	sst lr;
	_ =	strace $0xD0000000  }
0x3: {  	_ = 	snop  }
0x4: {  	_ = 	snop  }
0x5: {  	_ = 	snop  }
0x6: {  	_ = 	snop  }
0x7: {  	_ = 	snop  }
__scs_overlays_trampoline_lowered:
0x8: {  	[smem:$0x3FA4] =	sst s0  }
0x9: {  	[smem:$0x3FA5] =	sst s1  }
0xa: {  	[smem:$0x3FA6] =	sst s2  }
0xb: {  	[smem:$0x3FA7] =	sst s3  }
0xc: {  	[smem:$0x3FA8] =	sst s4  }
0xd: {  	[smem:$0x3FA9] =	sst s5  }
0xe: {  	[smem:$0x3FAA] =	sst s6  }
0xf: {  	[smem:$0x3FAB] =	sst s7  }
0x10: {  	[smem:$0x3FAC] =	sst s8  }
0x11: {  	[smem:$0x3FAD] =	sst s9;
	s0 =	simm.s32 @!p0 $0x0  }
0x12: {  	s1 =	sld [smem:$0x3F93];
	s0 =	simm.s32 @p0 $0x1  }
0x13: {  	[smem:$0x3FAE] =	sst s0;
	s0 =	simm.s32 @!p1 $0x0  }
0x14: {  	s2 =	sld [smem:$0x3F92];
	s0 =	simm.s32 @p1 $0x1  }
0x15: {  	[smem:$0x3FAF] =	sst s0;
	s0 =	simm.s32 @!p2 $0x0  }
0x16: {  	s3 =	sld [smem:$0x3FDB];
	s0 =	simm.s32 @p2 $0x1  }
0x17: {  	s4 =	simm.s32 $0x1BF5;
	[smem:$0x3FB1] =	sst s0  }
0x18: {  	s0 =	sld [smem:$0x3F94];
	_ =	swait.ge [sflag:s4], $0x0  }
0x19: {  	s7 =	sld [smem:$0x3F95]  }
0x1a: {  	s8 =	sadd.s32 $0xFFFFE003, lr  }
0x1b: {  	s9 =	sadd.s32 $0xFFFFFEF7, lr;
	s5 =	simm.s32 $0xFFFFFFFF;
	p2 =	slt.u32 s8, $0xFFFFF086  }
0x1c: {  	p1 =	slt.u32 s9, $0xF7A;
	s5 =	simm.s32 @!p2 $0x0  }
0x1d: {  	s5 =	simm.s32 @p1 $0x1;
	p0 =	seq.s32 s7, s2  }
0x1e: {  	s7 =	smul.u32 @!p0 $0xF7A, s2;
	p2 =	seq.s32 @!p0 s5, $0x0  }
0x1f: {  	s9 =	smul.u32 $0xF7A, s1;
	s8 =	simm.s32 @!p0 $0x1BF5;
	p2 =	por !p2, p0  }
0x20: {  	[sflag:s8] =	ssyncset.s32 @!p0 $0xFFFFF086;
	s6 =	sadd.s32 @!p0 s3, s7;
	s7 =	simm.s32 @!p0 $0x108  }
0x21: {  	s3 =	sadd.s32 s3, s9;
	s6 =	sadd.s32 @!p0 $0x88, s6;
	s7 =	simm.s32 @p2 $0x1082  }
0x22: {  	[simem:s7], [sflag:s8] =	dma.local @!p0 [hbm:s6], $0xF7A  }
0x23: {  	s9 =	sor.u32 $0xD0000000, s2;
	s6 =	simm.s32 $0x108;
	_ =	swait.ge @!p0 [sflag:s8], $0x0  }
0x24: {  	s3 =	sadd.s32 $0x88, s3;
	s6 =	simm.s32 @!p1 $0x1082;
	[sflag:s4] =	ssyncset.s32 $0xFFFFF086  }
0x25: {  	[simem:s6], [sflag:s4] =	dma.local [hbm:s3], $0xF7A  }
0x26: {  	[smem:$0x3F95] =	sst s1;
	(tag) =	ssettag s2;
	_ =	strace s9  }
0x27: {  	s1 =	sld [smem:$0x3FA5]  }
0x28: {  	s2 =	sld [smem:$0x3FA6]  }
0x29: {  	s4 =	sld [smem:$0x3FA8]  }
0x2a: {  	p0 =	seq.s32 s5, $0x0;
	s5 =	sld [smem:$0x3FA9]  }
0x2b: {  	s6 =	sld [smem:$0x3FAA]  }
0x2c: {  	s7 =	sld [smem:$0x3FAB]  }
0x2d: {  	s3 =	simm.s32 $0x108;
	s8 =	sld [smem:$0x3FAC]  }
0x2e: {  	s3 =	simm.s32 @!p0 $0x1082;
	s9 =	sld [smem:$0x3FAD]  }
0x2f: {  	lr =	sadd.s32 s0, s3;
	s0 =	sld [smem:$0x3FA4]  }
0x30: {  	s3 =	sld [smem:$0x3FA7]  }
0x31: {  	[smem:$0x3FB0] =	sst s10  }
0x32: {  	s10 =	sld [smem:$0x3FAE];
	_ =	sdelay $0x3  }
0x33: {  	p0 =	seq.s32 s10, $0x1;
	s10 =	sld [smem:$0x3FB0];
	_ =	sdelay $0x3  }
0x34: {  	[smem:$0x3FB0] =	sst s10  }
0x35: {  	s10 =	sld [smem:$0x3FAF];
	_ =	sdelay $0x3  }
0x36: {  	p1 =	seq.s32 s10, $0x1;
	s10 =	sld [smem:$0x3FB0];
	_ =	sdelay $0x3  }
0x37: {  	[smem:$0x3FB0] =	sst s10  }
0x38: {  	s10 =	sld [smem:$0x3FB1]  }
0x39: {  	_ = 	snop;
	(pc) =	sbr.ind lr, $3  }
0x3a: {  	_ = 	snop  }
0x3b: {  	_ = 	snop  }
0x3c: {  	p2 =	seq.s32 s10, $0x1;
	s10 =	sld [smem:$0x3FB0]  }
0x3d: {  	_ =	shalt  }
0x3e: {  	_ =	shalt  }
0x3f: {  	_ =	shalt  }
0x40: {  	_ =	shalt  }
0x41: {  	_ =	shalt  }
0x42: {  	_ =	shalt  }
0x43: {  	_ =	shalt  }
0x44: {  	_ =	shalt  }
0x45: {  	_ =	shalt  }
0x46: {  	_ =	shalt  }
0x47: {  	_ =	shalt  }
0x48: {  	_ =	shalt  }
0x49: {  	_ =	shalt  }
0x4a: {  	_ =	shalt  }
0x4b: {  	_ =	shalt  }
0x4c: {  	_ =	shalt  }
0x4d: {  	_ =	shalt  }
0x4e: {  	_ =	shalt  }
0x4f: {  	_ =	shalt  }
0x50: {  	_ =	shalt  }
0x51: {  	_ =	shalt  }
0x52: {  	_ =	shalt  }
0x53: {  	_ =	shalt  }
0x54: {  	_ =	shalt  }
0x55: {  	_ =	shalt  }
0x56: {  	_ =	shalt  }
0x57: {  	_ =	shalt  }
0x58: {  	_ =	shalt  }
0x59: {  	_ =	shalt  }
0x5a: {  	_ =	shalt  }
0x5b: {  	_ =	shalt  }
0x5c: {  	_ =	shalt  }
0x5d: {  	_ =	shalt  }
0x5e: {  	_ =	shalt  }
0x5f: {  	_ =	shalt  }
0x60: {  	_ =	shalt  }
0x61: {  	_ =	shalt  }
0x62: {  	_ =	shalt  }
0x63: {  	_ =	shalt  }
0x64: {  	_ =	shalt  }
0x65: {  	_ =	shalt  }
0x66: {  	_ =	shalt  }
0x67: {  	_ =	shalt  }
0x68: {  	_ =	shalt  }
0x69: {  	_ =	shalt  }
0x6a: {  	_ =	shalt  }
0x6b: {  	_ =	shalt  }
0x6c: {  	_ =	shalt  }
0x6d: {  	_ =	shalt  }
0x6e: {  	_ =	shalt  }
0x6f: {  	_ =	shalt  }
0x70: {  	_ =	shalt  }
0x71: {  	_ =	shalt  }
0x72: {  	_ =	shalt  }
0x73: {  	_ =	shalt  }
0x74: {  	_ =	shalt  }
0x75: {  	_ =	shalt  }
0x76: {  	_ =	shalt  }
0x77: {  	_ =	shalt  }
0x78: {  	_ =	shalt  }
0x79: {  	_ =	shalt  }
0x7a: {  	_ =	shalt  }
0x7b: {  	_ =	shalt  }
0x7c: {  	_ =	shalt  }
0x7d: {  	_ =	shalt  }
0x7e: {  	_ =	shalt  }
0x7f: {  	_ =	shalt  }
0x80: {  	_ =	shalt  }
0x81: {  	_ =	shalt  }
0x82: {  	_ =	shalt  }
0x83: {  	_ =	shalt  }
0x84: {  	_ =	shalt  }
0x85: {  	_ =	shalt  }
0x86: {  	_ =	shalt  }
0x87: {  	_ =	shalt  }
.Lfunc_end0:
.L_simem_size_0:
called_computation.1_lowered:
.L_overlay_start_0:
0x88: {  	s2 =	sld [smem:$0x3FD9]  }
0x89: {  	s3 =	sld [smem:$0x3FFE];
	_ =	sdelay $0x1  }
0x8a: {  	s1 =	srdreg.scid  }
0x8b: {  	s0 =	sand.u32 $0x1, s1  }
0x8c: {  	s17 =	sshll.u32 s0, $0xA;
	s2 =	sadd.s32 s3, s2  }
0x8d: {  	s2 =	sadd.s32 s2, s17  }
0x8e: {  	[smem:$0x3FBC] =	sst s2  }
0x8f: {  	_ = 	snop  }
0x90: {  	s2 =	sld [smem:$0x3FD0];
	(tm) =	ssettm $0x1  }
0x91: {  	s18 =	sld [smem:$0x3FFB];
	_ =	sdelay $0x3  }
0x92: {  	_ =	strace s18  }
0x93: {  	s3 =	sld [smem:$0x3FFC];
	_ =	sdelay $0x3  }
0x94: {  	_ =	strace s3  }
0x95: {  	s3 =	sld [smem:$0x3FFD];
	_ =	sdelay $0x3  }
0x96: {  	_ =	strace s3  }
0x97: {  	_ =	strace $0x8FFFFFFF  }
0x98: {  	s19 =	sld [smem:$0x3FDB];
	_ =	sdelay $0x1  }
0x99: {  	s4 =	simm.s32 $_scs_section_size  }
0x9a: {  	s5 =	simm.s32 $_size__tile_overlayer_lowered;
	s6 =	simm.s32 $_tile_overlayer_lowered  }
0x9b: {  	s22 =	simm.s32 $0x1BFF;
	s21 =	sshll.u32 s6, $0x1;
	s3 =	sadd.s32 s4, s19  }
0x9c: {  	s7 =	simm.s32 $0x0;
	s20 =	sshll.u32 s5, $0x1;
	s5 =	sadd.s32 s21, s3  }
0x9d: {  	[timem:s7], [sflag:s22] =	dma.local [hbm:s5], s20  }
0x9e: {  	_ =	swait.ge [sflag:s22], s20  }
0x9f: {  	s4 =	ssub.s32 $0x0, s20;
	[sflag:s22] =	ssyncset.done $0x0  }
0xa0: {  	[sflag:s22] =	ssyncadd.s32 s4;
	_ =	sdelay $0x1  }
0xa1: {  	s23 =	simm.s32 $0x1B8B  }
0xa2: {  	_ =	swait.ge [sflag:s23], $0x1  }
0xa3: {  	[sflag:s23] =	ssyncset.done $0x0  }
0xa4: {  	s25 =	simm.s32 $0x1B8E;
	s24 =	sld [smem:$0x3FFE];
	[sflag:s23] =	ssyncadd.s32 $0xFFFFFFFF  }
0xa5: {  	s26 =	simm.s32 $execute0_lowered;
	[smem:$0x3FD2] =	sst s25  }
0xa6: {  	s5 =	sshll.u32 s26, $0x1;
	_ =	strace $0x80000049;
	[dreg:$0x1] =	wrdreg $0xFFFFFFFF  }
0xa7: {  	s28 =	simm.s32 $_size_execute0_lowered;
	s3 =	sadd.s32 s3, s5;
	[dreg:$0x0] =	wrdreg $0x0  }
0xa8: {  	s5 =	sshll.u32 s28, $0x1;
	[dreg:$0x2] =	wrdreg s3  }
0xa9: {  	[dreg:$0x3] =	wrdreg s5  }
0xaa: {  	[dreg:$0x4] =	wrdreg $0xC0  }
0xab: {  	_ =	task [dreg:s7], $0x5FFFF  }
0xac: {  	[dreg:$0x1] =	wrdreg $0xFFFFFFFF  }
0xad: {  	[dreg:$0x0] =	wrdreg $0x60  }
0xae: {  	[dreg:$0x2] =	wrdreg s24  }
0xaf: {  	[dreg:$0x3] =	wrdreg s2  }
0xb0: {  	[dreg:$0x4] =	wrdreg $0xA8000  }
0xb1: {  	[dreg:$0x5] =	wrdreg $0x9  }
0xb2: {  	_ =	task.clear_ibuf [dreg:s7], $0x6FFFF;
	_ =	strace $0x90000049  }
0xb3: {  	s29 =	simm.s32 $0x9;
	_ =	strace $0x8000004B  }
0xb4: {  	_ =	swait.ge [sflag:s29], $0x1  }
0xb5: {  	[sflag:s29] =	ssyncadd.s32 $0xFFFFFFFF  }
0xb6: {  	_ =	strace $0x9000004B  }
0xb7: {  	_ =	sfence  }
0xb8: {  	s30 =	sld [smem:$0x0];
	_ =	sdelay $0x2  }
0xb9: {  	s31 =	sshll.u32 s1, $0xD;
	s1 =	sshrl.u32 s1, $0x2  }
0xba: {  	s3 =	sand.u32 $0x4000, s31;
	s1 =	sadd.s32 s1, s30  }
0xbb: {  	s0 =	sor.u32 s3, s0;
	s1 =	sshll.u32 s1, $0x11  }
0xbc: {  	s0 =	sor.u32 s1, s0  }
0xbd: {  	s0 =	sadd.s32 $0x8F2B, s0  }
0xbe: {  	[sflag:s0] =	ssyncadd.remote.s32 $0x1  }
0xbf: {  	_ =	sfence.sel $0xFFFF  }
0xc0: {  	[dreg:$0x0] =	wrdreg $0xFFFFFFFF;
	(pc) =	sbr.abs _section_cstart, $3  }
0xc1: {  	[dreg:$0x1] =	wrdreg $0xFFFFFFFF  }
0xc2: {  	_ =	task.clear_ibuf [dreg:s7], $0x2FFFF;
	_ =	strace $0x9FFFFFFF  }
0xc3: {  	(tm) =	ssettm $0x7FFFFFFF  }
tec
execute0_lowered:
.L_overlay_start_1:
0x0: {  	(tag) =	ssettag $0x1  }
0x1: {  	s0 =	rddreg [dreg:$0x0]  }
0x2: {  	s2 =	rddreg [dreg:$0x2];
	s3 =	simm.s32 $0x0  }
0x3: {  	s1 =	srdreg.scid;
	s11 =	stileid.u32;
	s28 =	simm.s32 $0x1400  }
0x4: {  	s29 =	simm.s32 $0x80;
	s30 =	simm.s32 $0x6800;
	s31 =	simm.s32 $0x1  }
0x5: {  	[smem:$0x7FF] =	sst s3;
	s5 =	sadd.s32 $0x18400, s0;
	s1 =	sand.u32 $0x1, s1  }
0x6: {  	s4 =	sadd.s32 $0x4400, s0;
	s7 =	sadd.s32 $0xE400, s0;
	s8 =	smul.u32 $0x50000, s11  }
0x7: {  	s0 =	sadd.s32 $0x40400, s0;
	s12 =	smul.u32 $0x14000, s11;
	_ =	strace $0x8000004A  }
0x8: {  	s6 =	sshll.u32 s1, $0x4;
	s9 =	ssub.s32 $0x2, s1;
	s1 =	smul.u32 $0x140000, s1  }
0x9: {  	s6 =	sor.u32 s11, s6;
	s26 =	sshrl.u32 s9, $0x1;
	s8 =	sshrl.u32 s8, $0x2  }
0xa: {  	s13 =	sadd.s32 $0x4000, s12;
	s15 =	sadd.s32 $0x8000, s12;
	s10 =	smul.u32 $0x2800, s6  }
0xb: {  	s9 =	ssub.s32 s9, s26;
	s6 =	sadd.s32 s8, s2;
	s22 =	sadd.s32 s13, s2  }
0xc: {  	s19 =	sadd.s32 s1, s12;
	s9 =	smax.u32 s9, $0x1;
	[dreg:$0xa] =	wrdreg s22  }
0xd: {  	s14 =	sadd.s32 s1, s13;
	s16 =	sadd.s32 $0x4000, s6;
	[dreg:$0x4] =	wrdreg s9  }
0xe: {  	s23 =	sadd.s32 s1, s15;
	s17 =	sadd.s32 $0x8000, s6;
	[dreg:$0x5] =	wrdreg s16  }
0xf: {  	s15 =	sadd.s32 s15, s2;
	s18 =	sadd.s32 $0xC000, s6;
	[dreg:$0x6] =	wrdreg s17  }
0x10: {  	s8 =	sadd.s32 $0x10000, s12;
	s20 =	sadd.s32 $0x10000, s6;
	[dreg:$0x7] =	wrdreg s18  }
0x11: {  	s21 =	sshrl.u32 s14, $0x3;
	[dreg:$0x8] =	wrdreg s20;
	s9 =	sshrl.u32 s19, $0x3  }
0x12: {  	s14 =	sadd.s32 s0, s21;
	s17 =	sadd.s32 $0xC000, s12;
	s25 =	sshrl.u32 s10, $0x3  }
0x13: {  	s19 =	sadd.s32 s8, s2;
	s9 =	sadd.s32 s0, s9;
	s24 =	sadd.s32 s1, s17  }
0x14: {  	s17 =	sadd.s32 s17, s2;
	s1 =	sadd.s32 s1, s8;
	s26 =	sadd.s32 $0x280, s25  }
0x15: {  	s21 =	sadd.s32 s4, s25;
	s22 =	sadd.s32 s7, s25;
	s25 =	simm.s32 $0x2800  }
0x16: {  	s8 =	simm.s32 $0x0;
	[dreg:$0x9] =	wrdreg s9;
	s9 =	sshrl.u32 s23, $0x3  }
0x17: {  	s1 =	sshrl.u32 s1, $0x3;
	s23 =	sadd.s32 s4, s26;
	s4 =	simm.s32 $0x1380  }
0x18: {  	s16 =	sadd.s32 s0, s9;
	s9 =	sshrl.u32 s24, $0x3;
	s20 =	sadd.s32 s0, s1  }
0x19: {  	s24 =	sadd.s32 s7, s26;
	s26 =	simm.s32 $0x3;
	s1 =	simm.s32 $0x2700  }
0x1a: {  	s7 =	simm.s32 $0x2780;
	s18 =	sadd.s32 s0, s9;
	s0 =	simm.s32 $0x2  }
.LBB2_1:
0x1b: {  	s9 =	rddreg [dreg:$0x1]  }
0x1c: {  	[tilespmem:s25], [sflag:$0x3] =	stream.linear.gather [hbm4b:s9+s3], $0x4000, $0x38;
	[tilespmem:$0x1E800] =	vst v63  }
0x1d: {  	_ =	swait.ge [sflag:s26], $0x4000  }
0x1e: {  	[sflag:s26] =	ssyncset.done $0x0  }
0x1f: {  	[sflag:s26] =	ssyncadd.s32 $0xFFFFC000  }
0x20: {  	[spmem:s6] =	stream.linear.scatter [tilespmem:s25], [sflag:$0x3], $0x4000, $0x38;
	[tilespmem:$0x1E800] =	vst v63  }
0x21: {  	_ =	swait.ge [sflag:s26], $0x4000  }
0x22: {  	[sflag:s26] =	ssyncset.done $0x0  }
0x23: {  	s10 =	rddreg [dreg:$0x5];
	[sflag:s26] =	ssyncadd.s32 $0xFFFFC000  }
0x24: {  	[spmem:s10] =	stream.linear.scatter [tilespmem:s25], [sflag:$0x3], $0x4000, $0x38;
	[tilespmem:$0x1E800] =	vst v63  }
0x25: {  	_ =	swait.ge [sflag:s26], $0x4000  }
0x26: {  	[sflag:s26] =	ssyncset.done $0x0  }
0x27: {  	s11 =	rddreg [dreg:$0x6];
	[sflag:s26] =	ssyncadd.s32 $0xFFFFC000  }
0x28: {  	[spmem:s11] =	stream.linear.scatter [tilespmem:s25], [sflag:$0x3], $0x4000, $0x38;
	[tilespmem:$0x1E800] =	vst v63  }
0x29: {  	_ =	swait.ge [sflag:s26], $0x4000  }
0x2a: {  	[sflag:s26] =	ssyncset.done $0x0  }
0x2b: {  	s12 =	rddreg [dreg:$0x7];
	[sflag:s26] =	ssyncadd.s32 $0xFFFFC000  }
0x2c: {  	[spmem:s12] =	stream.linear.scatter [tilespmem:s25], [sflag:$0x3], $0x4000, $0x38;
	[tilespmem:$0x1E800] =	vst v63  }
0x2d: {  	_ =	swait.ge [sflag:s26], $0x4000  }
0x2e: {  	[sflag:s26] =	ssyncset.done $0x0  }
0x2f: {  	s13 =	rddreg [dreg:$0x8];
	[sflag:s26] =	ssyncadd.s32 $0xFFFFC000  }
0x30: {  	[spmem:s13] =	stream.linear.scatter [tilespmem:s25], [sflag:$0x3], $0x4000, $0x38;
	[tilespmem:$0x1E800] =	vst v63  }
0x31: {  	_ =	swait.ge [sflag:s26], $0x4000  }
0x32: {  	[sflag:s26] =	ssyncset.done $0x0  }
0x33: {  	[sflag:s26] =	ssyncadd.s32 $0xFFFFC000  }
0x34: {  	[bflag:$0x0] =	sbarrier.arrive $0xFFFF  }
0x35: {  	[tilespmem:s3], [sflag:$0x3] =	stream.linear.gather [hbm4b:s21+s3], $0x1400, $0x38;
	[tilespmem:$0x1E800] =	vst v63  }
0x36: {  	_ =	swait.ge [sflag:s26], $0x1400  }
0x37: {  	[sflag:s26] =	ssyncset.done $0x0  }
0x38: {  	[sflag:s26] =	ssyncadd.s32 $0xFFFFEC00  }
0x39: {  	[tilespmem:s28], [sflag:$0x3] =	stream.linear.gather [hbm4b:s22+s3], $0x1400, $0x38;
	[tilespmem:$0x1E800] =	vst v63  }
0x3a: {  	_ =	swait.ge [sflag:s26], $0x1400  }
0x3b: {  	[sflag:s26] =	ssyncset.done $0x0  }
0x3c: {  	[sflag:s26] =	ssyncadd.s32 $0xFFFFEC00  }
0x3d: {  	[tilespmem:s25], [sflag:$0x1] =	stream.indirect.gather [hbm4b:s5+s29], $0x80, s3, s29, $0xb8;
	[tilespmem:$0x1E800] =	vst v63  }
0x3e: {  	s10 =	simm.s32 $0x80  }
0x3f: {  	[tilespmem:s30], [sflag:$0x2] =	stream.indirect.gather [hbm4b:s5+s29], $0x80, s10, s29, $0xb8;
	[tilespmem:$0x1E800] =	vst v63  }
0x40: {  	_ =	swait.ge [sflag:s31], $0x4000  }
0x41: {  	[sflag:s31] =	ssyncset.done $0x0  }
0x42: {  	s11 =	simm.s32 $0x1400;
	[sflag:s31] =	ssyncadd.s32 $0xFFFFC000  }
0x43: {  	[spmem:s2] =	stream.indirect.scatter.add.f32 [tilespmem:s25], [sflag:$0x3], $0x80, s11, s29, $0xb8;
	[tilespmem:$0x1E800] =	vst v63  }
0x44: {  	_ =	swait.ge [sflag:s26], $0x4000  }
0x45: {  	[sflag:s26] =	ssyncset.done $0x0  }
0x46: {  	s12 =	simm.s32 $0x100;
	[sflag:s26] =	ssyncadd.s32 $0xFFFFC000  }
0x47: {  	[tilespmem:s25], [sflag:$0x1] =	stream.indirect.gather [hbm4b:s5+s29], $0x80, s12, s29, $0xb8;
	[tilespmem:$0x1E800] =	vst v63  }
0x48: {  	_ =	swait.ge [sflag:s0], $0x4000  }
0x49: {  	[sflag:s0] =	ssyncset.done $0x0  }
0x4a: {  	s13 =	simm.s32 $0x1480;
	[sflag:s0] =	ssyncadd.s32 $0xFFFFC000  }
0x4b: {  	[spmem:s2] =	stream.indirect.scatter.add.f32 [tilespmem:s30], [sflag:$0x3], $0x80, s13, s29, $0xb8;
	[tilespmem:$0x1E800] =	vst v63  }
0x4c: {  	_ =	swait.ge [sflag:s26], $0x4000  }
0x4d: {  	s9 =	simm.s32 $0x100;
	s10 =	simm.s32 $0x800;
	[sflag:s26] =	ssyncset.done $0x0  }
.LBB2_2:
0x4e: {  	s11 =	sadd.s32 $0x80, s9  }
0x4f: {  	[sflag:s26] =	ssyncadd.s32 $0xFFFFC000;
	s12 =	smov.u32 s10;
	s13 =	sadd.s32 $0x400, s10  }
0x50: {  	[tilespmem:s30], [sflag:$0x2] =	stream.indirect.gather [hbm4b:s5+s29], $0x80, s11, s29, $0xb8;
	[tilespmem:$0x1E800] =	vst v63  }
0x51: {  	p0 =	sne.s32 s10, $0x4800;
	_ =	swait.ge [sflag:s31], $0x4000  }
0x52: {  	[sflag:s31] =	ssyncset.done $0x0  }
0x53: {  	s10 =	sadd.s32 $0x1400, s9;
	[sflag:s31] =	ssyncadd.s32 $0xFFFFC000  }
0x54: {  	[spmem:s2] =	stream.indirect.scatter.add.f32 [tilespmem:s25], [sflag:$0x3], $0x80, s10, s29, $0xb8;
	[tilespmem:$0x1E800] =	vst v63  }
0x55: {  	_ =	swait.ge [sflag:s26], $0x4000  }
0x56: {  	[sflag:s26] =	ssyncset.done $0x0  }
0x57: {  	s10 =	sadd.s32 $0x100, s9;
	[sflag:s26] =	ssyncadd.s32 $0xFFFFC000  }
0x58: {  	[tilespmem:s25], [sflag:$0x1] =	stream.indirect.gather [hbm4b:s5+s29], $0x80, s10, s29, $0xb8;
	[tilespmem:$0x1E800] =	vst v63  }
0x59: {  	_ =	swait.ge [sflag:s0], $0x4000  }
.Ltmp0:
0x5a: {  	[sflag:s0] =	ssyncset.done $0x0;
	(pc) =	sbr.rel @p0 .LBB2_2-.Ltmp0, $4  }
0x5b: {  	s9 =	sadd.s32 $0x1480, s9;
	[sflag:s0] =	ssyncadd.s32 $0xFFFFC000  }
0x5c: {  	[spmem:s2] =	stream.indirect.scatter.add.f32 [tilespmem:s30], [sflag:$0x3], $0x80, s9, s29, $0xb8;
	[tilespmem:$0x1E800] =	vst v63  }
0x5d: {  	_ =	swait.ge [sflag:s26], $0x4000  }
0x5e: {  	s10 =	smov.u32 s13;
	s9 =	sshra.s32 s12, $0x2;
	[sflag:s26] =	ssyncset.done $0x0  }
0x5f: {  	s10 =	sadd.s32 $0x80, s9;
	[sflag:s26] =	ssyncadd.s32 $0xFFFFC000  }
0x60: {  	[tilespmem:s30], [sflag:$0x2] =	stream.indirect.gather [hbm4b:s5+s29], $0x80, s10, s29, $0xb8;
	[tilespmem:$0x1E800] =	vst v63  }
0x61: {  	_ =	swait.ge [sflag:s31], $0x4000  }
0x62: {  	[sflag:s31] =	ssyncset.done $0x0  }
0x63: {  	s13 =	sadd.s32 $0x1400, s9;
	[sflag:s31] =	ssyncadd.s32 $0xFFFFC000  }
0x64: {  	[spmem:s2] =	stream.indirect.scatter.add.f32 [tilespmem:s25], [sflag:$0x3], $0x80, s13, s29, $0xb8;
	[tilespmem:$0x1E800] =	vst v63  }
0x65: {  	_ =	swait.ge [sflag:s26], $0x4000  }
0x66: {  	[sflag:s26] =	ssyncset.done $0x0  }
0x67: {  	s11 =	sadd.s32 $0x100, s9;
	[sflag:s26] =	ssyncadd.s32 $0xFFFFC000  }
0x68: {  	[tilespmem:s25], [sflag:$0x1] =	stream.indirect.gather [hbm4b:s5+s29], $0x80, s11, s29, $0xb8;
	[tilespmem:$0x1E800] =	vst v63  }
0x69: {  	_ =	swait.ge [sflag:s0], $0x4000  }
0x6a: {  	[sflag:s0] =	ssyncset.done $0x0  }
0x6b: {  	s12 =	sadd.s32 $0x1480, s9;
	[sflag:s0] =	ssyncadd.s32 $0xFFFFC000  }
0x6c: {  	[spmem:s2] =	stream.indirect.scatter.add.f32 [tilespmem:s30], [sflag:$0x3], $0x80, s12, s29, $0xb8;
	[tilespmem:$0x1E800] =	vst v63  }
0x6d: {  	_ =	swait.ge [sflag:s26], $0x4000  }
0x6e: {  	[sflag:s26] =	ssyncset.done $0x0  }
0x6f: {  	[sflag:s26] =	ssyncadd.s32 $0xFFFFC000  }
0x70: {  	[tilespmem:s30], [sflag:$0x2] =	stream.indirect.gather [hbm4b:s5+s29], $0x80, s4, s29, $0xb8;
	[tilespmem:$0x1E800] =	vst v63  }
0x71: {  	_ =	swait.ge [sflag:s31], $0x4000  }
0x72: {  	[sflag:s31] =	ssyncset.done $0x0  }
0x73: {  	[sflag:s31] =	ssyncadd.s32 $0xFFFFC000  }
0x74: {  	[spmem:s2] =	stream.indirect.scatter.add.f32 [tilespmem:s25], [sflag:$0x3], $0x80, s1, s29, $0xb8;
	[tilespmem:$0x1E800] =	vst v63  }
0x75: {  	_ =	swait.ge [sflag:s26], $0x4000  }
0x76: {  	[sflag:s26] =	ssyncset.done $0x0  }
0x77: {  	s13 =	simm.s32 $0x0;
	[sflag:s26] =	ssyncadd.s32 $0xFFFFC000  }
0x78: {  	[tilespmem:s25], [sflag:$0x1] =	stream.indirect.gather [hbm4b:s5+s29], $0x80, s13, s29, $0xb8;
	[tilespmem:$0x1E800] =	vst v63  }
0x79: {  	_ =	swait.ge [sflag:s0], $0x4000  }
0x7a: {  	[sflag:s0] =	ssyncset.done $0x0  }
0x7b: {  	[sflag:s0] =	ssyncadd.s32 $0xFFFFC000  }
0x7c: {  	[spmem:s2] =	stream.indirect.scatter.add.f32 [tilespmem:s30], [sflag:$0x3], $0x80, s7, s29, $0xb8;
	[tilespmem:$0x1E800] =	vst v63  }
0x7d: {  	_ =	swait.ge [sflag:s26], $0x4000  }
0x7e: {  	[sflag:s26] =	ssyncset.done $0x0  }
0x7f: {  	[sflag:s26] =	ssyncadd.s32 $0xFFFFC000  }
0x80: {  	_ =	swait.ge [sflag:s31], $0x4000  }
0x81: {  	[sflag:s31] =	ssyncset.done $0x0  }
0x82: {  	[sflag:s31] =	ssyncadd.s32 $0xFFFFC000  }
0x83: {  	[tilespmem:s13], [sflag:$0x3] =	stream.linear.gather [hbm4b:s23+s13], $0x1400, $0x38;
	[tilespmem:$0x1E800] =	vst v63  }
0x84: {  	_ =	swait.ge [sflag:s26], $0x1400  }
0x85: {  	[sflag:s26] =	ssyncset.done $0x0  }
0x86: {  	[sflag:s26] =	ssyncadd.s32 $0xFFFFEC00  }
0x87: {  	[tilespmem:s28], [sflag:$0x3] =	stream.linear.gather [hbm4b:s24+s13], $0x1400, $0x38;
	[tilespmem:$0x1E800] =	vst v63  }
0x88: {  	_ =	swait.ge [sflag:s26], $0x1400  }
0x89: {  	[sflag:s26] =	ssyncset.done $0x0  }
0x8a: {  	[sflag:s26] =	ssyncadd.s32 $0xFFFFEC00  }
0x8b: {  	[tilespmem:s25], [sflag:$0x1] =	stream.indirect.gather [hbm4b:s5+s29], $0x80, s13, s29, $0xb8;
	[tilespmem:$0x1E800] =	vst v63  }
0x8c: {  	s10 =	simm.s32 $0x80  }
0x8d: {  	[tilespmem:s30], [sflag:$0x2] =	stream.indirect.gather [hbm4b:s5+s29], $0x80, s10, s29, $0xb8;
	[tilespmem:$0x1E800] =	vst v63  }
0x8e: {  	_ =	swait.ge [sflag:s31], $0x4000  }
0x8f: {  	[sflag:s31] =	ssyncset.done $0x0  }
0x90: {  	s11 =	simm.s32 $0x1400;
	[sflag:s31] =	ssyncadd.s32 $0xFFFFC000  }
0x91: {  	[spmem:s2] =	stream.indirect.scatter.add.f32 [tilespmem:s25], [sflag:$0x3], $0x80, s11, s29, $0xb8;
	[tilespmem:$0x1E800] =	vst v63  }
0x92: {  	_ =	swait.ge [sflag:s26], $0x4000  }
0x93: {  	[sflag:s26] =	ssyncset.done $0x0  }
0x94: {  	s12 =	simm.s32 $0x100;
	[sflag:s26] =	ssyncadd.s32 $0xFFFFC000  }
0x95: {  	[tilespmem:s25], [sflag:$0x1] =	stream.indirect.gather [hbm4b:s5+s29], $0x80, s12, s29, $0xb8;
	[tilespmem:$0x1E800] =	vst v63  }
0x96: {  	_ =	swait.ge [sflag:s0], $0x4000  }
0x97: {  	[sflag:s0] =	ssyncset.done $0x0  }
0x98: {  	s13 =	simm.s32 $0x1480;
	[sflag:s0] =	ssyncadd.s32 $0xFFFFC000  }
0x99: {  	[spmem:s2] =	stream.indirect.scatter.add.f32 [tilespmem:s30], [sflag:$0x3], $0x80, s13, s29, $0xb8;
	[tilespmem:$0x1E800] =	vst v63  }
0x9a: {  	_ =	swait.ge [sflag:s26], $0x4000  }
0x9b: {  	s9 =	simm.s32 $0x100;
	s10 =	simm.s32 $0x800;
	[sflag:s26] =	ssyncset.done $0x0  }
.LBB2_4:
0x9c: {  	s11 =	sadd.s32 $0x80, s9  }
0x9d: {  	[sflag:s26] =	ssyncadd.s32 $0xFFFFC000;
	s12 =	smov.u32 s10;
	s13 =	sadd.s32 $0x400, s10  }
0x9e: {  	[tilespmem:s30], [sflag:$0x2] =	stream.indirect.gather [hbm4b:s5+s29], $0x80, s11, s29, $0xb8;
	[tilespmem:$0x1E800] =	vst v63  }
0x9f: {  	p0 =	sne.s32 s10, $0x4800;
	_ =	swait.ge [sflag:s31], $0x4000  }
0xa0: {  	[sflag:s31] =	ssyncset.done $0x0  }
0xa1: {  	s10 =	sadd.s32 $0x1400, s9;
	[sflag:s31] =	ssyncadd.s32 $0xFFFFC000  }
0xa2: {  	[spmem:s2] =	stream.indirect.scatter.add.f32 [tilespmem:s25], [sflag:$0x3], $0x80, s10, s29, $0xb8;
	[tilespmem:$0x1E800] =	vst v63  }
0xa3: {  	_ =	swait.ge [sflag:s26], $0x4000  }
0xa4: {  	[sflag:s26] =	ssyncset.done $0x0  }
0xa5: {  	s10 =	sadd.s32 $0x100, s9;
	[sflag:s26] =	ssyncadd.s32 $0xFFFFC000  }
0xa6: {  	[tilespmem:s25], [sflag:$0x1] =	stream.indirect.gather [hbm4b:s5+s29], $0x80, s10, s29, $0xb8;
	[tilespmem:$0x1E800] =	vst v63  }
0xa7: {  	_ =	swait.ge [sflag:s0], $0x4000  }
.Ltmp1:
0xa8: {  	[sflag:s0] =	ssyncset.done $0x0;
	(pc) =	sbr.rel @p0 .LBB2_4-.Ltmp1, $4  }
0xa9: {  	s9 =	sadd.s32 $0x1480, s9;
	[sflag:s0] =	ssyncadd.s32 $0xFFFFC000  }
0xaa: {  	[spmem:s2] =	stream.indirect.scatter.add.f32 [tilespmem:s30], [sflag:$0x3], $0x80, s9, s29, $0xb8;
	[tilespmem:$0x1E800] =	vst v63  }
0xab: {  	_ =	swait.ge [sflag:s26], $0x4000  }
0xac: {  	s10 =	smov.u32 s13;
	s9 =	sshra.s32 s12, $0x2;
	[sflag:s26] =	ssyncset.done $0x0  }
0xad: {  	s10 =	sadd.s32 $0x80, s9;
	[sflag:s26] =	ssyncadd.s32 $0xFFFFC000  }
0xae: {  	[tilespmem:s30], [sflag:$0x2] =	stream.indirect.gather [hbm4b:s5+s29], $0x80, s10, s29, $0xb8;
	[tilespmem:$0x1E800] =	vst v63  }
0xaf: {  	_ =	swait.ge [sflag:s31], $0x4000  }
0xb0: {  	[sflag:s31] =	ssyncset.done $0x0  }
0xb1: {  	s12 =	sadd.s32 $0x1400, s9;
	[sflag:s31] =	ssyncadd.s32 $0xFFFFC000  }
0xb2: {  	[spmem:s2] =	stream.indirect.scatter.add.f32 [tilespmem:s25], [sflag:$0x3], $0x80, s12, s29, $0xb8;
	[tilespmem:$0x1E800] =	vst v63  }
0xb3: {  	_ =	swait.ge [sflag:s26], $0x4000  }
0xb4: {  	[sflag:s26] =	ssyncset.done $0x0  }
0xb5: {  	s13 =	sadd.s32 $0x100, s9;
	[sflag:s26] =	ssyncadd.s32 $0xFFFFC000  }
0xb6: {  	[tilespmem:s25], [sflag:$0x1] =	stream.indirect.gather [hbm4b:s5+s29], $0x80, s13, s29, $0xb8;
	[tilespmem:$0x1E800] =	vst v63  }
0xb7: {  	_ =	swait.ge [sflag:s0], $0x4000  }
0xb8: {  	[sflag:s0] =	ssyncset.done $0x0  }
0xb9: {  	s10 =	sadd.s32 $0x1480, s9;
	[sflag:s0] =	ssyncadd.s32 $0xFFFFC000  }
0xba: {  	[spmem:s2] =	stream.indirect.scatter.add.f32 [tilespmem:s30], [sflag:$0x3], $0x80, s10, s29, $0xb8;
	[tilespmem:$0x1E800] =	vst v63  }
0xbb: {  	_ =	swait.ge [sflag:s26], $0x4000  }
0xbc: {  	[sflag:s26] =	ssyncset.done $0x0  }
0xbd: {  	[sflag:s26] =	ssyncadd.s32 $0xFFFFC000  }
0xbe: {  	[tilespmem:s30], [sflag:$0x2] =	stream.indirect.gather [hbm4b:s5+s29], $0x80, s4, s29, $0xb8;
	[tilespmem:$0x1E800] =	vst v63  }
0xbf: {  	_ =	swait.ge [sflag:s31], $0x4000  }
0xc0: {  	[sflag:s31] =	ssyncset.done $0x0  }
0xc1: {  	[sflag:s31] =	ssyncadd.s32 $0xFFFFC000  }
0xc2: {  	[spmem:s2] =	stream.indirect.scatter.add.f32 [tilespmem:s25], [sflag:$0x3], $0x80, s1, s29, $0xb8;
	[tilespmem:$0x1E800] =	vst v63  }
0xc3: {  	_ =	swait.ge [sflag:s26], $0x4000  }
0xc4: {  	[sflag:s26] =	ssyncset.done $0x0  }
0xc5: {  	[sflag:s26] =	ssyncadd.s32 $0xFFFFC000  }
0xc6: {  	[tilespmem:s25], [sflag:$0x1] =	stream.indirect.gather [hbm4b:s5+s29], $0x80, s3, s29, $0xb8;
	[tilespmem:$0x1E800] =	vst v63  }
0xc7: {  	_ =	swait.ge [sflag:s0], $0x4000  }
0xc8: {  	[sflag:s0] =	ssyncset.done $0x0  }
0xc9: {  	[sflag:s0] =	ssyncadd.s32 $0xFFFFC000  }
0xca: {  	[spmem:s2] =	stream.indirect.scatter.add.f32 [tilespmem:s30], [sflag:$0x3], $0x80, s7, s29, $0xb8;
	[tilespmem:$0x1E800] =	vst v63  }
0xcb: {  	_ =	swait.ge [sflag:s26], $0x4000  }
0xcc: {  	[sflag:s26] =	ssyncset.done $0x0  }
0xcd: {  	[sflag:s26] =	ssyncadd.s32 $0xFFFFC000  }
0xce: {  	_ =	swait.ge [sflag:s31], $0x4000  }
0xcf: {  	[sflag:s31] =	ssyncset.done $0x0  }
0xd0: {  	[sflag:s31] =	ssyncadd.s32 $0xFFFFC000  }
0xd1: {  	[bflag:$0x0] =	sbarrier.arrive $0xFFFF  }
0xd2: {  	[tilespmem:s25], [sflag:$0x3] =	stream.linear.gather [spmem:s6], $0x4000, $0x38;
	[tilespmem:$0x1E800] =	vst v63  }
0xd3: {  	_ =	swait.ge [sflag:s26], $0x4000  }
0xd4: {  	[sflag:s26] =	ssyncset.done $0x0  }
0xd5: {  	s11 =	rddreg [dreg:$0x9];
	[sflag:s26] =	ssyncadd.s32 $0xFFFFC000  }
0xd6: {  	[hbm4b:s11+s3] =	stream.linear.scatter [tilespmem:s25], [sflag:$0x3], $0x4000, $0x38;
	[tilespmem:$0x1E800] =	vst v63  }
0xd7: {  	_ =	swait.ge [sflag:s26], $0x4000  }
0xd8: {  	[sflag:s26] =	ssyncset.done $0x0  }
0xd9: {  	s12 =	rddreg [dreg:$0xa];
	[sflag:s26] =	ssyncadd.s32 $0xFFFFC000  }
0xda: {  	[tilespmem:s25], [sflag:$0x3] =	stream.linear.gather [spmem:s12], $0x4000, $0x38;
	[tilespmem:$0x1E800] =	vst v63  }
0xdb: {  	_ =	swait.ge [sflag:s26], $0x4000  }
0xdc: {  	[sflag:s26] =	ssyncset.done $0x0  }
0xdd: {  	[sflag:s26] =	ssyncadd.s32 $0xFFFFC000  }
0xde: {  	[hbm4b:s14+s3] =	stream.linear.scatter [tilespmem:s25], [sflag:$0x3], $0x4000, $0x38;
	[tilespmem:$0x1E800] =	vst v63  }
0xdf: {  	_ =	swait.ge [sflag:s26], $0x4000  }
0xe0: {  	[sflag:s26] =	ssyncset.done $0x0  }
0xe1: {  	[sflag:s26] =	ssyncadd.s32 $0xFFFFC000  }
0xe2: {  	[tilespmem:s25], [sflag:$0x3] =	stream.linear.gather [spmem:s15], $0x4000, $0x38;
	[tilespmem:$0x1E800] =	vst v63  }
0xe3: {  	_ =	swait.ge [sflag:s26], $0x4000  }
0xe4: {  	[sflag:s26] =	ssyncset.done $0x0  }
0xe5: {  	[sflag:s26] =	ssyncadd.s32 $0xFFFFC000  }
0xe6: {  	[hbm4b:s16+s3] =	stream.linear.scatter [tilespmem:s25], [sflag:$0x3], $0x4000, $0x38;
	[tilespmem:$0x1E800] =	vst v63  }
0xe7: {  	_ =	swait.ge [sflag:s26], $0x4000  }
0xe8: {  	[sflag:s26] =	ssyncset.done $0x0  }
0xe9: {  	[sflag:s26] =	ssyncadd.s32 $0xFFFFC000  }
0xea: {  	[tilespmem:s25], [sflag:$0x3] =	stream.linear.gather [spmem:s17], $0x4000, $0x38;
	[tilespmem:$0x1E800] =	vst v63  }
0xeb: {  	_ =	swait.ge [sflag:s26], $0x4000  }
0xec: {  	[sflag:s26] =	ssyncset.done $0x0  }
0xed: {  	[sflag:s26] =	ssyncadd.s32 $0xFFFFC000  }
0xee: {  	[hbm4b:s18+s3] =	stream.linear.scatter [tilespmem:s25], [sflag:$0x3], $0x4000, $0x38;
	[tilespmem:$0x1E800] =	vst v63  }
0xef: {  	_ =	swait.ge [sflag:s26], $0x4000  }
0xf0: {  	[sflag:s26] =	ssyncset.done $0x0  }
0xf1: {  	[sflag:s26] =	ssyncadd.s32 $0xFFFFC000  }
0xf2: {  	[tilespmem:s25], [sflag:$0x3] =	stream.linear.gather [spmem:s19], $0x4000, $0x38;
	[tilespmem:$0x1E800] =	vst v63  }
0xf3: {  	_ =	swait.ge [sflag:s26], $0x4000  }
0xf4: {  	[sflag:s26] =	ssyncset.done $0x0  }
0xf5: {  	[sflag:s26] =	ssyncadd.s32 $0xFFFFC000  }
0xf6: {  	[hbm4b:s20+s3] =	stream.linear.scatter [tilespmem:s25], [sflag:$0x3], $0x4000, $0x38;
	[tilespmem:$0x1E800] =	vst v63  }
0xf7: {  	_ =	swait.ge [sflag:s26], $0x4000  }
0xf8: {  	s8 =	sadd.s32 $0x1, s8;
	s13 =	rddreg [dreg:$0x4]  }
0xf9: {  	p0 =	sne.s32 s8, s13  }
.Ltmp2:
0xfa: {  	_ = 	snop;
	(pc) =	sbr.rel @p0 .LBB2_1-.Ltmp2, $3  }
0xfb: {  	_ =	sdelay $0x1  }
0xfc: {  	[sflag:s26] =	ssyncset.done $0x0  }
0xfd: {  	[sflag:s26] =	ssyncadd.s32 $0xFFFFC000  }
0xfe: {  	_ =	sfence.sel $0x180000  }
0xff: {  	[bflag:$0x0] =	sbarrier.arrive $0xFFFF  }
0x100: {  	_ =	strace $0x9000004A  }
0x101: {  	s0 =	stileid.u32;
	[bflag:$0x2] =	sbarrier.arrive $0xFFFF  }
0x102: {  	p0 =	sne.s32 s0, $0x0;
	s0 =	rddreg [dreg:$0x3]  }
0x103: {  	s0 =	sadd.s32 @!p0 $0x100000, s0  }
0x104: {  	[sflag:s0] =	ssyncadd.tile.s32 @!p0 $0x1;
	_ =	shalt  }
.Lfunc_end2:
_tile_overlayer_lowered:
.L_overlay_start_2:
0x105: {  	(tag) =	ssettag $0x2  }
0x106: {  	s0 =	rddreg [dreg:$0x0];
	s2 =	stileid.u32  }
0x107: {  	s1 =	rddreg [dreg:$0x1];
	p0 =	sne.s32 s2, $0x0  }
0x108: {  	s3 =	rddreg [dreg:$0x2];
	[bflag:$0x3] =	sbarrier.arrive $0xFFFF;
	s2 =	simm.s32 @!p0 $0x1C03  }
0x109: {  	[timem:s3], [sflag:s2] =	dma.local @!p0 [hbm:s0], s1  }
0x10a: {  	s0 =	simm.s32 @!p0 $0x3  }
0x10b: {  	_ =	swait.ge @!p0 [sflag:s0], s1  }
0x10c: {  	s1 =	ssub.s32 @!p0 $0x0, s1;
	[sflag:s0] =	ssyncset.done @!p0 $0x0  }
0x10d: {  	[sflag:s0] =	ssyncadd.s32 @!p0 s1  }
0x10e: {  	[bflag:$0x3] =	sbarrier.arrive $0xFFFF  }
0x10f: {  	_ =	shalt  }

// kernel: kernel.16.cloned.1.call-start
scs
__scs_entry_jumppad:
0x0: {  	(pc) =	sbr.rel $0x88, $3  }
0x1: {  	(tag) =	ssettag $0x0;
	lr =	simm.s32 $0x1  }
0x2: {  	[smem:$0x3F95] =	sst lr;
	_ =	strace $0xD0000000  }
0x3: {  	_ = 	snop  }
0x4: {  	_ = 	snop  }
0x5: {  	_ = 	snop  }
0x6: {  	_ = 	snop  }
0x7: {  	_ = 	snop  }
__scs_overlays_trampoline_lowered:
0x8: {  	[smem:$0x3FA4] =	sst s0  }
0x9: {  	[smem:$0x3FA5] =	sst s1  }
0xa: {  	[smem:$0x3FA6] =	sst s2  }
0xb: {  	[smem:$0x3FA7] =	sst s3  }
0xc: {  	[smem:$0x3FA8] =	sst s4  }
0xd: {  	[smem:$0x3FA9] =	sst s5  }
0xe: {  	[smem:$0x3FAA] =	sst s6  }
0xf: {  	[smem:$0x3FAB] =	sst s7  }
0x10: {  	[smem:$0x3FAC] =	sst s8  }
0x11: {  	[smem:$0x3FAD] =	sst s9;
	s0 =	simm.s32 @!p0 $0x0  }
0x12: {  	s1 =	sld [smem:$0x3F93];
	s0 =	simm.s32 @p0 $0x1  }
0x13: {  	[smem:$0x3FAE] =	sst s0;
	s0 =	simm.s32 @!p1 $0x0  }
0x14: {  	s2 =	sld [smem:$0x3F92];
	s0 =	simm.s32 @p1 $0x1  }
0x15: {  	[smem:$0x3FAF] =	sst s0;
	s0 =	simm.s32 @!p2 $0x0  }
0x16: {  	s3 =	sld [smem:$0x3FDB];
	s0 =	simm.s32 @p2 $0x1  }
0x17: {  	s4 =	simm.s32 $0x1BF5;
	[smem:$0x3FB1] =	sst s0  }
0x18: {  	s0 =	sld [smem:$0x3F94];
	_ =	swait.ge [sflag:s4], $0x0  }
0x19: {  	s7 =	sld [smem:$0x3F95]  }
0x1a: {  	s8 =	sadd.s32 $0xFFFFE003, lr  }
0x1b: {  	s9 =	sadd.s32 $0xFFFFFEF7, lr;
	s5 =	simm.s32 $0xFFFFFFFF;
	p2 =	slt.u32 s8, $0xFFFFF086  }
0x1c: {  	p1 =	slt.u32 s9, $0xF7A;
	s5 =	simm.s32 @!p2 $0x0  }
0x1d: {  	s5 =	simm.s32 @p1 $0x1;
	p0 =	seq.s32 s7, s2  }
0x1e: {  	s7 =	smul.u32 @!p0 $0xF7A, s2;
	p2 =	seq.s32 @!p0 s5, $0x0  }
0x1f: {  	s9 =	smul.u32 $0xF7A, s1;
	s8 =	simm.s32 @!p0 $0x1BF5;
	p2 =	por !p2, p0  }
0x20: {  	[sflag:s8] =	ssyncset.s32 @!p0 $0xFFFFF086;
	s6 =	sadd.s32 @!p0 s3, s7;
	s7 =	simm.s32 @!p0 $0x108  }
0x21: {  	s3 =	sadd.s32 s3, s9;
	s6 =	sadd.s32 @!p0 $0x88, s6;
	s7 =	simm.s32 @p2 $0x1082  }
0x22: {  	[simem:s7], [sflag:s8] =	dma.local @!p0 [hbm:s6], $0xF7A  }
0x23: {  	s9 =	sor.u32 $0xD0000000, s2;
	s6 =	simm.s32 $0x108;
	_ =	swait.ge @!p0 [sflag:s8], $0x0  }
0x24: {  	s3 =	sadd.s32 $0x88, s3;
	s6 =	simm.s32 @!p1 $0x1082;
	[sflag:s4] =	ssyncset.s32 $0xFFFFF086  }
0x25: {  	[simem:s6], [sflag:s4] =	dma.local [hbm:s3], $0xF7A  }
0x26: {  	[smem:$0x3F95] =	sst s1;
	(tag) =	ssettag s2;
	_ =	strace s9  }
0x27: {  	s1 =	sld [smem:$0x3FA5]  }
0x28: {  	s2 =	sld [smem:$0x3FA6]  }
0x29: {  	s4 =	sld [smem:$0x3FA8]  }
0x2a: {  	p0 =	seq.s32 s5, $0x0;
	s5 =	sld [smem:$0x3FA9]  }
0x2b: {  	s6 =	sld [smem:$0x3FAA]  }
0x2c: {  	s7 =	sld [smem:$0x3FAB]  }
0x2d: {  	s3 =	simm.s32 $0x108;
	s8 =	sld [smem:$0x3FAC]  }
0x2e: {  	s3 =	simm.s32 @!p0 $0x1082;
	s9 =	sld [smem:$0x3FAD]  }
0x2f: {  	lr =	sadd.s32 s0, s3;
	s0 =	sld [smem:$0x3FA4]  }
0x30: {  	s3 =	sld [smem:$0x3FA7]  }
0x31: {  	[smem:$0x3FB0] =	sst s10  }
0x32: {  	s10 =	sld [smem:$0x3FAE];
	_ =	sdelay $0x3  }
0x33: {  	p0 =	seq.s32 s10, $0x1;
	s10 =	sld [smem:$0x3FB0];
	_ =	sdelay $0x3  }
0x34: {  	[smem:$0x3FB0] =	sst s10  }
0x35: {  	s10 =	sld [smem:$0x3FAF];
	_ =	sdelay $0x3  }
0x36: {  	p1 =	seq.s32 s10, $0x1;
	s10 =	sld [smem:$0x3FB0];
	_ =	sdelay $0x3  }
0x37: {  	[smem:$0x3FB0] =	sst s10  }
0x38: {  	s10 =	sld [smem:$0x3FB1]  }
0x39: {  	_ = 	snop;
	(pc) =	sbr.ind lr, $3  }
0x3a: {  	_ = 	snop  }
0x3b: {  	_ = 	snop  }
0x3c: {  	p2 =	seq.s32 s10, $0x1;
	s10 =	sld [smem:$0x3FB0]  }
0x3d: {  	_ =	shalt  }
0x3e: {  	_ =	shalt  }
0x3f: {  	_ =	shalt  }
0x40: {  	_ =	shalt  }
0x41: {  	_ =	shalt  }
0x42: {  	_ =	shalt  }
0x43: {  	_ =	shalt  }
0x44: {  	_ =	shalt  }
0x45: {  	_ =	shalt  }
0x46: {  	_ =	shalt  }
0x47: {  	_ =	shalt  }
0x48: {  	_ =	shalt  }
0x49: {  	_ =	shalt  }
0x4a: {  	_ =	shalt  }
0x4b: {  	_ =	shalt  }
0x4c: {  	_ =	shalt  }
0x4d: {  	_ =	shalt  }
0x4e: {  	_ =	shalt  }
0x4f: {  	_ =	shalt  }
0x50: {  	_ =	shalt  }
0x51: {  	_ =	shalt  }
0x52: {  	_ =	shalt  }
0x53: {  	_ =	shalt  }
0x54: {  	_ =	shalt  }
0x55: {  	_ =	shalt  }
0x56: {  	_ =	shalt  }
0x57: {  	_ =	shalt  }
0x58: {  	_ =	shalt  }
0x59: {  	_ =	shalt  }
0x5a: {  	_ =	shalt  }
0x5b: {  	_ =	shalt  }
0x5c: {  	_ =	shalt  }
0x5d: {  	_ =	shalt  }
0x5e: {  	_ =	shalt  }
0x5f: {  	_ =	shalt  }
0x60: {  	_ =	shalt  }
0x61: {  	_ =	shalt  }
0x62: {  	_ =	shalt  }
0x63: {  	_ =	shalt  }
0x64: {  	_ =	shalt  }
0x65: {  	_ =	shalt  }
0x66: {  	_ =	shalt  }
0x67: {  	_ =	shalt  }
0x68: {  	_ =	shalt  }
0x69: {  	_ =	shalt  }
0x6a: {  	_ =	shalt  }
0x6b: {  	_ =	shalt  }
0x6c: {  	_ =	shalt  }
0x6d: {  	_ =	shalt  }
0x6e: {  	_ =	shalt  }
0x6f: {  	_ =	shalt  }
0x70: {  	_ =	shalt  }
0x71: {  	_ =	shalt  }
0x72: {  	_ =	shalt  }
0x73: {  	_ =	shalt  }
0x74: {  	_ =	shalt  }
0x75: {  	_ =	shalt  }
0x76: {  	_ =	shalt  }
0x77: {  	_ =	shalt  }
0x78: {  	_ =	shalt  }
0x79: {  	_ =	shalt  }
0x7a: {  	_ =	shalt  }
0x7b: {  	_ =	shalt  }
0x7c: {  	_ =	shalt  }
0x7d: {  	_ =	shalt  }
0x7e: {  	_ =	shalt  }
0x7f: {  	_ =	shalt  }
0x80: {  	_ =	shalt  }
0x81: {  	_ =	shalt  }
0x82: {  	_ =	shalt  }
0x83: {  	_ =	shalt  }
0x84: {  	_ =	shalt  }
0x85: {  	_ =	shalt  }
0x86: {  	_ =	shalt  }
0x87: {  	_ =	shalt  }
.Lfunc_end0:
.L_simem_size_0:
called_computation.2_lowered:
.L_overlay_start_0:
0x88: {  	s2 =	sld [smem:$0x3FD9]  }
0x89: {  	s3 =	sld [smem:$0x3FFE];
	_ =	sdelay $0x1  }
0x8a: {  	s1 =	srdreg.scid  }
0x8b: {  	s0 =	sand.u32 $0x1, s1  }
0x8c: {  	s17 =	sshll.u32 s0, $0xA;
	s2 =	sadd.s32 s3, s2  }
0x8d: {  	s2 =	sadd.s32 s2, s17  }
0x8e: {  	[smem:$0x3FBC] =	sst s2  }
0x8f: {  	_ = 	snop  }
0x90: {  	s2 =	sld [smem:$0x3FD0];
	(tm) =	ssettm $0x1  }
0x91: {  	s18 =	sld [smem:$0x3FFB];
	_ =	sdelay $0x3  }
0x92: {  	_ =	strace s18  }
0x93: {  	s3 =	sld [smem:$0x3FFC];
	_ =	sdelay $0x3  }
0x94: {  	_ =	strace s3  }
0x95: {  	s3 =	sld [smem:$0x3FFD];
	_ =	sdelay $0x3  }
0x96: {  	_ =	strace s3  }
0x97: {  	_ =	strace $0x8FFFFFFF  }
0x98: {  	s19 =	sld [smem:$0x3FDB];
	_ =	sdelay $0x1  }
0x99: {  	s4 =	simm.s32 $_scs_section_size  }
0x9a: {  	s5 =	simm.s32 $_size__tile_overlayer_lowered;
	s6 =	simm.s32 $_tile_overlayer_lowered  }
0x9b: {  	s22 =	simm.s32 $0x1BFF;
	s21 =	sshll.u32 s6, $0x1;
	s3 =	sadd.s32 s4, s19  }
0x9c: {  	s7 =	simm.s32 $0x0;
	s20 =	sshll.u32 s5, $0x1;
	s5 =	sadd.s32 s21, s3  }
0x9d: {  	[timem:s7], [sflag:s22] =	dma.local [hbm:s5], s20  }
0x9e: {  	_ =	swait.ge [sflag:s22], s20  }
0x9f: {  	s4 =	ssub.s32 $0x0, s20;
	[sflag:s22] =	ssyncset.done $0x0  }
0xa0: {  	[sflag:s22] =	ssyncadd.s32 s4;
	_ =	sdelay $0x1  }
0xa1: {  	s23 =	simm.s32 $0x1B8B  }
0xa2: {  	_ =	swait.ge [sflag:s23], $0x1  }
0xa3: {  	[sflag:s23] =	ssyncset.done $0x0  }
0xa4: {  	s25 =	simm.s32 $0x1B8E;
	s24 =	sld [smem:$0x3FFE];
	[sflag:s23] =	ssyncadd.s32 $0xFFFFFFFF  }
0xa5: {  	s26 =	simm.s32 $execute0_lowered;
	[smem:$0x3FD2] =	sst s25  }
0xa6: {  	s5 =	sshll.u32 s26, $0x1;
	_ =	strace $0x8000004C;
	[dreg:$0x1] =	wrdreg $0xFFFFFFFF  }
0xa7: {  	s28 =	simm.s32 $_size_execute0_lowered;
	s3 =	sadd.s32 s3, s5;
	[dreg:$0x0] =	wrdreg $0x0  }
0xa8: {  	s5 =	sshll.u32 s28, $0x1;
	[dreg:$0x2] =	wrdreg s3  }
0xa9: {  	[dreg:$0x3] =	wrdreg s5  }
0xaa: {  	[dreg:$0x4] =	wrdreg $0xC0  }
0xab: {  	_ =	task [dreg:s7], $0x5FFFF  }
0xac: {  	[dreg:$0x1] =	wrdreg $0xFFFFFFFF  }
0xad: {  	[dreg:$0x0] =	wrdreg $0x60  }
0xae: {  	[dreg:$0x2] =	wrdreg s24  }
0xaf: {  	[dreg:$0x3] =	wrdreg s2  }
0xb0: {  	[dreg:$0x4] =	wrdreg $0xA8000  }
0xb1: {  	[dreg:$0x5] =	wrdreg $0x9  }
0xb2: {  	_ =	task.clear_ibuf [dreg:s7], $0x6FFFF;
	_ =	strace $0x9000004C  }
0xb3: {  	s29 =	simm.s32 $0x9;
	_ =	strace $0x8000004E  }
0xb4: {  	_ =	swait.ge [sflag:s29], $0x1  }
0xb5: {  	[sflag:s29] =	ssyncadd.s32 $0xFFFFFFFF  }
0xb6: {  	_ =	strace $0x9000004E  }
0xb7: {  	_ =	sfence  }
0xb8: {  	s30 =	sld [smem:$0x0];
	_ =	sdelay $0x2  }
0xb9: {  	s31 =	sshll.u32 s1, $0xD;
	s1 =	sshrl.u32 s1, $0x2  }
0xba: {  	s3 =	sand.u32 $0x4000, s31;
	s1 =	sadd.s32 s1, s30  }
0xbb: {  	s0 =	sor.u32 s3, s0;
	s1 =	sshll.u32 s1, $0x11  }
0xbc: {  	s0 =	sor.u32 s1, s0  }
0xbd: {  	s0 =	sadd.s32 $0x8F2B, s0  }
0xbe: {  	[sflag:s0] =	ssyncadd.remote.s32 $0x1  }
0xbf: {  	_ =	sfence.sel $0xFFFF  }
0xc0: {  	[dreg:$0x0] =	wrdreg $0xFFFFFFFF;
	(pc) =	sbr.abs _section_cstart, $3  }
0xc1: {  	[dreg:$0x1] =	wrdreg $0xFFFFFFFF  }
0xc2: {  	_ =	task.clear_ibuf [dreg:s7], $0x2FFFF;
	_ =	strace $0x9FFFFFFF  }
0xc3: {  	(tm) =	ssettm $0x7FFFFFFF  }
tec
execute0_lowered:
.L_overlay_start_1:
0x0: {  	(tag) =	ssettag $0x1  }
0x1: {  	s0 =	rddreg [dreg:$0x0]  }
0x2: {  	s2 =	rddreg [dreg:$0x2];
	s3 =	simm.s32 $0x0  }
0x3: {  	s1 =	srdreg.scid;
	s11 =	stileid.u32;
	s28 =	simm.s32 $0x1400  }
0x4: {  	s29 =	simm.s32 $0x80;
	s30 =	simm.s32 $0x6800;
	s31 =	simm.s32 $0x1  }
0x5: {  	[smem:$0x7FF] =	sst s3;
	s5 =	sadd.s32 $0x18400, s0;
	s1 =	sand.u32 $0x1, s1  }
0x6: {  	s4 =	sadd.s32 $0x4400, s0;
	s7 =	sadd.s32 $0xE400, s0;
	s8 =	smul.u32 $0x50000, s11  }
0x7: {  	s0 =	sadd.s32 $0x40400, s0;
	s12 =	smul.u32 $0x14000, s11;
	_ =	strace $0x8000004D  }
0x8: {  	s6 =	sshll.u32 s1, $0x4;
	s9 =	ssub.s32 $0x2, s1;
	s1 =	smul.u32 $0x140000, s1  }
0x9: {  	s6 =	sor.u32 s11, s6;
	s26 =	sshrl.u32 s9, $0x1;
	s8 =	sshrl.u32 s8, $0x2  }
0xa: {  	s13 =	sadd.s32 $0x4000, s12;
	s15 =	sadd.s32 $0x8000, s12;
	s10 =	smul.u32 $0x2800, s6  }
0xb: {  	s9 =	ssub.s32 s9, s26;
	s6 =	sadd.s32 s8, s2;
	s22 =	sadd.s32 s13, s2  }
0xc: {  	s19 =	sadd.s32 s1, s12;
	s9 =	smax.u32 s9, $0x1;
	[dreg:$0xa] =	wrdreg s22  }
0xd: {  	s14 =	sadd.s32 s1, s13;
	s16 =	sadd.s32 $0x4000, s6;
	[dreg:$0x4] =	wrdreg s9  }
0xe: {  	s23 =	sadd.s32 s1, s15;
	s17 =	sadd.s32 $0x8000, s6;
	[dreg:$0x5] =	wrdreg s16  }
0xf: {  	s15 =	sadd.s32 s15, s2;
	s18 =	sadd.s32 $0xC000, s6;
	[dreg:$0x6] =	wrdreg s17  }
0x10: {  	s8 =	sadd.s32 $0x10000, s12;
	s20 =	sadd.s32 $0x10000, s6;
	[dreg:$0x7] =	wrdreg s18  }
0x11: {  	s21 =	sshrl.u32 s14, $0x3;
	[dreg:$0x8] =	wrdreg s20;
	s9 =	sshrl.u32 s19, $0x3  }
0x12: {  	s14 =	sadd.s32 s0, s21;
	s17 =	sadd.s32 $0xC000, s12;
	s25 =	sshrl.u32 s10, $0x3  }
0x13: {  	s19 =	sadd.s32 s8, s2;
	s9 =	sadd.s32 s0, s9;
	s24 =	sadd.s32 s1, s17  }
0x14: {  	s17 =	sadd.s32 s17, s2;
	s1 =	sadd.s32 s1, s8;
	s26 =	sadd.s32 $0x280, s25  }
0x15: {  	s21 =	sadd.s32 s4, s25;
	s22 =	sadd.s32 s7, s25;
	s25 =	simm.s32 $0x2800  }
0x16: {  	s8 =	simm.s32 $0x0;
	[dreg:$0x9] =	wrdreg s9;
	s9 =	sshrl.u32 s23, $0x3  }
0x17: {  	s1 =	sshrl.u32 s1, $0x3;
	s23 =	sadd.s32 s4, s26;
	s4 =	simm.s32 $0x1380  }
0x18: {  	s16 =	sadd.s32 s0, s9;
	s9 =	sshrl.u32 s24, $0x3;
	s20 =	sadd.s32 s0, s1  }
0x19: {  	s24 =	sadd.s32 s7, s26;
	s26 =	simm.s32 $0x3;
	s1 =	simm.s32 $0x2700  }
0x1a: {  	s7 =	simm.s32 $0x2780;
	s18 =	sadd.s32 s0, s9;
	s0 =	simm.s32 $0x2  }
.LBB2_1:
0x1b: {  	s9 =	rddreg [dreg:$0x1]  }
0x1c: {  	[tilespmem:s25], [sflag:$0x3] =	stream.linear.gather [hbm4b:s9+s3], $0x4000, $0x38;
	[tilespmem:$0x1E800] =	vst v63  }
0x1d: {  	_ =	swait.ge [sflag:s26], $0x4000  }
0x1e: {  	[sflag:s26] =	ssyncset.done $0x0  }
0x1f: {  	[sflag:s26] =	ssyncadd.s32 $0xFFFFC000  }
0x20: {  	[spmem:s6] =	stream.linear.scatter [tilespmem:s25], [sflag:$0x3], $0x4000, $0x38;
	[tilespmem:$0x1E800] =	vst v63  }
0x21: {  	_ =	swait.ge [sflag:s26], $0x4000  }
0x22: {  	[sflag:s26] =	ssyncset.done $0x0  }
0x23: {  	s10 =	rddreg [dreg:$0x5];
	[sflag:s26] =	ssyncadd.s32 $0xFFFFC000  }
0x24: {  	[spmem:s10] =	stream.linear.scatter [tilespmem:s25], [sflag:$0x3], $0x4000, $0x38;
	[tilespmem:$0x1E800] =	vst v63  }
0x25: {  	_ =	swait.ge [sflag:s26], $0x4000  }
0x26: {  	[sflag:s26] =	ssyncset.done $0x0  }
0x27: {  	s11 =	rddreg [dreg:$0x6];
	[sflag:s26] =	ssyncadd.s32 $0xFFFFC000  }
0x28: {  	[spmem:s11] =	stream.linear.scatter [tilespmem:s25], [sflag:$0x3], $0x4000, $0x38;
	[tilespmem:$0x1E800] =	vst v63  }
0x29: {  	_ =	swait.ge [sflag:s26], $0x4000  }
0x2a: {  	[sflag:s26] =	ssyncset.done $0x0  }
0x2b: {  	s12 =	rddreg [dreg:$0x7];
	[sflag:s26] =	ssyncadd.s32 $0xFFFFC000  }
0x2c: {  	[spmem:s12] =	stream.linear.scatter [tilespmem:s25], [sflag:$0x3], $0x4000, $0x38;
	[tilespmem:$0x1E800] =	vst v63  }
0x2d: {  	_ =	swait.ge [sflag:s26], $0x4000  }
0x2e: {  	[sflag:s26] =	ssyncset.done $0x0  }
0x2f: {  	s13 =	rddreg [dreg:$0x8];
	[sflag:s26] =	ssyncadd.s32 $0xFFFFC000  }
0x30: {  	[spmem:s13] =	stream.linear.scatter [tilespmem:s25], [sflag:$0x3], $0x4000, $0x38;
	[tilespmem:$0x1E800] =	vst v63  }
0x31: {  	_ =	swait.ge [sflag:s26], $0x4000  }
0x32: {  	[sflag:s26] =	ssyncset.done $0x0  }
0x33: {  	[sflag:s26] =	ssyncadd.s32 $0xFFFFC000  }
0x34: {  	[bflag:$0x0] =	sbarrier.arrive $0xFFFF  }
0x35: {  	[tilespmem:s3], [sflag:$0x3] =	stream.linear.gather [hbm4b:s21+s3], $0x1400, $0x38;
	[tilespmem:$0x1E800] =	vst v63  }
0x36: {  	_ =	swait.ge [sflag:s26], $0x1400  }
0x37: {  	[sflag:s26] =	ssyncset.done $0x0  }
0x38: {  	[sflag:s26] =	ssyncadd.s32 $0xFFFFEC00  }
0x39: {  	[tilespmem:s28], [sflag:$0x3] =	stream.linear.gather [hbm4b:s22+s3], $0x1400, $0x38;
	[tilespmem:$0x1E800] =	vst v63  }
0x3a: {  	_ =	swait.ge [sflag:s26], $0x1400  }
0x3b: {  	[sflag:s26] =	ssyncset.done $0x0  }
0x3c: {  	[sflag:s26] =	ssyncadd.s32 $0xFFFFEC00  }
0x3d: {  	[tilespmem:s25], [sflag:$0x1] =	stream.indirect.gather [hbm4b:s5+s29], $0x80, s3, s29, $0xb8;
	[tilespmem:$0x1E800] =	vst v63  }
0x3e: {  	s10 =	simm.s32 $0x80  }
0x3f: {  	[tilespmem:s30], [sflag:$0x2] =	stream.indirect.gather [hbm4b:s5+s29], $0x80, s10, s29, $0xb8;
	[tilespmem:$0x1E800] =	vst v63  }
0x40: {  	_ =	swait.ge [sflag:s31], $0x4000  }
0x41: {  	[sflag:s31] =	ssyncset.done $0x0  }
0x42: {  	s11 =	simm.s32 $0x1400;
	[sflag:s31] =	ssyncadd.s32 $0xFFFFC000  }
0x43: {  	[spmem:s2] =	stream.indirect.scatter.add.f32 [tilespmem:s25], [sflag:$0x3], $0x80, s11, s29, $0xb8;
	[tilespmem:$0x1E800] =	vst v63  }
0x44: {  	_ =	swait.ge [sflag:s26], $0x4000  }
0x45: {  	[sflag:s26] =	ssyncset.done $0x0  }
0x46: {  	s12 =	simm.s32 $0x100;
	[sflag:s26] =	ssyncadd.s32 $0xFFFFC000  }
0x47: {  	[tilespmem:s25], [sflag:$0x1] =	stream.indirect.gather [hbm4b:s5+s29], $0x80, s12, s29, $0xb8;
	[tilespmem:$0x1E800] =	vst v63  }
0x48: {  	_ =	swait.ge [sflag:s0], $0x4000  }
0x49: {  	[sflag:s0] =	ssyncset.done $0x0  }
0x4a: {  	s13 =	simm.s32 $0x1480;
	[sflag:s0] =	ssyncadd.s32 $0xFFFFC000  }
0x4b: {  	[spmem:s2] =	stream.indirect.scatter.add.f32 [tilespmem:s30], [sflag:$0x3], $0x80, s13, s29, $0xb8;
	[tilespmem:$0x1E800] =	vst v63  }
0x4c: {  	_ =	swait.ge [sflag:s26], $0x4000  }
0x4d: {  	s9 =	simm.s32 $0x100;
	s10 =	simm.s32 $0x800;
	[sflag:s26] =	ssyncset.done $0x0  }
.LBB2_2:
0x4e: {  	s11 =	sadd.s32 $0x80, s9  }
0x4f: {  	[sflag:s26] =	ssyncadd.s32 $0xFFFFC000;
	s12 =	smov.u32 s10;
	s13 =	sadd.s32 $0x400, s10  }
0x50: {  	[tilespmem:s30], [sflag:$0x2] =	stream.indirect.gather [hbm4b:s5+s29], $0x80, s11, s29, $0xb8;
	[tilespmem:$0x1E800] =	vst v63  }
0x51: {  	p0 =	sne.s32 s10, $0x4800;
	_ =	swait.ge [sflag:s31], $0x4000  }
0x52: {  	[sflag:s31] =	ssyncset.done $0x0  }
0x53: {  	s10 =	sadd.s32 $0x1400, s9;
	[sflag:s31] =	ssyncadd.s32 $0xFFFFC000  }
0x54: {  	[spmem:s2] =	stream.indirect.scatter.add.f32 [tilespmem:s25], [sflag:$0x3], $0x80, s10, s29, $0xb8;
	[tilespmem:$0x1E800] =	vst v63  }
0x55: {  	_ =	swait.ge [sflag:s26], $0x4000  }
0x56: {  	[sflag:s26] =	ssyncset.done $0x0  }
0x57: {  	s10 =	sadd.s32 $0x100, s9;
	[sflag:s26] =	ssyncadd.s32 $0xFFFFC000  }
0x58: {  	[tilespmem:s25], [sflag:$0x1] =	stream.indirect.gather [hbm4b:s5+s29], $0x80, s10, s29, $0xb8;
	[tilespmem:$0x1E800] =	vst v63  }
0x59: {  	_ =	swait.ge [sflag:s0], $0x4000  }
.Ltmp0:
0x5a: {  	[sflag:s0] =	ssyncset.done $0x0;
	(pc) =	sbr.rel @p0 .LBB2_2-.Ltmp0, $4  }
0x5b: {  	s9 =	sadd.s32 $0x1480, s9;
	[sflag:s0] =	ssyncadd.s32 $0xFFFFC000  }
0x5c: {  	[spmem:s2] =	stream.indirect.scatter.add.f32 [tilespmem:s30], [sflag:$0x3], $0x80, s9, s29, $0xb8;
	[tilespmem:$0x1E800] =	vst v63  }
0x5d: {  	_ =	swait.ge [sflag:s26], $0x4000  }
0x5e: {  	s10 =	smov.u32 s13;
	s9 =	sshra.s32 s12, $0x2;
	[sflag:s26] =	ssyncset.done $0x0  }
0x5f: {  	s10 =	sadd.s32 $0x80, s9;
	[sflag:s26] =	ssyncadd.s32 $0xFFFFC000  }
0x60: {  	[tilespmem:s30], [sflag:$0x2] =	stream.indirect.gather [hbm4b:s5+s29], $0x80, s10, s29, $0xb8;
	[tilespmem:$0x1E800] =	vst v63  }
0x61: {  	_ =	swait.ge [sflag:s31], $0x4000  }
0x62: {  	[sflag:s31] =	ssyncset.done $0x0  }
0x63: {  	s13 =	sadd.s32 $0x1400, s9;
	[sflag:s31] =	ssyncadd.s32 $0xFFFFC000  }
0x64: {  	[spmem:s2] =	stream.indirect.scatter.add.f32 [tilespmem:s25], [sflag:$0x3], $0x80, s13, s29, $0xb8;
	[tilespmem:$0x1E800] =	vst v63  }
0x65: {  	_ =	swait.ge [sflag:s26], $0x4000  }
0x66: {  	[sflag:s26] =	ssyncset.done $0x0  }
0x67: {  	s11 =	sadd.s32 $0x100, s9;
	[sflag:s26] =	ssyncadd.s32 $0xFFFFC000  }
0x68: {  	[tilespmem:s25], [sflag:$0x1] =	stream.indirect.gather [hbm4b:s5+s29], $0x80, s11, s29, $0xb8;
	[tilespmem:$0x1E800] =	vst v63  }
0x69: {  	_ =	swait.ge [sflag:s0], $0x4000  }
0x6a: {  	[sflag:s0] =	ssyncset.done $0x0  }
0x6b: {  	s12 =	sadd.s32 $0x1480, s9;
	[sflag:s0] =	ssyncadd.s32 $0xFFFFC000  }
0x6c: {  	[spmem:s2] =	stream.indirect.scatter.add.f32 [tilespmem:s30], [sflag:$0x3], $0x80, s12, s29, $0xb8;
	[tilespmem:$0x1E800] =	vst v63  }
0x6d: {  	_ =	swait.ge [sflag:s26], $0x4000  }
0x6e: {  	[sflag:s26] =	ssyncset.done $0x0  }
0x6f: {  	[sflag:s26] =	ssyncadd.s32 $0xFFFFC000  }
0x70: {  	[tilespmem:s30], [sflag:$0x2] =	stream.indirect.gather [hbm4b:s5+s29], $0x80, s4, s29, $0xb8;
	[tilespmem:$0x1E800] =	vst v63  }
0x71: {  	_ =	swait.ge [sflag:s31], $0x4000  }
0x72: {  	[sflag:s31] =	ssyncset.done $0x0  }
0x73: {  	[sflag:s31] =	ssyncadd.s32 $0xFFFFC000  }
0x74: {  	[spmem:s2] =	stream.indirect.scatter.add.f32 [tilespmem:s25], [sflag:$0x3], $0x80, s1, s29, $0xb8;
	[tilespmem:$0x1E800] =	vst v63  }
0x75: {  	_ =	swait.ge [sflag:s26], $0x4000  }
0x76: {  	[sflag:s26] =	ssyncset.done $0x0  }
0x77: {  	s13 =	simm.s32 $0x0;
	[sflag:s26] =	ssyncadd.s32 $0xFFFFC000  }
0x78: {  	[tilespmem:s25], [sflag:$0x1] =	stream.indirect.gather [hbm4b:s5+s29], $0x80, s13, s29, $0xb8;
	[tilespmem:$0x1E800] =	vst v63  }
0x79: {  	_ =	swait.ge [sflag:s0], $0x4000  }
0x7a: {  	[sflag:s0] =	ssyncset.done $0x0  }
0x7b: {  	[sflag:s0] =	ssyncadd.s32 $0xFFFFC000  }
0x7c: {  	[spmem:s2] =	stream.indirect.scatter.add.f32 [tilespmem:s30], [sflag:$0x3], $0x80, s7, s29, $0xb8;
	[tilespmem:$0x1E800] =	vst v63  }
0x7d: {  	_ =	swait.ge [sflag:s26], $0x4000  }
0x7e: {  	[sflag:s26] =	ssyncset.done $0x0  }
0x7f: {  	[sflag:s26] =	ssyncadd.s32 $0xFFFFC000  }
0x80: {  	_ =	swait.ge [sflag:s31], $0x4000  }
0x81: {  	[sflag:s31] =	ssyncset.done $0x0  }
0x82: {  	[sflag:s31] =	ssyncadd.s32 $0xFFFFC000  }
0x83: {  	[tilespmem:s13], [sflag:$0x3] =	stream.linear.gather [hbm4b:s23+s13], $0x1400, $0x38;
	[tilespmem:$0x1E800] =	vst v63  }
0x84: {  	_ =	swait.ge [sflag:s26], $0x1400  }
0x85: {  	[sflag:s26] =	ssyncset.done $0x0  }
0x86: {  	[sflag:s26] =	ssyncadd.s32 $0xFFFFEC00  }
0x87: {  	[tilespmem:s28], [sflag:$0x3] =	stream.linear.gather [hbm4b:s24+s13], $0x1400, $0x38;
	[tilespmem:$0x1E800] =	vst v63  }
0x88: {  	_ =	swait.ge [sflag:s26], $0x1400  }
0x89: {  	[sflag:s26] =	ssyncset.done $0x0  }
0x8a: {  	[sflag:s26] =	ssyncadd.s32 $0xFFFFEC00  }
0x8b: {  	[tilespmem:s25], [sflag:$0x1] =	stream.indirect.gather [hbm4b:s5+s29], $0x80, s13, s29, $0xb8;
	[tilespmem:$0x1E800] =	vst v63  }
0x8c: {  	s10 =	simm.s32 $0x80  }
0x8d: {  	[tilespmem:s30], [sflag:$0x2] =	stream.indirect.gather [hbm4b:s5+s29], $0x80, s10, s29, $0xb8;
	[tilespmem:$0x1E800] =	vst v63  }
0x8e: {  	_ =	swait.ge [sflag:s31], $0x4000  }
0x8f: {  	[sflag:s31] =	ssyncset.done $0x0  }
0x90: {  	s11 =	simm.s32 $0x1400;
	[sflag:s31] =	ssyncadd.s32 $0xFFFFC000  }
0x91: {  	[spmem:s2] =	stream.indirect.scatter.add.f32 [tilespmem:s25], [sflag:$0x3], $0x80, s11, s29, $0xb8;
	[tilespmem:$0x1E800] =	vst v63  }
0x92: {  	_ =	swait.ge [sflag:s26], $0x4000  }
0x93: {  	[sflag:s26] =	ssyncset.done $0x0  }
0x94: {  	s12 =	simm.s32 $0x100;
	[sflag:s26] =	ssyncadd.s32 $0xFFFFC000  }
0x95: {  	[tilespmem:s25], [sflag:$0x1] =	stream.indirect.gather [hbm4b:s5+s29], $0x80, s12, s29, $0xb8;
	[tilespmem:$0x1E800] =	vst v63  }
0x96: {  	_ =	swait.ge [sflag:s0], $0x4000  }
0x97: {  	[sflag:s0] =	ssyncset.done $0x0  }
0x98: {  	s13 =	simm.s32 $0x1480;
	[sflag:s0] =	ssyncadd.s32 $0xFFFFC000  }
0x99: {  	[spmem:s2] =	stream.indirect.scatter.add.f32 [tilespmem:s30], [sflag:$0x3], $0x80, s13, s29, $0xb8;
	[tilespmem:$0x1E800] =	vst v63  }
0x9a: {  	_ =	swait.ge [sflag:s26], $0x4000  }
0x9b: {  	s9 =	simm.s32 $0x100;
	s10 =	simm.s32 $0x800;
	[sflag:s26] =	ssyncset.done $0x0  }
.LBB2_4:
0x9c: {  	s11 =	sadd.s32 $0x80, s9  }
0x9d: {  	[sflag:s26] =	ssyncadd.s32 $0xFFFFC000;
	s12 =	smov.u32 s10;
	s13 =	sadd.s32 $0x400, s10  }
0x9e: {  	[tilespmem:s30], [sflag:$0x2] =	stream.indirect.gather [hbm4b:s5+s29], $0x80, s11, s29, $0xb8;
	[tilespmem:$0x1E800] =	vst v63  }
0x9f: {  	p0 =	sne.s32 s10, $0x4800;
	_ =	swait.ge [sflag:s31], $0x4000  }
0xa0: {  	[sflag:s31] =	ssyncset.done $0x0  }
0xa1: {  	s10 =	sadd.s32 $0x1400, s9;
	[sflag:s31] =	ssyncadd.s32 $0xFFFFC000  }
0xa2: {  	[spmem:s2] =	stream.indirect.scatter.add.f32 [tilespmem:s25], [sflag:$0x3], $0x80, s10, s29, $0xb8;
	[tilespmem:$0x1E800] =	vst v63  }
0xa3: {  	_ =	swait.ge [sflag:s26], $0x4000  }
0xa4: {  	[sflag:s26] =	ssyncset.done $0x0  }
0xa5: {  	s10 =	sadd.s32 $0x100, s9;
	[sflag:s26] =	ssyncadd.s32 $0xFFFFC000  }
0xa6: {  	[tilespmem:s25], [sflag:$0x1] =	stream.indirect.gather [hbm4b:s5+s29], $0x80, s10, s29, $0xb8;
	[tilespmem:$0x1E800] =	vst v63  }
0xa7: {  	_ =	swait.ge [sflag:s0], $0x4000  }
.Ltmp1:
0xa8: {  	[sflag:s0] =	ssyncset.done $0x0;
	(pc) =	sbr.rel @p0 .LBB2_4-.Ltmp1, $4  }
0xa9: {  	s9 =	sadd.s32 $0x1480, s9;
	[sflag:s0] =	ssyncadd.s32 $0xFFFFC000  }
0xaa: {  	[spmem:s2] =	stream.indirect.scatter.add.f32 [tilespmem:s30], [sflag:$0x3], $0x80, s9, s29, $0xb8;
	[tilespmem:$0x1E800] =	vst v63  }
0xab: {  	_ =	swait.ge [sflag:s26], $0x4000  }
0xac: {  	s10 =	smov.u32 s13;
	s9 =	sshra.s32 s12, $0x2;
	[sflag:s26] =	ssyncset.done $0x0  }
0xad: {  	s10 =	sadd.s32 $0x80, s9;
	[sflag:s26] =	ssyncadd.s32 $0xFFFFC000  }
0xae: {  	[tilespmem:s30], [sflag:$0x2] =	stream.indirect.gather [hbm4b:s5+s29], $0x80, s10, s29, $0xb8;
	[tilespmem:$0x1E800] =	vst v63  }
0xaf: {  	_ =	swait.ge [sflag:s31], $0x4000  }
0xb0: {  	[sflag:s31] =	ssyncset.done $0x0  }
0xb1: {  	s12 =	sadd.s32 $0x1400, s9;
	[sflag:s31] =	ssyncadd.s32 $0xFFFFC000  }
0xb2: {  	[spmem:s2] =	stream.indirect.scatter.add.f32 [tilespmem:s25], [sflag:$0x3], $0x80, s12, s29, $0xb8;
	[tilespmem:$0x1E800] =	vst v63  }
0xb3: {  	_ =	swait.ge [sflag:s26], $0x4000  }
0xb4: {  	[sflag:s26] =	ssyncset.done $0x0  }
0xb5: {  	s13 =	sadd.s32 $0x100, s9;
	[sflag:s26] =	ssyncadd.s32 $0xFFFFC000  }
0xb6: {  	[tilespmem:s25], [sflag:$0x1] =	stream.indirect.gather [hbm4b:s5+s29], $0x80, s13, s29, $0xb8;
	[tilespmem:$0x1E800] =	vst v63  }
0xb7: {  	_ =	swait.ge [sflag:s0], $0x4000  }
0xb8: {  	[sflag:s0] =	ssyncset.done $0x0  }
0xb9: {  	s10 =	sadd.s32 $0x1480, s9;
	[sflag:s0] =	ssyncadd.s32 $0xFFFFC000  }
0xba: {  	[spmem:s2] =	stream.indirect.scatter.add.f32 [tilespmem:s30], [sflag:$0x3], $0x80, s10, s29, $0xb8;
	[tilespmem:$0x1E800] =	vst v63  }
0xbb: {  	_ =	swait.ge [sflag:s26], $0x4000  }
0xbc: {  	[sflag:s26] =	ssyncset.done $0x0  }
0xbd: {  	[sflag:s26] =	ssyncadd.s32 $0xFFFFC000  }
0xbe: {  	[tilespmem:s30], [sflag:$0x2] =	stream.indirect.gather [hbm4b:s5+s29], $0x80, s4, s29, $0xb8;
	[tilespmem:$0x1E800] =	vst v63  }
0xbf: {  	_ =	swait.ge [sflag:s31], $0x4000  }
0xc0: {  	[sflag:s31] =	ssyncset.done $0x0  }
0xc1: {  	[sflag:s31] =	ssyncadd.s32 $0xFFFFC000  }
0xc2: {  	[spmem:s2] =	stream.indirect.scatter.add.f32 [tilespmem:s25], [sflag:$0x3], $0x80, s1, s29, $0xb8;
	[tilespmem:$0x1E800] =	vst v63  }
0xc3: {  	_ =	swait.ge [sflag:s26], $0x4000  }
0xc4: {  	[sflag:s26] =	ssyncset.done $0x0  }
0xc5: {  	[sflag:s26] =	ssyncadd.s32 $0xFFFFC000  }
0xc6: {  	[tilespmem:s25], [sflag:$0x1] =	stream.indirect.gather [hbm4b:s5+s29], $0x80, s3, s29, $0xb8;
	[tilespmem:$0x1E800] =	vst v63  }
0xc7: {  	_ =	swait.ge [sflag:s0], $0x4000  }
0xc8: {  	[sflag:s0] =	ssyncset.done $0x0  }
0xc9: {  	[sflag:s0] =	ssyncadd.s32 $0xFFFFC000  }
0xca: {  	[spmem:s2] =	stream.indirect.scatter.add.f32 [tilespmem:s30], [sflag:$0x3], $0x80, s7, s29, $0xb8;
	[tilespmem:$0x1E800] =	vst v63  }
0xcb: {  	_ =	swait.ge [sflag:s26], $0x4000  }
0xcc: {  	[sflag:s26] =	ssyncset.done $0x0  }
0xcd: {  	[sflag:s26] =	ssyncadd.s32 $0xFFFFC000  }
0xce: {  	_ =	swait.ge [sflag:s31], $0x4000  }
0xcf: {  	[sflag:s31] =	ssyncset.done $0x0  }
0xd0: {  	[sflag:s31] =	ssyncadd.s32 $0xFFFFC000  }
0xd1: {  	[bflag:$0x0] =	sbarrier.arrive $0xFFFF  }
0xd2: {  	[tilespmem:s25], [sflag:$0x3] =	stream.linear.gather [spmem:s6], $0x4000, $0x38;
	[tilespmem:$0x1E800] =	vst v63  }
0xd3: {  	_ =	swait.ge [sflag:s26], $0x4000  }
0xd4: {  	[sflag:s26] =	ssyncset.done $0x0  }
0xd5: {  	s11 =	rddreg [dreg:$0x9];
	[sflag:s26] =	ssyncadd.s32 $0xFFFFC000  }
0xd6: {  	[hbm4b:s11+s3] =	stream.linear.scatter [tilespmem:s25], [sflag:$0x3], $0x4000, $0x38;
	[tilespmem:$0x1E800] =	vst v63  }
0xd7: {  	_ =	swait.ge [sflag:s26], $0x4000  }
0xd8: {  	[sflag:s26] =	ssyncset.done $0x0  }
0xd9: {  	s12 =	rddreg [dreg:$0xa];
	[sflag:s26] =	ssyncadd.s32 $0xFFFFC000  }
0xda: {  	[tilespmem:s25], [sflag:$0x3] =	stream.linear.gather [spmem:s12], $0x4000, $0x38;
	[tilespmem:$0x1E800] =	vst v63  }
0xdb: {  	_ =	swait.ge [sflag:s26], $0x4000  }
0xdc: {  	[sflag:s26] =	ssyncset.done $0x0  }
0xdd: {  	[sflag:s26] =	ssyncadd.s32 $0xFFFFC000  }
0xde: {  	[hbm4b:s14+s3] =	stream.linear.scatter [tilespmem:s25], [sflag:$0x3], $0x4000, $0x38;
	[tilespmem:$0x1E800] =	vst v63  }
0xdf: {  	_ =	swait.ge [sflag:s26], $0x4000  }
0xe0: {  	[sflag:s26] =	ssyncset.done $0x0  }
0xe1: {  	[sflag:s26] =	ssyncadd.s32 $0xFFFFC000  }
0xe2: {  	[tilespmem:s25], [sflag:$0x3] =	stream.linear.gather [spmem:s15], $0x4000, $0x38;
	[tilespmem:$0x1E800] =	vst v63  }
0xe3: {  	_ =	swait.ge [sflag:s26], $0x4000  }
0xe4: {  	[sflag:s26] =	ssyncset.done $0x0  }
0xe5: {  	[sflag:s26] =	ssyncadd.s32 $0xFFFFC000  }
0xe6: {  	[hbm4b:s16+s3] =	stream.linear.scatter [tilespmem:s25], [sflag:$0x3], $0x4000, $0x38;
	[tilespmem:$0x1E800] =	vst v63  }
0xe7: {  	_ =	swait.ge [sflag:s26], $0x4000  }
0xe8: {  	[sflag:s26] =	ssyncset.done $0x0  }
0xe9: {  	[sflag:s26] =	ssyncadd.s32 $0xFFFFC000  }
0xea: {  	[tilespmem:s25], [sflag:$0x3] =	stream.linear.gather [spmem:s17], $0x4000, $0x38;
	[tilespmem:$0x1E800] =	vst v63  }
0xeb: {  	_ =	swait.ge [sflag:s26], $0x4000  }
0xec: {  	[sflag:s26] =	ssyncset.done $0x0  }
0xed: {  	[sflag:s26] =	ssyncadd.s32 $0xFFFFC000  }
0xee: {  	[hbm4b:s18+s3] =	stream.linear.scatter [tilespmem:s25], [sflag:$0x3], $0x4000, $0x38;
	[tilespmem:$0x1E800] =	vst v63  }
0xef: {  	_ =	swait.ge [sflag:s26], $0x4000  }
0xf0: {  	[sflag:s26] =	ssyncset.done $0x0  }
0xf1: {  	[sflag:s26] =	ssyncadd.s32 $0xFFFFC000  }
0xf2: {  	[tilespmem:s25], [sflag:$0x3] =	stream.linear.gather [spmem:s19], $0x4000, $0x38;
	[tilespmem:$0x1E800] =	vst v63  }
0xf3: {  	_ =	swait.ge [sflag:s26], $0x4000  }
0xf4: {  	[sflag:s26] =	ssyncset.done $0x0  }
0xf5: {  	[sflag:s26] =	ssyncadd.s32 $0xFFFFC000  }
0xf6: {  	[hbm4b:s20+s3] =	stream.linear.scatter [tilespmem:s25], [sflag:$0x3], $0x4000, $0x38;
	[tilespmem:$0x1E800] =	vst v63  }
0xf7: {  	_ =	swait.ge [sflag:s26], $0x4000  }
0xf8: {  	s8 =	sadd.s32 $0x1, s8;
	s13 =	rddreg [dreg:$0x4]  }
0xf9: {  	p0 =	sne.s32 s8, s13  }
.Ltmp2:
0xfa: {  	_ = 	snop;
	(pc) =	sbr.rel @p0 .LBB2_1-.Ltmp2, $3  }
0xfb: {  	_ =	sdelay $0x1  }
0xfc: {  	[sflag:s26] =	ssyncset.done $0x0  }
0xfd: {  	[sflag:s26] =	ssyncadd.s32 $0xFFFFC000  }
0xfe: {  	_ =	sfence.sel $0x180000  }
0xff: {  	[bflag:$0x0] =	sbarrier.arrive $0xFFFF  }
0x100: {  	_ =	strace $0x9000004D  }
0x101: {  	s0 =	stileid.u32;
	[bflag:$0x2] =	sbarrier.arrive $0xFFFF  }
0x102: {  	p0 =	sne.s32 s0, $0x0;
	s0 =	rddreg [dreg:$0x3]  }
0x103: {  	s0 =	sadd.s32 @!p0 $0x100000, s0  }
0x104: {  	[sflag:s0] =	ssyncadd.tile.s32 @!p0 $0x1;
	_ =	shalt  }
.Lfunc_end2:
_tile_overlayer_lowered:
.L_overlay_start_2:
0x105: {  	(tag) =	ssettag $0x2  }
0x106: {  	s0 =	rddreg [dreg:$0x0];
	s2 =	stileid.u32  }
0x107: {  	s1 =	rddreg [dreg:$0x1];
	p0 =	sne.s32 s2, $0x0  }
0x108: {  	s3 =	rddreg [dreg:$0x2];
	[bflag:$0x3] =	sbarrier.arrive $0xFFFF;
	s2 =	simm.s32 @!p0 $0x1C03  }
0x109: {  	[timem:s3], [sflag:s2] =	dma.local @!p0 [hbm:s0], s1  }
0x10a: {  	s0 =	simm.s32 @!p0 $0x3  }
0x10b: {  	_ =	swait.ge @!p0 [sflag:s0], s1  }
0x10c: {  	s1 =	ssub.s32 @!p0 $0x0, s1;
	[sflag:s0] =	ssyncset.done @!p0 $0x0  }
0x10d: {  	[sflag:s0] =	ssyncadd.s32 @!p0 s1  }
0x10e: {  	[bflag:$0x3] =	sbarrier.arrive $0xFFFF  }
0x10f: {  	_ =	shalt  }

// kernel: kernel.19.cloned.1.call-start
scs
__scs_entry_jumppad:
0x0: {  	(pc) =	sbr.rel $0x88, $3  }
0x1: {  	(tag) =	ssettag $0x0;
	lr =	simm.s32 $0x1  }
0x2: {  	[smem:$0x3F95] =	sst lr;
	_ =	strace $0xD0000000  }
0x3: {  	_ = 	snop  }
0x4: {  	_ = 	snop  }
0x5: {  	_ = 	snop  }
0x6: {  	_ = 	snop  }
0x7: {  	_ = 	snop  }
__scs_overlays_trampoline_lowered:
0x8: {  	[smem:$0x3FA4] =	sst s0  }
0x9: {  	[smem:$0x3FA5] =	sst s1  }
0xa: {  	[smem:$0x3FA6] =	sst s2  }
0xb: {  	[smem:$0x3FA7] =	sst s3  }
0xc: {  	[smem:$0x3FA8] =	sst s4  }
0xd: {  	[smem:$0x3FA9] =	sst s5  }
0xe: {  	[smem:$0x3FAA] =	sst s6  }
0xf: {  	[smem:$0x3FAB] =	sst s7  }
0x10: {  	[smem:$0x3FAC] =	sst s8  }
0x11: {  	[smem:$0x3FAD] =	sst s9;
	s0 =	simm.s32 @!p0 $0x0  }
0x12: {  	s1 =	sld [smem:$0x3F93];
	s0 =	simm.s32 @p0 $0x1  }
0x13: {  	[smem:$0x3FAE] =	sst s0;
	s0 =	simm.s32 @!p1 $0x0  }
0x14: {  	s2 =	sld [smem:$0x3F92];
	s0 =	simm.s32 @p1 $0x1  }
0x15: {  	[smem:$0x3FAF] =	sst s0;
	s0 =	simm.s32 @!p2 $0x0  }
0x16: {  	s3 =	sld [smem:$0x3FDB];
	s0 =	simm.s32 @p2 $0x1  }
0x17: {  	s4 =	simm.s32 $0x1BF5;
	[smem:$0x3FB1] =	sst s0  }
0x18: {  	s0 =	sld [smem:$0x3F94];
	_ =	swait.ge [sflag:s4], $0x0  }
0x19: {  	s7 =	sld [smem:$0x3F95]  }
0x1a: {  	s8 =	sadd.s32 $0xFFFFE003, lr  }
0x1b: {  	s9 =	sadd.s32 $0xFFFFFEF7, lr;
	s5 =	simm.s32 $0xFFFFFFFF;
	p2 =	slt.u32 s8, $0xFFFFF086  }
0x1c: {  	p1 =	slt.u32 s9, $0xF7A;
	s5 =	simm.s32 @!p2 $0x0  }
0x1d: {  	s5 =	simm.s32 @p1 $0x1;
	p0 =	seq.s32 s7, s2  }
0x1e: {  	s7 =	smul.u32 @!p0 $0xF7A, s2;
	p2 =	seq.s32 @!p0 s5, $0x0  }
0x1f: {  	s9 =	smul.u32 $0xF7A, s1;
	s8 =	simm.s32 @!p0 $0x1BF5;
	p2 =	por !p2, p0  }
0x20: {  	[sflag:s8] =	ssyncset.s32 @!p0 $0xFFFFF086;
	s6 =	sadd.s32 @!p0 s3, s7;
	s7 =	simm.s32 @!p0 $0x108  }
0x21: {  	s3 =	sadd.s32 s3, s9;
	s6 =	sadd.s32 @!p0 $0x88, s6;
	s7 =	simm.s32 @p2 $0x1082  }
0x22: {  	[simem:s7], [sflag:s8] =	dma.local @!p0 [hbm:s6], $0xF7A  }
0x23: {  	s9 =	sor.u32 $0xD0000000, s2;
	s6 =	simm.s32 $0x108;
	_ =	swait.ge @!p0 [sflag:s8], $0x0  }
0x24: {  	s3 =	sadd.s32 $0x88, s3;
	s6 =	simm.s32 @!p1 $0x1082;
	[sflag:s4] =	ssyncset.s32 $0xFFFFF086  }
0x25: {  	[simem:s6], [sflag:s4] =	dma.local [hbm:s3], $0xF7A  }
0x26: {  	[smem:$0x3F95] =	sst s1;
	(tag) =	ssettag s2;
	_ =	strace s9  }
0x27: {  	s1 =	sld [smem:$0x3FA5]  }
0x28: {  	s2 =	sld [smem:$0x3FA6]  }
0x29: {  	s4 =	sld [smem:$0x3FA8]  }
0x2a: {  	p0 =	seq.s32 s5, $0x0;
	s5 =	sld [smem:$0x3FA9]  }
0x2b: {  	s6 =	sld [smem:$0x3FAA]  }
0x2c: {  	s7 =	sld [smem:$0x3FAB]  }
0x2d: {  	s3 =	simm.s32 $0x108;
	s8 =	sld [smem:$0x3FAC]  }
0x2e: {  	s3 =	simm.s32 @!p0 $0x1082;
	s9 =	sld [smem:$0x3FAD]  }
0x2f: {  	lr =	sadd.s32 s0, s3;
	s0 =	sld [smem:$0x3FA4]  }
0x30: {  	s3 =	sld [smem:$0x3FA7]  }
0x31: {  	[smem:$0x3FB0] =	sst s10  }
0x32: {  	s10 =	sld [smem:$0x3FAE];
	_ =	sdelay $0x3  }
0x33: {  	p0 =	seq.s32 s10, $0x1;
	s10 =	sld [smem:$0x3FB0];
	_ =	sdelay $0x3  }
0x34: {  	[smem:$0x3FB0] =	sst s10  }
0x35: {  	s10 =	sld [smem:$0x3FAF];
	_ =	sdelay $0x3  }
0x36: {  	p1 =	seq.s32 s10, $0x1;
	s10 =	sld [smem:$0x3FB0];
	_ =	sdelay $0x3  }
0x37: {  	[smem:$0x3FB0] =	sst s10  }
0x38: {  	s10 =	sld [smem:$0x3FB1]  }
0x39: {  	_ = 	snop;
	(pc) =	sbr.ind lr, $3  }
0x3a: {  	_ = 	snop  }
0x3b: {  	_ = 	snop  }
0x3c: {  	p2 =	seq.s32 s10, $0x1;
	s10 =	sld [smem:$0x3FB0]  }
0x3d: {  	_ =	shalt  }
0x3e: {  	_ =	shalt  }
0x3f: {  	_ =	shalt  }
0x40: {  	_ =	shalt  }
0x41: {  	_ =	shalt  }
0x42: {  	_ =	shalt  }
0x43: {  	_ =	shalt  }
0x44: {  	_ =	shalt  }
0x45: {  	_ =	shalt  }
0x46: {  	_ =	shalt  }
0x47: {  	_ =	shalt  }
0x48: {  	_ =	shalt  }
0x49: {  	_ =	shalt  }
0x4a: {  	_ =	shalt  }
0x4b: {  	_ =	shalt  }
0x4c: {  	_ =	shalt  }
0x4d: {  	_ =	shalt  }
0x4e: {  	_ =	shalt  }
0x4f: {  	_ =	shalt  }
0x50: {  	_ =	shalt  }
0x51: {  	_ =	shalt  }
0x52: {  	_ =	shalt  }
0x53: {  	_ =	shalt  }
0x54: {  	_ =	shalt  }
0x55: {  	_ =	shalt  }
0x56: {  	_ =	shalt  }
0x57: {  	_ =	shalt  }
0x58: {  	_ =	shalt  }
0x59: {  	_ =	shalt  }
0x5a: {  	_ =	shalt  }
0x5b: {  	_ =	shalt  }
0x5c: {  	_ =	shalt  }
0x5d: {  	_ =	shalt  }
0x5e: {  	_ =	shalt  }
0x5f: {  	_ =	shalt  }
0x60: {  	_ =	shalt  }
0x61: {  	_ =	shalt  }
0x62: {  	_ =	shalt  }
0x63: {  	_ =	shalt  }
0x64: {  	_ =	shalt  }
0x65: {  	_ =	shalt  }
0x66: {  	_ =	shalt  }
0x67: {  	_ =	shalt  }
0x68: {  	_ =	shalt  }
0x69: {  	_ =	shalt  }
0x6a: {  	_ =	shalt  }
0x6b: {  	_ =	shalt  }
0x6c: {  	_ =	shalt  }
0x6d: {  	_ =	shalt  }
0x6e: {  	_ =	shalt  }
0x6f: {  	_ =	shalt  }
0x70: {  	_ =	shalt  }
0x71: {  	_ =	shalt  }
0x72: {  	_ =	shalt  }
0x73: {  	_ =	shalt  }
0x74: {  	_ =	shalt  }
0x75: {  	_ =	shalt  }
0x76: {  	_ =	shalt  }
0x77: {  	_ =	shalt  }
0x78: {  	_ =	shalt  }
0x79: {  	_ =	shalt  }
0x7a: {  	_ =	shalt  }
0x7b: {  	_ =	shalt  }
0x7c: {  	_ =	shalt  }
0x7d: {  	_ =	shalt  }
0x7e: {  	_ =	shalt  }
0x7f: {  	_ =	shalt  }
0x80: {  	_ =	shalt  }
0x81: {  	_ =	shalt  }
0x82: {  	_ =	shalt  }
0x83: {  	_ =	shalt  }
0x84: {  	_ =	shalt  }
0x85: {  	_ =	shalt  }
0x86: {  	_ =	shalt  }
0x87: {  	_ =	shalt  }
.Lfunc_end0:
.L_simem_size_0:
called_computation.3_lowered:
.L_overlay_start_0:
0x88: {  	s2 =	sld [smem:$0x3FD9]  }
0x89: {  	s3 =	sld [smem:$0x3FFE];
	_ =	sdelay $0x1  }
0x8a: {  	s1 =	srdreg.scid  }
0x8b: {  	s0 =	sand.u32 $0x1, s1  }
0x8c: {  	s17 =	sshll.u32 s0, $0xA;
	s2 =	sadd.s32 s3, s2  }
0x8d: {  	s2 =	sadd.s32 s2, s17  }
0x8e: {  	[smem:$0x3FBC] =	sst s2  }
0x8f: {  	_ = 	snop  }
0x90: {  	s2 =	sld [smem:$0x3FD0];
	(tm) =	ssettm $0x1  }
0x91: {  	s18 =	sld [smem:$0x3FFB];
	_ =	sdelay $0x3  }
0x92: {  	_ =	strace s18  }
0x93: {  	s3 =	sld [smem:$0x3FFC];
	_ =	sdelay $0x3  }
0x94: {  	_ =	strace s3  }
0x95: {  	s3 =	sld [smem:$0x3FFD];
	_ =	sdelay $0x3  }
0x96: {  	_ =	strace s3  }
0x97: {  	_ =	strace $0x8FFFFFFF  }
0x98: {  	s19 =	sld [smem:$0x3FDB];
	_ =	sdelay $0x1  }
0x99: {  	s4 =	simm.s32 $_scs_section_size  }
0x9a: {  	s5 =	simm.s32 $_size__tile_overlayer_lowered;
	s6 =	simm.s32 $_tile_overlayer_lowered  }
0x9b: {  	s22 =	simm.s32 $0x1BFF;
	s21 =	sshll.u32 s6, $0x1;
	s3 =	sadd.s32 s4, s19  }
0x9c: {  	s7 =	simm.s32 $0x0;
	s20 =	sshll.u32 s5, $0x1;
	s5 =	sadd.s32 s21, s3  }
0x9d: {  	[timem:s7], [sflag:s22] =	dma.local [hbm:s5], s20  }
0x9e: {  	_ =	swait.ge [sflag:s22], s20  }
0x9f: {  	s4 =	ssub.s32 $0x0, s20;
	[sflag:s22] =	ssyncset.done $0x0  }
0xa0: {  	[sflag:s22] =	ssyncadd.s32 s4;
	_ =	sdelay $0x1  }
0xa1: {  	s23 =	simm.s32 $0x1B8B  }
0xa2: {  	_ =	swait.ge [sflag:s23], $0x1  }
0xa3: {  	[sflag:s23] =	ssyncset.done $0x0  }
0xa4: {  	s25 =	simm.s32 $0x1B8E;
	s24 =	sld [smem:$0x3FFE];
	[sflag:s23] =	ssyncadd.s32 $0xFFFFFFFF  }
0xa5: {  	s26 =	simm.s32 $execute0_lowered;
	[smem:$0x3FD2] =	sst s25  }
0xa6: {  	s5 =	sshll.u32 s26, $0x1;
	_ =	strace $0x8000004F;
	[dreg:$0x1] =	wrdreg $0xFFFFFFFF  }
0xa7: {  	s28 =	simm.s32 $_size_execute0_lowered;
	s3 =	sadd.s32 s3, s5;
	[dreg:$0x0] =	wrdreg $0x0  }
0xa8: {  	s5 =	sshll.u32 s28, $0x1;
	[dreg:$0x2] =	wrdreg s3  }
0xa9: {  	[dreg:$0x3] =	wrdreg s5  }
0xaa: {  	[dreg:$0x4] =	wrdreg $0xC0  }
0xab: {  	_ =	task [dreg:s7], $0x5FFFF  }
0xac: {  	[dreg:$0x1] =	wrdreg $0xFFFFFFFF  }
0xad: {  	[dreg:$0x0] =	wrdreg $0x60  }
0xae: {  	[dreg:$0x2] =	wrdreg s24  }
0xaf: {  	[dreg:$0x3] =	wrdreg s2  }
0xb0: {  	[dreg:$0x4] =	wrdreg $0x48000  }
0xb1: {  	[dreg:$0x5] =	wrdreg $0x9  }
0xb2: {  	_ =	task.clear_ibuf [dreg:s7], $0x6FFFF;
	_ =	strace $0x9000004F  }
0xb3: {  	s29 =	simm.s32 $0x9;
	_ =	strace $0x80000051  }
0xb4: {  	_ =	swait.ge [sflag:s29], $0x1  }
0xb5: {  	[sflag:s29] =	ssyncadd.s32 $0xFFFFFFFF  }
0xb6: {  	_ =	strace $0x90000051  }
0xb7: {  	_ =	sfence  }
0xb8: {  	s30 =	sld [smem:$0x0];
	_ =	sdelay $0x2  }
0xb9: {  	s31 =	sshll.u32 s1, $0xD;
	s1 =	sshrl.u32 s1, $0x2  }
0xba: {  	s3 =	sand.u32 $0x4000, s31;
	s1 =	sadd.s32 s1, s30  }
0xbb: {  	s0 =	sor.u32 s3, s0;
	s1 =	sshll.u32 s1, $0x11  }
0xbc: {  	s0 =	sor.u32 s1, s0  }
0xbd: {  	s0 =	sadd.s32 $0x8F2B, s0  }
0xbe: {  	[sflag:s0] =	ssyncadd.remote.s32 $0x1  }
0xbf: {  	_ =	sfence.sel $0xFFFF  }
0xc0: {  	[dreg:$0x0] =	wrdreg $0xFFFFFFFF;
	(pc) =	sbr.abs _section_cstart, $3  }
0xc1: {  	[dreg:$0x1] =	wrdreg $0xFFFFFFFF  }
0xc2: {  	_ =	task.clear_ibuf [dreg:s7], $0x2FFFF;
	_ =	strace $0x9FFFFFFF  }
0xc3: {  	(tm) =	ssettm $0x7FFFFFFF  }
tec
execute0_lowered:
.L_overlay_start_1:
0x0: {  	(tag) =	ssettag $0x1  }
0x1: {  	s0 =	rddreg [dreg:$0x0]  }
0x2: {  	s2 =	rddreg [dreg:$0x2]  }
0x3: {  	s14 =	simm.s32 $0x0;
	s1 =	srdreg.scid;
	s10 =	stileid.u32  }
0x4: {  	s28 =	simm.s32 $0x1400;
	s29 =	simm.s32 $0x80;
	s30 =	simm.s32 $0x3000  }
0x5: {  	s31 =	simm.s32 $0x2680;
	[smem:$0x7FF] =	sst s14;
	s4 =	sadd.s32 $0x18400, s0  }
0x6: {  	s6 =	sadd.s32 $0x4400, s0;
	s7 =	sadd.s32 $0xE400, s0;
	s1 =	sand.u32 $0x1, s1  }
0x7: {  	s0 =	sadd.s32 $0x1D400, s0;
	s8 =	smul.u32 $0xA000, s10;
	s3 =	ssub.s32 $0x2, s1  }
0x8: {  	_ =	strace $0x80000050;
	s5 =	sshll.u32 s1, $0x4;
	s9 =	sshrl.u32 s3, $0x1  }
0x9: {  	s5 =	sor.u32 s10, s5;
	s10 =	smul.u32 $0x2800, s10;
	s26 =	sshrl.u32 s8, $0x2  }
0xa: {  	s1 =	smul.u32 $0x28000, s1;
	s3 =	ssub.s32 s3, s9;
	s9 =	sadd.s32 s26, s2  }
0xb: {  	s8 =	smul.u32 $0x2800, s5;
	s11 =	sadd.s32 s10, s2;
	[dreg:$0x4] =	wrdreg s9  }
0xc: {  	s3 =	smax.u32 s3, $0x1;
	s12 =	sadd.s32 $0x800, s9;
	[dreg:$0x5] =	wrdreg s11  }
0xd: {  	s13 =	sadd.s32 $0x1000, s9;
	s15 =	sadd.s32 $0x1800, s9;
	[dreg:$0x6] =	wrdreg s3  }
0xe: {  	s16 =	sadd.s32 s1, s10;
	s17 =	sadd.s32 $0x800, s10;
	[dreg:$0x7] =	wrdreg s12  }
0xf: {  	s9 =	sadd.s32 $0x2000, s9;
	s20 =	sadd.s32 $0x1000, s10;
	[dreg:$0x8] =	wrdreg s13  }
0x10: {  	s23 =	sadd.s32 $0x1800, s10;
	s25 =	sadd.s32 $0x2000, s10;
	[dreg:$0x9] =	wrdreg s15  }
0x11: {  	s10 =	simm.s32 $0x1;
	[dreg:$0xa] =	wrdreg s9;
	s3 =	sshrl.u32 s16, $0x3  }
0x12: {  	s18 =	sadd.s32 s1, s17;
	s5 =	sadd.s32 s17, s2;
	s21 =	sadd.s32 s1, s20  }
0x13: {  	s22 =	sadd.s32 s20, s2;
	s24 =	sadd.s32 s1, s23;
	s1 =	sadd.s32 s1, s25  }
0x14: {  	s26 =	sadd.s32 s25, s2;
	s25 =	simm.s32 $0x2800;
	s11 =	simm.s32 $0x2  }
0x15: {  	s13 =	simm.s32 $0x5;
	s15 =	simm.s32 $0x3;
	s17 =	simm.s32 $0x6  }
0x16: {  	s20 =	simm.s32 $0x1580;
	s9 =	simm.s32 $0x1380;
	s12 =	simm.s32 $0x2780  }
0x17: {  	s16 =	simm.s32 $0x0;
	s3 =	sadd.s32 s0, s3;
	[dreg:$0xc] =	wrdreg s5  }
0x18: {  	s19 =	sshrl.u32 s18, $0x3;
	[dreg:$0xe] =	wrdreg s22;
	s5 =	sadd.s32 s23, s2  }
0x19: {  	[dreg:$0x12] =	wrdreg s26;
	s1 =	sshrl.u32 s1, $0x3;
	s26 =	simm.s32 $0x9  }
0x1a: {  	s18 =	simm.s32 $0x280;
	[dreg:$0xb] =	wrdreg s3;
	s3 =	sadd.s32 s0, s19  }
0x1b: {  	s22 =	simm.s32 $0x8;
	[dreg:$0xd] =	wrdreg s3;
	s3 =	sshrl.u32 s21, $0x3  }
0x1c: {  	s23 =	simm.s32 $0x1300;
	[dreg:$0x10] =	wrdreg s5;
	s3 =	sadd.s32 s0, s3  }
0x1d: {  	s19 =	simm.s32 $0x4;
	[dreg:$0xf] =	wrdreg s3;
	s3 =	sshrl.u32 s24, $0x3  }
0x1e: {  	s5 =	simm.s32 $0x2700;
	s21 =	simm.s32 $0x7;
	s3 =	sadd.s32 s0, s3  }
0x1f: {  	s24 =	simm.s32 $0x2600;
	s0 =	sadd.s32 s0, s1;
	[dreg:$0x11] =	wrdreg s3  }
0x20: {  	s1 =	simm.s32 $0x4000;
	[dreg:$0x13] =	wrdreg s0;
	s0 =	simm.s32 $0x3800  }
.LBB2_1:
0x21: {  	[dreg:$0x14] =	wrdreg s16  }
0x22: {  	s3 =	rddreg [dreg:$0x1]  }
0x23: {  	[tilespmem:s25], [sflag:$0x9] =	stream.linear.gather [hbm4b:s3+s14], $0x800, $0x38;
	[tilespmem:$0x7000] =	vst v63  }
0x24: {  	_ =	swait.ge [sflag:s26], $0x800  }
0x25: {  	[sflag:s26] =	ssyncset.done $0x0  }
0x26: {  	s16 =	rddreg [dreg:$0x4];
	[sflag:s26] =	ssyncadd.s32 $0xFFFFF800  }
0x27: {  	[spmem:s16] =	stream.linear.scatter [tilespmem:s25], [sflag:$0x9], $0x800, $0x38;
	[tilespmem:$0x7000] =	vst v63  }
0x28: {  	_ =	swait.ge [sflag:s26], $0x800  }
0x29: {  	[sflag:s26] =	ssyncset.done $0x0  }
0x2a: {  	s14 =	rddreg [dreg:$0x7];
	[sflag:s26] =	ssyncadd.s32 $0xFFFFF800  }
0x2b: {  	[spmem:s14] =	stream.linear.scatter [tilespmem:s25], [sflag:$0x9], $0x800, $0x38;
	[tilespmem:$0x7000] =	vst v63  }
0x2c: {  	_ =	swait.ge [sflag:s26], $0x800  }
0x2d: {  	[sflag:s26] =	ssyncset.done $0x0  }
0x2e: {  	s16 =	rddreg [dreg:$0x8];
	[sflag:s26] =	ssyncadd.s32 $0xFFFFF800  }
0x2f: {  	[spmem:s16] =	stream.linear.scatter [tilespmem:s25], [sflag:$0x9], $0x800, $0x38;
	[tilespmem:$0x7000] =	vst v63  }
0x30: {  	_ =	swait.ge [sflag:s26], $0x800  }
0x31: {  	[sflag:s26] =	ssyncset.done $0x0  }
0x32: {  	s14 =	rddreg [dreg:$0x9];
	[sflag:s26] =	ssyncadd.s32 $0xFFFFF800  }
0x33: {  	[spmem:s14] =	stream.linear.scatter [tilespmem:s25], [sflag:$0x9], $0x800, $0x38;
	[tilespmem:$0x7000] =	vst v63  }
0x34: {  	_ =	swait.ge [sflag:s26], $0x800  }
0x35: {  	[sflag:s26] =	ssyncset.done $0x0  }
0x36: {  	s16 =	rddreg [dreg:$0xa];
	[sflag:s26] =	ssyncadd.s32 $0xFFFFF800  }
0x37: {  	[spmem:s16] =	stream.linear.scatter [tilespmem:s25], [sflag:$0x9], $0x800, $0x38;
	[tilespmem:$0x7000] =	vst v63  }
0x38: {  	_ =	swait.ge [sflag:s26], $0x800  }
0x39: {  	[sflag:s26] =	ssyncset.done $0x0  }
0x3a: {  	[sflag:s26] =	ssyncadd.s32 $0xFFFFF800  }
0x3b: {  	p1 =	por $0x1, $0x1;
	s3 =	simm.s32 $0x0;
	[bflag:$0x0] =	sbarrier.arrive $0xFFFF  }
.LBB2_2:
0x3c: {  	s3 =	sadd.s32 s8, s3  }
0x3d: {  	s3 =	sshrl.u32 s3, $0x3  }
0x3e: {  	s16 =	simm.s32 $0x0;
	s14 =	sadd.s32 s6, s3  }
0x3f: {  	[tilespmem:s16], [sflag:$0x9] =	stream.linear.gather [hbm4b:s14+s16], $0x1400, $0x38;
	[tilespmem:$0x7000] =	vst v63  }
0x40: {  	_ =	swait.ge [sflag:s26], $0x1400  }
0x41: {  	[sflag:s26] =	ssyncset.done $0x0  }
0x42: {  	s3 =	sadd.s32 s7, s3;
	[sflag:s26] =	ssyncadd.s32 $0xFFFFEC00  }
0x43: {  	[tilespmem:s28], [sflag:$0x9] =	stream.linear.gather [hbm4b:s3+s16], $0x1400, $0x38;
	[tilespmem:$0x7000] =	vst v63  }
0x44: {  	_ =	swait.ge [sflag:s26], $0x1400  }
0x45: {  	[sflag:s26] =	ssyncset.done $0x0  }
0x46: {  	[sflag:s26] =	ssyncadd.s32 $0xFFFFEC00  }
0x47: {  	[tilespmem:s25], [sflag:$0x1] =	stream.indirect.gather [hbm4b:s4+s29], $0x10, s16, s29, $0xb8;
	[tilespmem:$0x7000] =	vst v63  }
0x48: {  	_ = 	snop  }
0x49: {  	[tilespmem:s30], [sflag:$0x2] =	stream.indirect.gather [hbm4b:s4+s29], $0x10, s29, s29, $0xb8;
	[tilespmem:$0x7000] =	vst v63  }
0x4a: {  	s14 =	simm.s32 $0x100  }
0x4b: {  	[tilespmem:s0], [sflag:$0x3] =	stream.indirect.gather [hbm4b:s4+s29], $0x10, s14, s29, $0xb8;
	[tilespmem:$0x7000] =	vst v63  }
0x4c: {  	s16 =	simm.s32 $0x180  }
0x4d: {  	[tilespmem:s1], [sflag:$0x4] =	stream.indirect.gather [hbm4b:s4+s29], $0x10, s16, s29, $0xb8;
	[tilespmem:$0x7000] =	vst v63  }
0x4e: {  	_ =	swait.ge [sflag:s10], $0x800  }
0x4f: {  	[sflag:s10] =	ssyncset.done $0x0  }
0x50: {  	[sflag:s10] =	ssyncadd.s32 $0xFFFFF800  }
0x51: {  	[spmem:s2] =	stream.indirect.scatter.add.f32 [tilespmem:s25], [sflag:$0x5], $0x10, s28, s29, $0xb8;
	[tilespmem:$0x7000] =	vst v63  }
0x52: {  	_ =	swait.ge [sflag:s11], $0x800  }
0x53: {  	[sflag:s11] =	ssyncset.done $0x0  }
0x54: {  	s14 =	simm.s32 $0x1480;
	[sflag:s11] =	ssyncadd.s32 $0xFFFFF800  }
0x55: {  	[spmem:s2] =	stream.indirect.scatter.add.f32 [tilespmem:s30], [sflag:$0x6], $0x10, s14, s29, $0xb8;
	[tilespmem:$0x7000] =	vst v63  }
0x56: {  	_ =	swait.ge [sflag:s13], $0x800  }
0x57: {  	[sflag:s13] =	ssyncset.done $0x0  }
0x58: {  	s16 =	simm.s32 $0x200;
	[sflag:s13] =	ssyncadd.s32 $0xFFFFF800  }
0x59: {  	[tilespmem:s25], [sflag:$0x1] =	stream.indirect.gather [hbm4b:s4+s29], $0x10, s16, s29, $0xb8;
	[tilespmem:$0x7000] =	vst v63  }
0x5a: {  	_ =	swait.ge [sflag:s15], $0x800  }
0x5b: {  	[sflag:s15] =	ssyncset.done $0x0  }
0x5c: {  	s14 =	simm.s32 $0x1500;
	[sflag:s15] =	ssyncadd.s32 $0xFFFFF800  }
0x5d: {  	[spmem:s2] =	stream.indirect.scatter.add.f32 [tilespmem:s0], [sflag:$0x7], $0x10, s14, s29, $0xb8;
	[tilespmem:$0x7000] =	vst v63  }
0x5e: {  	_ =	swait.ge [sflag:s17], $0x800  }
0x5f: {  	[sflag:s17] =	ssyncset.done $0x0  }
0x60: {  	[sflag:s17] =	ssyncadd.s32 $0xFFFFF800  }
0x61: {  	[tilespmem:s30], [sflag:$0x2] =	stream.indirect.gather [hbm4b:s4+s29], $0x10, s18, s29, $0xb8;
	[tilespmem:$0x7000] =	vst v63  }
0x62: {  	_ =	swait.ge [sflag:s19], $0x800  }
0x63: {  	[sflag:s19] =	ssyncset.done $0x0  }
0x64: {  	[sflag:s19] =	ssyncadd.s32 $0xFFFFF800  }
0x65: {  	[spmem:s2] =	stream.indirect.scatter.add.f32 [tilespmem:s1], [sflag:$0x8], $0x10, s20, s29, $0xb8;
	[tilespmem:$0x7000] =	vst v63  }
0x66: {  	_ =	swait.ge [sflag:s21], $0x800  }
0x67: {  	[sflag:s21] =	ssyncset.done $0x0  }
0x68: {  	s16 =	simm.s32 $0x300;
	[sflag:s21] =	ssyncadd.s32 $0xFFFFF800  }
0x69: {  	[tilespmem:s0], [sflag:$0x3] =	stream.indirect.gather [hbm4b:s4+s29], $0x10, s16, s29, $0xb8;
	[tilespmem:$0x7000] =	vst v63  }
0x6a: {  	_ =	swait.ge [sflag:s10], $0x800  }
0x6b: {  	[sflag:s10] =	ssyncset.done $0x0  }
0x6c: {  	s14 =	simm.s32 $0x1600;
	[sflag:s10] =	ssyncadd.s32 $0xFFFFF800  }
0x6d: {  	[spmem:s2] =	stream.indirect.scatter.add.f32 [tilespmem:s25], [sflag:$0x5], $0x10, s14, s29, $0xb8;
	[tilespmem:$0x7000] =	vst v63  }
0x6e: {  	_ =	swait.ge [sflag:s22], $0x800  }
0x6f: {  	[sflag:s22] =	ssyncset.done $0x0  }
0x70: {  	s16 =	simm.s32 $0x380;
	[sflag:s22] =	ssyncadd.s32 $0xFFFFF800  }
0x71: {  	[tilespmem:s1], [sflag:$0x4] =	stream.indirect.gather [hbm4b:s4+s29], $0x10, s16, s29, $0xb8;
	[tilespmem:$0x7000] =	vst v63  }
0x72: {  	_ =	swait.ge [sflag:s11], $0x800  }
0x73: {  	[sflag:s11] =	ssyncset.done $0x0  }
0x74: {  	s14 =	simm.s32 $0x1680;
	[sflag:s11] =	ssyncadd.s32 $0xFFFFF800  }
0x75: {  	[spmem:s2] =	stream.indirect.scatter.add.f32 [tilespmem:s30], [sflag:$0x6], $0x10, s14, s29, $0xb8;
	[tilespmem:$0x7000] =	vst v63  }
0x76: {  	_ =	swait.ge [sflag:s13], $0x800  }
0x77: {  	[sflag:s13] =	ssyncset.done $0x0  }
0x78: {  	s16 =	simm.s32 $0x400;
	[sflag:s13] =	ssyncadd.s32 $0xFFFFF800  }
0x79: {  	[tilespmem:s25], [sflag:$0x1] =	stream.indirect.gather [hbm4b:s4+s29], $0x10, s16, s29, $0xb8;
	[tilespmem:$0x7000] =	vst v63  }
0x7a: {  	_ =	swait.ge [sflag:s15], $0x800  }
0x7b: {  	[sflag:s15] =	ssyncset.done $0x0  }
0x7c: {  	s14 =	simm.s32 $0x1700;
	[sflag:s15] =	ssyncadd.s32 $0xFFFFF800  }
0x7d: {  	[spmem:s2] =	stream.indirect.scatter.add.f32 [tilespmem:s0], [sflag:$0x7], $0x10, s14, s29, $0xb8;
	[tilespmem:$0x7000] =	vst v63  }
0x7e: {  	_ =	swait.ge [sflag:s17], $0x800  }
0x7f: {  	[sflag:s17] =	ssyncset.done $0x0  }
0x80: {  	s16 =	simm.s32 $0x480;
	[sflag:s17] =	ssyncadd.s32 $0xFFFFF800  }
0x81: {  	[tilespmem:s30], [sflag:$0x2] =	stream.indirect.gather [hbm4b:s4+s29], $0x10, s16, s29, $0xb8;
	[tilespmem:$0x7000] =	vst v63  }
0x82: {  	_ =	swait.ge [sflag:s19], $0x800  }
0x83: {  	p0 =	por p1, p1;
	[sflag:s19] =	ssyncset.done $0x0  }
0x84: {  	s3 =	simm.s32 $0x800;
	s14 =	simm.s32 $0x1780;
	[sflag:s19] =	ssyncadd.s32 $0xFFFFF800  }
.LBB2_3:
0x85: {  	[spmem:s2] =	stream.indirect.scatter.add.f32 [tilespmem:s1], [sflag:$0x8], $0x10, s14, s29, $0xb8;
	[tilespmem:$0x7000] =	vst v63  }
0x86: {  	s14 =	smov.u32 s3  }
0x87: {  	p1 =	sne.s32 s3, $0x3800;
	s3 =	sadd.s32 $0x800, s3;
	_ =	swait.ge [sflag:s21], $0x800  }
0x88: {  	s14 =	sshra.s32 s14, $0x2;
	[sflag:s21] =	ssyncset.done $0x0  }
0x89: {  	s16 =	sadd.s32 $0x300, s14;
	[sflag:s21] =	ssyncadd.s32 $0xFFFFF800  }
0x8a: {  	[tilespmem:s0], [sflag:$0x3] =	stream.indirect.gather [hbm4b:s4+s29], $0x10, s16, s29, $0xb8;
	[tilespmem:$0x7000] =	vst v63  }
0x8b: {  	_ =	swait.ge [sflag:s10], $0x800  }
0x8c: {  	[sflag:s10] =	ssyncset.done $0x0  }
0x8d: {  	s16 =	sadd.s32 $0x1600, s14;
	[sflag:s10] =	ssyncadd.s32 $0xFFFFF800  }
0x8e: {  	[spmem:s2] =	stream.indirect.scatter.add.f32 [tilespmem:s25], [sflag:$0x5], $0x10, s16, s29, $0xb8;
	[tilespmem:$0x7000] =	vst v63  }
0x8f: {  	_ =	swait.ge [sflag:s22], $0x800  }
0x90: {  	[sflag:s22] =	ssyncset.done $0x0  }
0x91: {  	s16 =	sadd.s32 $0x380, s14;
	[sflag:s22] =	ssyncadd.s32 $0xFFFFF800  }
0x92: {  	[tilespmem:s1], [sflag:$0x4] =	stream.indirect.gather [hbm4b:s4+s29], $0x10, s16, s29, $0xb8;
	[tilespmem:$0x7000] =	vst v63  }
0x93: {  	_ =	swait.ge [sflag:s11], $0x800  }
0x94: {  	[sflag:s11] =	ssyncset.done $0x0  }
0x95: {  	s16 =	sadd.s32 $0x1680, s14;
	[sflag:s11] =	ssyncadd.s32 $0xFFFFF800  }
0x96: {  	[spmem:s2] =	stream.indirect.scatter.add.f32 [tilespmem:s30], [sflag:$0x6], $0x10, s16, s29, $0xb8;
	[tilespmem:$0x7000] =	vst v63  }
0x97: {  	_ =	swait.ge [sflag:s13], $0x800  }
0x98: {  	[sflag:s13] =	ssyncset.done $0x0  }
0x99: {  	s16 =	sadd.s32 $0x400, s14;
	[sflag:s13] =	ssyncadd.s32 $0xFFFFF800  }
0x9a: {  	[tilespmem:s25], [sflag:$0x1] =	stream.indirect.gather [hbm4b:s4+s29], $0x10, s16, s29, $0xb8;
	[tilespmem:$0x7000] =	vst v63  }
0x9b: {  	_ =	swait.ge [sflag:s15], $0x800  }
0x9c: {  	[sflag:s15] =	ssyncset.done $0x0  }
0x9d: {  	s16 =	sadd.s32 $0x1700, s14;
	[sflag:s15] =	ssyncadd.s32 $0xFFFFF800  }
0x9e: {  	[spmem:s2] =	stream.indirect.scatter.add.f32 [tilespmem:s0], [sflag:$0x7], $0x10, s16, s29, $0xb8;
	[tilespmem:$0x7000] =	vst v63  }
0x9f: {  	_ =	swait.ge [sflag:s17], $0x800  }
0xa0: {  	[sflag:s17] =	ssyncset.done $0x0  }
.Ltmp0:
0xa1: {  	s16 =	sadd.s32 $0x480, s14;
	[sflag:s17] =	ssyncadd.s32 $0xFFFFF800;
	(pc) =	sbr.rel @p1 .LBB2_3-.Ltmp0, $4  }
0xa2: {  	[tilespmem:s30], [sflag:$0x2] =	stream.indirect.gather [hbm4b:s4+s29], $0x10, s16, s29, $0xb8;
	[tilespmem:$0x7000] =	vst v63  }
0xa3: {  	_ =	swait.ge [sflag:s19], $0x800  }
0xa4: {  	[sflag:s19] =	ssyncset.done $0x0  }
0xa5: {  	s14 =	sadd.s32 $0x1780, s14;
	[sflag:s19] =	ssyncadd.s32 $0xFFFFF800  }
0xa6: {  	[spmem:s2] =	stream.indirect.scatter.add.f32 [tilespmem:s1], [sflag:$0x8], $0x10, s14, s29, $0xb8;
	[tilespmem:$0x7000] =	vst v63  }
0xa7: {  	_ =	swait.ge [sflag:s21], $0x800  }
0xa8: {  	[sflag:s21] =	ssyncset.done $0x0  }
0xa9: {  	[sflag:s21] =	ssyncadd.s32 $0xFFFFF800  }
0xaa: {  	[tilespmem:s0], [sflag:$0x3] =	stream.indirect.gather [hbm4b:s4+s29], $0x10, s23, s29, $0xb8;
	[tilespmem:$0x7000] =	vst v63  }
0xab: {  	_ =	swait.ge [sflag:s10], $0x800  }
0xac: {  	[sflag:s10] =	ssyncset.done $0x0  }
0xad: {  	[sflag:s10] =	ssyncadd.s32 $0xFFFFF800  }
0xae: {  	[spmem:s2] =	stream.indirect.scatter.add.f32 [tilespmem:s25], [sflag:$0x5], $0x10, s24, s29, $0xb8;
	[tilespmem:$0x7000] =	vst v63  }
0xaf: {  	_ =	swait.ge [sflag:s22], $0x800  }
0xb0: {  	[sflag:s22] =	ssyncset.done $0x0  }
0xb1: {  	[sflag:s22] =	ssyncadd.s32 $0xFFFFF800  }
0xb2: {  	[tilespmem:s1], [sflag:$0x4] =	stream.indirect.gather [hbm4b:s4+s29], $0x10, s9, s29, $0xb8;
	[tilespmem:$0x7000] =	vst v63  }
0xb3: {  	_ =	swait.ge [sflag:s11], $0x800  }
0xb4: {  	[sflag:s11] =	ssyncset.done $0x0  }
0xb5: {  	[sflag:s11] =	ssyncadd.s32 $0xFFFFF800  }
0xb6: {  	[spmem:s2] =	stream.indirect.scatter.add.f32 [tilespmem:s30], [sflag:$0x6], $0x10, s31, s29, $0xb8;
	[tilespmem:$0x7000] =	vst v63  }
0xb7: {  	_ =	swait.ge [sflag:s13], $0x800  }
0xb8: {  	[sflag:s13] =	ssyncset.done $0x0  }
0xb9: {  	s14 =	simm.s32 $0x0;
	[sflag:s13] =	ssyncadd.s32 $0xFFFFF800  }
0xba: {  	[tilespmem:s25], [sflag:$0x1] =	stream.indirect.gather [hbm4b:s4+s29], $0x10, s14, s29, $0xb8;
	[tilespmem:$0x7000] =	vst v63  }
0xbb: {  	_ =	swait.ge [sflag:s15], $0x800  }
0xbc: {  	[sflag:s15] =	ssyncset.done $0x0  }
0xbd: {  	[sflag:s15] =	ssyncadd.s32 $0xFFFFF800  }
0xbe: {  	[spmem:s2] =	stream.indirect.scatter.add.f32 [tilespmem:s0], [sflag:$0x7], $0x10, s5, s29, $0xb8;
	[tilespmem:$0x7000] =	vst v63  }
0xbf: {  	_ =	swait.ge [sflag:s17], $0x800  }
0xc0: {  	[sflag:s17] =	ssyncset.done $0x0  }
0xc1: {  	[sflag:s17] =	ssyncadd.s32 $0xFFFFF800  }
0xc2: {  	[tilespmem:s30], [sflag:$0x2] =	stream.indirect.gather [hbm4b:s4+s29], $0x10, s29, s29, $0xb8;
	[tilespmem:$0x7000] =	vst v63  }
0xc3: {  	_ =	swait.ge [sflag:s19], $0x800  }
0xc4: {  	[sflag:s19] =	ssyncset.done $0x0  }
0xc5: {  	[sflag:s19] =	ssyncadd.s32 $0xFFFFF800  }
0xc6: {  	[spmem:s2] =	stream.indirect.scatter.add.f32 [tilespmem:s1], [sflag:$0x8], $0x10, s12, s29, $0xb8;
	[tilespmem:$0x7000] =	vst v63  }
0xc7: {  	_ =	swait.ge [sflag:s10], $0x800  }
0xc8: {  	[sflag:s10] =	ssyncset.done $0x0  }
0xc9: {  	[sflag:s10] =	ssyncadd.s32 $0xFFFFF800  }
0xca: {  	_ =	swait.ge [sflag:s11], $0x800  }
0xcb: {  	[sflag:s11] =	ssyncset.done $0x0  }
0xcc: {  	[sflag:s11] =	ssyncadd.s32 $0xFFFFF800  }
0xcd: {  	_ =	swait.ge [sflag:s21], $0x800  }
.Ltmp1:
0xce: {  	[sflag:s21] =	ssyncset.done $0x0;
	(pc) =	sbr.rel @p0 .LBB2_2-.Ltmp1, $4  }
0xcf: {  	[sflag:s21] =	ssyncadd.s32 $0xFFFFF800  }
0xd0: {  	_ =	swait.ge [sflag:s22], $0x800  }
0xd1: {  	[sflag:s22] =	ssyncset.done $0x0  }
0xd2: {  	s3 =	simm.s32 $0x1400;
	p1 =	por $0x0, $0x0;
	[sflag:s22] =	ssyncadd.s32 $0xFFFFF800  }
0xd3: {  	[bflag:$0x0] =	sbarrier.arrive $0xFFFF  }
0xd4: {  	s3 =	rddreg [dreg:$0x5]  }
0xd5: {  	[tilespmem:s25], [sflag:$0x9] =	stream.linear.gather [spmem:s3], $0x800, $0x38;
	[tilespmem:$0x7000] =	vst v63  }
0xd6: {  	_ =	swait.ge [sflag:s26], $0x800  }
0xd7: {  	[sflag:s26] =	ssyncset.done $0x0  }
0xd8: {  	s16 =	rddreg [dreg:$0xb];
	[sflag:s26] =	ssyncadd.s32 $0xFFFFF800  }
0xd9: {  	[hbm4b:s16+s14] =	stream.linear.scatter [tilespmem:s25], [sflag:$0x9], $0x800, $0x38;
	[tilespmem:$0x7000] =	vst v63  }
0xda: {  	_ =	swait.ge [sflag:s26], $0x800  }
0xdb: {  	[sflag:s26] =	ssyncset.done $0x0  }
0xdc: {  	s16 =	rddreg [dreg:$0xc];
	[sflag:s26] =	ssyncadd.s32 $0xFFFFF800  }
0xdd: {  	[tilespmem:s25], [sflag:$0x9] =	stream.linear.gather [spmem:s16], $0x800, $0x38;
	[tilespmem:$0x7000] =	vst v63  }
0xde: {  	_ =	swait.ge [sflag:s26], $0x800  }
0xdf: {  	[sflag:s26] =	ssyncset.done $0x0  }
0xe0: {  	s16 =	rddreg [dreg:$0xd];
	[sflag:s26] =	ssyncadd.s32 $0xFFFFF800  }
0xe1: {  	[hbm4b:s16+s14] =	stream.linear.scatter [tilespmem:s25], [sflag:$0x9], $0x800, $0x38;
	[tilespmem:$0x7000] =	vst v63  }
0xe2: {  	_ =	swait.ge [sflag:s26], $0x800  }
0xe3: {  	[sflag:s26] =	ssyncset.done $0x0  }
0xe4: {  	s16 =	rddreg [dreg:$0xe];
	[sflag:s26] =	ssyncadd.s32 $0xFFFFF800  }
0xe5: {  	[tilespmem:s25], [sflag:$0x9] =	stream.linear.gather [spmem:s16], $0x800, $0x38;
	[tilespmem:$0x7000] =	vst v63  }
0xe6: {  	_ =	swait.ge [sflag:s26], $0x800  }
0xe7: {  	[sflag:s26] =	ssyncset.done $0x0  }
0xe8: {  	s16 =	rddreg [dreg:$0xf];
	[sflag:s26] =	ssyncadd.s32 $0xFFFFF800  }
0xe9: {  	[hbm4b:s16+s14] =	stream.linear.scatter [tilespmem:s25], [sflag:$0x9], $0x800, $0x38;
	[tilespmem:$0x7000] =	vst v63  }
0xea: {  	_ =	swait.ge [sflag:s26], $0x800  }
0xeb: {  	[sflag:s26] =	ssyncset.done $0x0  }
0xec: {  	s16 =	rddreg [dreg:$0x10];
	[sflag:s26] =	ssyncadd.s32 $0xFFFFF800  }
0xed: {  	[tilespmem:s25], [sflag:$0x9] =	stream.linear.gather [spmem:s16], $0x800, $0x38;
	[tilespmem:$0x7000] =	vst v63  }
0xee: {  	_ =	swait.ge [sflag:s26], $0x800  }
0xef: {  	[sflag:s26] =	ssyncset.done $0x0  }
0xf0: {  	s16 =	rddreg [dreg:$0x11];
	[sflag:s26] =	ssyncadd.s32 $0xFFFFF800  }
0xf1: {  	[hbm4b:s16+s14] =	stream.linear.scatter [tilespmem:s25], [sflag:$0x9], $0x800, $0x38;
	[tilespmem:$0x7000] =	vst v63  }
0xf2: {  	_ =	swait.ge [sflag:s26], $0x800  }
0xf3: {  	[sflag:s26] =	ssyncset.done $0x0  }
0xf4: {  	s16 =	rddreg [dreg:$0x12];
	[sflag:s26] =	ssyncadd.s32 $0xFFFFF800  }
0xf5: {  	[tilespmem:s25], [sflag:$0x9] =	stream.linear.gather [spmem:s16], $0x800, $0x38;
	[tilespmem:$0x7000] =	vst v63  }
0xf6: {  	_ =	swait.ge [sflag:s26], $0x800  }
0xf7: {  	[sflag:s26] =	ssyncset.done $0x0  }
0xf8: {  	s16 =	rddreg [dreg:$0x13];
	[sflag:s26] =	ssyncadd.s32 $0xFFFFF800  }
0xf9: {  	[hbm4b:s16+s14] =	stream.linear.scatter [tilespmem:s25], [sflag:$0x9], $0x800, $0x38;
	[tilespmem:$0x7000] =	vst v63  }
0xfa: {  	_ =	swait.ge [sflag:s26], $0x800  }
0xfb: {  	s16 =	rddreg [dreg:$0x14]  }
0xfc: {  	s3 =	rddreg [dreg:$0x6];
	s16 =	sadd.s32 $0x1, s16  }
0xfd: {  	p0 =	sne.s32 s16, s3  }
.Ltmp2:
0xfe: {  	_ = 	snop;
	(pc) =	sbr.rel @p0 .LBB2_1-.Ltmp2, $3  }
0xff: {  	_ =	sdelay $0x1  }
0x100: {  	[sflag:s26] =	ssyncset.done $0x0  }
0x101: {  	[sflag:s26] =	ssyncadd.s32 $0xFFFFF800  }
0x102: {  	_ =	sfence.sel $0x180000  }
0x103: {  	[bflag:$0x0] =	sbarrier.arrive $0xFFFF  }
0x104: {  	_ =	strace $0x90000050  }
0x105: {  	s0 =	stileid.u32;
	[bflag:$0x2] =	sbarrier.arrive $0xFFFF  }
0x106: {  	p0 =	sne.s32 s0, $0x0;
	s0 =	rddreg [dreg:$0x3]  }
0x107: {  	s0 =	sadd.s32 @!p0 $0x100000, s0  }
0x108: {  	[sflag:s0] =	ssyncadd.tile.s32 @!p0 $0x1;
	_ =	shalt  }
.Lfunc_end2:
_tile_overlayer_lowered:
.L_overlay_start_2:
0x109: {  	(tag) =	ssettag $0x2  }
0x10a: {  	s0 =	rddreg [dreg:$0x0];
	s2 =	stileid.u32  }
0x10b: {  	s1 =	rddreg [dreg:$0x1];
	p0 =	sne.s32 s2, $0x0  }
0x10c: {  	s3 =	rddreg [dreg:$0x2];
	[bflag:$0x3] =	sbarrier.arrive $0xFFFF;
	s2 =	simm.s32 @!p0 $0x1C09  }
0x10d: {  	[timem:s3], [sflag:s2] =	dma.local @!p0 [hbm:s0], s1  }
0x10e: {  	s0 =	simm.s32 @!p0 $0x9  }
0x10f: {  	_ =	swait.ge @!p0 [sflag:s0], s1  }
0x110: {  	s1 =	ssub.s32 @!p0 $0x0, s1;
	[sflag:s0] =	ssyncset.done @!p0 $0x0  }
0x111: {  	[sflag:s0] =	ssyncadd.s32 @!p0 s1  }
0x112: {  	[bflag:$0x3] =	sbarrier.arrive $0xFFFF  }
0x113: {  	_ =	shalt  }

</sc_bundles>
